<compile_context>
chip_gen: v7x
topology: tpu7x:2x2x1
jax: 0.10.2.dev20260603
libtpu: 0.0.44.dev20260713+nightly
codegen_flags: <defaults>
</compile_context>

<pallas_src>
import jax
import jax.numpy as jnp
from jax import lax
from jax.experimental import pallas as pl
from jax.experimental.pallas import tpu as pltpu
from jax.experimental.pallas import tpu_sc as plsc

NC = 2
NS = 16
NW = NC * NS

L = 128
R = 10
CH = L * R


def _gather_body(table_hbm, idx_hbm, out_hbm,
                 idx_v0, idx_v1, rows_v0, rows_v1,
                 sem_i0, sem_i1, sem_g0, sem_g1, sem_o0, sem_o1):
    idx_v = (idx_v0, idx_v1)
    rows_v = (rows_v0, rows_v1)
    sem_i = (sem_i0, sem_i1)
    sem_g = (sem_g0, sem_g1)
    sem_o = (sem_o0, sem_o1)

    wid = lax.axis_index("s") * NC + lax.axis_index("c")
    rows_per_w = idx_hbm.shape[0] // NW
    n_chunks = rows_per_w // R
    pairs = n_chunks // 2
    base_row = wid * rows_per_w

    def idx_copy(g, b):
        return pltpu.make_async_copy(
            idx_hbm.at[pl.ds(base_row + g * R, R)], idx_v[b], sem_i[b])

    def gather_copy(b, j):
        return pltpu.make_async_copy(
            table_hbm.at[idx_v[b].at[j]],
            rows_v[b].at[pl.ds(j * L, L)], sem_g[b])

    def out_copy(g, b):
        return pltpu.make_async_copy(
            rows_v[b], out_hbm.at[pl.ds((base_row + g * R) * L, CH)], sem_o[b])

    def gather_start(b):
        for j in range(R):
            gather_copy(b, j).start()

    def gather_wait(b):
        for j in range(R):
            gather_copy(b, j).wait()

    def pair_body(i, first, last):
        g0 = 2 * i
        g1 = g0 + 1
        idx_copy(g1, 1).wait()
        if not first:
            out_copy(g1 - 2, 1).wait()
        gather_start(1)
        gather_wait(0)
        out_copy(g0, 0).start()
        if not last:
            idx_copy(g0 + 2, 0).start()
            idx_copy(g0 + 2, 0).wait()
            out_copy(g0, 0).wait()
            gather_start(0)
        gather_wait(1)
        out_copy(g1, 1).start()
        if not last:
            idx_copy(g1 + 2, 1).start()

    idx_copy(0, 0).start()
    idx_copy(0, 0).wait()
    gather_start(0)
    idx_copy(1, 1).start()

    pair_body(0, True, pairs == 1)
    if pairs > 2:
        def loop_body(i, carry):
            pair_body(i, False, False)
            return carry
        lax.fori_loop(1, pairs - 1, loop_body, 0)
    if pairs > 1:
        pair_body(pairs - 1, False, True)

    out_copy(n_chunks - 2, 0).wait()
    out_copy(n_chunks - 1, 1).wait()


def kernel(input, table):
    B, H = input.shape
    V, D = table.shape
    b_flat = B * H
    idx2d = input.reshape(b_flat // L, L).astype(jnp.int32)

    mesh = plsc.VectorSubcoreMesh(core_axis_name="c", subcore_axis_name="s")
    out = pl.kernel(
        _gather_body,
        out_type=jax.ShapeDtypeStruct((b_flat, D), jnp.float32),
        scratch_types=[
            pltpu.VMEM((R, L), jnp.int32),
            pltpu.VMEM((R, L), jnp.int32),
            pltpu.VMEM((CH, D), jnp.float32),
            pltpu.VMEM((CH, D), jnp.float32),
            pltpu.SemaphoreType.DMA,
            pltpu.SemaphoreType.DMA,
            pltpu.SemaphoreType.DMA,
            pltpu.SemaphoreType.DMA,
            pltpu.SemaphoreType.DMA,
            pltpu.SemaphoreType.DMA,
        ],
        mesh=mesh,
        compiler_params=pltpu.CompilerParams(use_tc_tiling_on_sc=False),
    )(table, idx2d)
    return out.reshape(B, H, D)

# --- scband reference (transcript-rebuilt; emitter-appended) ---
"""Pipeline reference for scband-embedder-28793460753149 (READ-ONLY COPY).

The authoritative reference and input builder live on the scoring server;
editing this copy changes nothing except your own understanding.
"""

import jax, jax.numpy as jnp
import numpy as np

VOCAB = 1000000
EMBED_DIM = 32
BATCH = 16384
HIST = 200


def setup_inputs(seed: int = 0) -> dict:
    key = jax.random.key(seed)
    k_idx, k_tab = jax.random.split(key)
    input_ids = jax.random.randint(k_idx, (BATCH, HIST), 0, VOCAB, dtype=jnp.int64 if jax.config.jax_enable_x64 else jnp.int32)
    # embedding table (vocab.vectors copied into nn.Embedding weight)
    table = jax.random.normal(k_tab, (VOCAB, EMBED_DIM), dtype=jnp.float32) * 0.02
    return {"input": input_ids, "table": table}


def reference(input, table):
    # torch.nn.Embedding(input) == gather rows of weight by index
    return jnp.take(table, input, axis=0)

if __name__ == "__main__":
    import jax
    _d = setup_inputs()
    print(jax.jit(kernel)(*tuple(_d.values())))

</pallas_src>

<mosaic_0001>
#map = affine_map<(d0, d1) -> (0, 0)>
module attributes {stable_mosaic.version = 14 : i64} {
  func.func @_gather_body(%arg0: i32, %arg1: i32, %arg2: memref<1000000x32xf32, #tpu.memory_space<hbm>>, %arg3: memref<25600x128xi32, #tpu.memory_space<hbm>>, %arg4: memref<3276800x32xf32, #tpu.memory_space<hbm>>, %arg5: memref<10x128xi32, #tpu.memory_space<vmem>>, %arg6: memref<10x128xi32, #tpu.memory_space<vmem>>, %arg7: memref<1280x32xf32, #tpu.memory_space<vmem>>, %arg8: memref<1280x32xf32, #tpu.memory_space<vmem>>, %arg9: memref<!tpu.dma_semaphore, #tpu.memory_space<semaphore_mem>>, %arg10: memref<!tpu.dma_semaphore, #tpu.memory_space<semaphore_mem>>, %arg11: memref<!tpu.dma_semaphore, #tpu.memory_space<semaphore_mem>>, %arg12: memref<!tpu.dma_semaphore, #tpu.memory_space<semaphore_mem>>, %arg13: memref<!tpu.dma_semaphore, #tpu.memory_space<semaphore_mem>>, %arg14: memref<!tpu.dma_semaphore, #tpu.memory_space<semaphore_mem>>) attributes {dimension_semantics = [#tpu.dimension_semantics<core_parallel>, #tpu.dimension_semantics<subcore_parallel>], iteration_bounds = array<i64: 2, 16>, scalar_prefetch = 0 : i64, scratch_operands = 10 : i64, tpu.core_type = #tpu.core_type<sc_vector_subcore>, window_params = [{transform_indices = #map}, {transform_indices = #map}, {transform_indices = #map}]} {
    %mul3A = arith.constant 2 : i32
    %mul3A_0 = arith.muli %arg1, %mul3A : i32
    %add3A = arith.addi %mul3A_0, %arg0 : i32
    %mul3A_1 = arith.constant 800 : i32
    %mul3A_2 = arith.muli %add3A, %mul3A_1 : i32
    %add3A_3 = arith.constant 0 : i32
    %add3A_4 = arith.addi %mul3A_2, %add3A_3 : i32
    %dma_start3A = arith.constant 0 : i32
    %dma_start3A_5 = tpu.memref_slice %arg3[%add3A_4, %dma_start3A] : memref<25600x128xi32, #tpu.memory_space<hbm>> -> memref<10x128xi32, #tpu.memory_space<hbm>>
    %dma_start3A_6 = arith.constant 0 : i32
    %dma_start3A_7 = tpu.memref_slice %arg3[%add3A_4, %dma_start3A_6] : memref<25600x128xi32, #tpu.memory_space<hbm>> -> memref<10x128xi32, #tpu.memory_space<hbm>>
    tpu.enqueue_dma source(%dma_start3A_7 : memref<10x128xi32, #tpu.memory_space<hbm>>) target(%arg5 : memref<10x128xi32, #tpu.memory_space<vmem>>) target_semaphore(%arg9 : memref<!tpu.dma_semaphore, #tpu.memory_space<semaphore_mem>>)
    %add3A_8 = arith.constant 0 : i32
    %add3A_9 = arith.addi %mul3A_2, %add3A_8 : i32
    %dma_wait3A = arith.constant 0 : i32
    %dma_wait3A_10 = tpu.memref_slice %arg3[%add3A_9, %dma_wait3A] : memref<25600x128xi32, #tpu.memory_space<hbm>> -> memref<10x128xi32, #tpu.memory_space<hbm>>
    %dma_wait3A_11 = arith.constant 0 : i32
    %dma_wait3A_12 = tpu.memref_slice %arg3[%add3A_9, %dma_wait3A_11] : memref<25600x128xi32, #tpu.memory_space<hbm>> -> memref<10x128xi32, #tpu.memory_space<hbm>>
    tpu.wait_dma2 semaphore(%arg9 : memref<!tpu.dma_semaphore, #tpu.memory_space<semaphore_mem>>) src(%dma_wait3A_12 : memref<10x128xi32, #tpu.memory_space<hbm>>) dst(%arg5 : memref<10x128xi32, #tpu.memory_space<vmem>>)
    %dma_start3A_13 = arith.constant 0 : i32
    %dma_start3A_14 = arith.constant 0 : i32
    %dma_start3A_15 = arith.constant 0 : i32
    %dma_start3A_16 = tpu.memref_slice %arg7[%dma_start3A_14, %dma_start3A_15] : memref<1280x32xf32, #tpu.memory_space<vmem>> -> memref<128x32xf32, #tpu.memory_space<vmem>>
    %dma_start3A_17 = arith.constant 0 : i32
    %dma_start3A_18 = tpu.memref_slice %arg5[%dma_start3A_13, %dma_start3A_17] : memref<10x128xi32, #tpu.memory_space<vmem>> -> memref<1x128xi32, #tpu.memory_space<vmem>>
    %dma_start3A_19 = tpu.memref_squeeze %dma_start3A_18 : memref<1x128xi32, #tpu.memory_space<vmem>> -> memref<128xi32, #tpu.memory_space<vmem>>
    %dma_start3A_20 = arith.constant 0 : i32
    %dma_start3A_21 = arith.constant 0 : i32
    %dma_start3A_22 = tpu.memref_slice %arg2[%dma_start3A_20, %dma_start3A_21] : memref<1000000x32xf32, #tpu.memory_space<hbm>> -> memref<1000000x32xf32, #tpu.memory_space<hbm>>
    tpu.enqueue_indirect_dma source(%dma_start3A_22 : memref<1000000x32xf32, #tpu.memory_space<hbm>>) target(%dma_start3A_16 : memref<128x32xf32, #tpu.memory_space<vmem>>) offsets(%dma_start3A_19 : memref<128xi32, #tpu.memory_space<vmem>>) semaphore(%arg11 : memref<!tpu.dma_semaphore, #tpu.memory_space<semaphore_mem>>)
    %dma_start3A_23 = arith.constant 1 : i32
    %dma_start3A_24 = arith.constant 128 : i32
    %dma_start3A_25 = arith.constant 0 : i32
    %dma_start3A_26 = tpu.memref_slice %arg7[%dma_start3A_24, %dma_start3A_25] : memref<1280x32xf32, #tpu.memory_space<vmem>> -> memref<128x32xf32, #tpu.memory_space<vmem>>
    %dma_start3A_27 = arith.constant 0 : i32
    %dma_start3A_28 = tpu.memref_slice %arg5[%dma_start3A_23, %dma_start3A_27] : memref<10x128xi32, #tpu.memory_space<vmem>> -> memref<1x128xi32, #tpu.memory_space<vmem>>
    %dma_start3A_29 = tpu.memref_squeeze %dma_start3A_28 : memref<1x128xi32, #tpu.memory_space<vmem>> -> memref<128xi32, #tpu.memory_space<vmem>>
    %dma_start3A_30 = arith.constant 0 : i32
    %dma_start3A_31 = arith.constant 0 : i32
    %dma_start3A_32 = tpu.memref_slice %arg2[%dma_start3A_30, %dma_start3A_31] : memref<1000000x32xf32, #tpu.memory_space<hbm>> -> memref<1000000x32xf32, #tpu.memory_space<hbm>>
    tpu.enqueue_indirect_dma source(%dma_start3A_32 : memref<1000000x32xf32, #tpu.memory_space<hbm>>) target(%dma_start3A_26 : memref<128x32xf32, #tpu.memory_space<vmem>>) offsets(%dma_start3A_29 : memref<128xi32, #tpu.memory_space<vmem>>) semaphore(%arg11 : memref<!tpu.dma_semaphore, #tpu.memory_space<semaphore_mem>>)
    %dma_start3A_33 = arith.constant 2 : i32
    %dma_start3A_34 = arith.constant 256 : i32
    %dma_start3A_35 = arith.constant 0 : i32
    %dma_start3A_36 = tpu.memref_slice %arg7[%dma_start3A_34, %dma_start3A_35] : memref<1280x32xf32, #tpu.memory_space<vmem>> -> memref<128x32xf32, #tpu.memory_space<vmem>>
    %dma_start3A_37 = arith.constant 0 : i32
    %dma_start3A_38 = tpu.memref_slice %arg5[%dma_start3A_33, %dma_start3A_37] : memref<10x128xi32, #tpu.memory_space<vmem>> -> memref<1x128xi32, #tpu.memory_space<vmem>>
    %dma_start3A_39 = tpu.memref_squeeze %dma_start3A_38 : memref<1x128xi32, #tpu.memory_space<vmem>> -> memref<128xi32, #tpu.memory_space<vmem>>
    %dma_start3A_40 = arith.constant 0 : i32
    %dma_start3A_41 = arith.constant 0 : i32
    %dma_start3A_42 = tpu.memref_slice %arg2[%dma_start3A_40, %dma_start3A_41] : memref<1000000x32xf32, #tpu.memory_space<hbm>> -> memref<1000000x32xf32, #tpu.memory_space<hbm>>
    tpu.enqueue_indirect_dma source(%dma_start3A_42 : memref<1000000x32xf32, #tpu.memory_space<hbm>>) target(%dma_start3A_36 : memref<128x32xf32, #tpu.memory_space<vmem>>) offsets(%dma_start3A_39 : memref<128xi32, #tpu.memory_space<vmem>>) semaphore(%arg11 : memref<!tpu.dma_semaphore, #tpu.memory_space<semaphore_mem>>)
    %dma_start3A_43 = arith.constant 3 : i32
    %dma_start3A_44 = arith.constant 384 : i32
    %dma_start3A_45 = arith.constant 0 : i32
    %dma_start3A_46 = tpu.memref_slice %arg7[%dma_start3A_44, %dma_start3A_45] : memref<1280x32xf32, #tpu.memory_space<vmem>> -> memref<128x32xf32, #tpu.memory_space<vmem>>
    %dma_start3A_47 = arith.constant 0 : i32
    %dma_start3A_48 = tpu.memref_slice %arg5[%dma_start3A_43, %dma_start3A_47] : memref<10x128xi32, #tpu.memory_space<vmem>> -> memref<1x128xi32, #tpu.memory_space<vmem>>
    %dma_start3A_49 = tpu.memref_squeeze %dma_start3A_48 : memref<1x128xi32, #tpu.memory_space<vmem>> -> memref<128xi32, #tpu.memory_space<vmem>>
    %dma_start3A_50 = arith.constant 0 : i32
    %dma_start3A_51 = arith.constant 0 : i32
    %dma_start3A_52 = tpu.memref_slice %arg2[%dma_start3A_50, %dma_start3A_51] : memref<1000000x32xf32, #tpu.memory_space<hbm>> -> memref<1000000x32xf32, #tpu.memory_space<hbm>>
    tpu.enqueue_indirect_dma source(%dma_start3A_52 : memref<1000000x32xf32, #tpu.memory_space<hbm>>) target(%dma_start3A_46 : memref<128x32xf32, #tpu.memory_space<vmem>>) offsets(%dma_start3A_49 : memref<128xi32, #tpu.memory_space<vmem>>) semaphore(%arg11 : memref<!tpu.dma_semaphore, #tpu.memory_space<semaphore_mem>>)
    %dma_start3A_53 = arith.constant 4 : i32
    %dma_start3A_54 = arith.constant 512 : i32
    %dma_start3A_55 = arith.constant 0 : i32
    %dma_start3A_56 = tpu.memref_slice %arg7[%dma_start3A_54, %dma_start3A_55] : memref<1280x32xf32, #tpu.memory_space<vmem>> -> memref<128x32xf32, #tpu.memory_space<vmem>>
    %dma_start3A_57 = arith.constant 0 : i32
    %dma_start3A_58 = tpu.memref_slice %arg5[%dma_start3A_53, %dma_start3A_57] : memref<10x128xi32, #tpu.memory_space<vmem>> -> memref<1x128xi32, #tpu.memory_space<vmem>>
    %dma_start3A_59 = tpu.memref_squeeze %dma_start3A_58 : memref<1x128xi32, #tpu.memory_space<vmem>> -> memref<128xi32, #tpu.memory_space<vmem>>
    %dma_start3A_60 = arith.constant 0 : i32
    %dma_start3A_61 = arith.constant 0 : i32
    %dma_start3A_62 = tpu.memref_slice %arg2[%dma_start3A_60, %dma_start3A_61] : memref<1000000x32xf32, #tpu.memory_space<hbm>> -> memref<1000000x32xf32, #tpu.memory_space<hbm>>
    tpu.enqueue_indirect_dma source(%dma_start3A_62 : memref<1000000x32xf32, #tpu.memory_space<hbm>>) target(%dma_start3A_56 : memref<128x32xf32, #tpu.memory_space<vmem>>) offsets(%dma_start3A_59 : memref<128xi32, #tpu.memory_space<vmem>>) semaphore(%arg11 : memref<!tpu.dma_semaphore, #tpu.memory_space<semaphore_mem>>)
    %dma_start3A_63 = arith.constant 5 : i32
    %dma_start3A_64 = arith.constant 640 : i32
    %dma_start3A_65 = arith.constant 0 : i32
    %dma_start3A_66 = tpu.memref_slice %arg7[%dma_start3A_64, %dma_start3A_65] : memref<1280x32xf32, #tpu.memory_space<vmem>> -> memref<128x32xf32, #tpu.memory_space<vmem>>
    %dma_start3A_67 = arith.constant 0 : i32
    %dma_start3A_68 = tpu.memref_slice %arg5[%dma_start3A_63, %dma_start3A_67] : memref<10x128xi32, #tpu.memory_space<vmem>> -> memref<1x128xi32, #tpu.memory_space<vmem>>
    %dma_start3A_69 = tpu.memref_squeeze %dma_start3A_68 : memref<1x128xi32, #tpu.memory_space<vmem>> -> memref<128xi32, #tpu.memory_space<vmem>>
    %dma_start3A_70 = arith.constant 0 : i32
    %dma_start3A_71 = arith.constant 0 : i32
    %dma_start3A_72 = tpu.memref_slice %arg2[%dma_start3A_70, %dma_start3A_71] : memref<1000000x32xf32, #tpu.memory_space<hbm>> -> memref<1000000x32xf32, #tpu.memory_space<hbm>>
    tpu.enqueue_indirect_dma source(%dma_start3A_72 : memref<1000000x32xf32, #tpu.memory_space<hbm>>) target(%dma_start3A_66 : memref<128x32xf32, #tpu.memory_space<vmem>>) offsets(%dma_start3A_69 : memref<128xi32, #tpu.memory_space<vmem>>) semaphore(%arg11 : memref<!tpu.dma_semaphore, #tpu.memory_space<semaphore_mem>>)
    %dma_start3A_73 = arith.constant 6 : i32
    %dma_start3A_74 = arith.constant 768 : i32
    %dma_start3A_75 = arith.constant 0 : i32
    %dma_start3A_76 = tpu.memref_slice %arg7[%dma_start3A_74, %dma_start3A_75] : memref<1280x32xf32, #tpu.memory_space<vmem>> -> memref<128x32xf32, #tpu.memory_space<vmem>>
    %dma_start3A_77 = arith.constant 0 : i32
    %dma_start3A_78 = tpu.memref_slice %arg5[%dma_start3A_73, %dma_start3A_77] : memref<10x128xi32, #tpu.memory_space<vmem>> -> memref<1x128xi32, #tpu.memory_space<vmem>>
    %dma_start3A_79 = tpu.memref_squeeze %dma_start3A_78 : memref<1x128xi32, #tpu.memory_space<vmem>> -> memref<128xi32, #tpu.memory_space<vmem>>
    %dma_start3A_80 = arith.constant 0 : i32
    %dma_start3A_81 = arith.constant 0 : i32
    %dma_start3A_82 = tpu.memref_slice %arg2[%dma_start3A_80, %dma_start3A_81] : memref<1000000x32xf32, #tpu.memory_space<hbm>> -> memref<1000000x32xf32, #tpu.memory_space<hbm>>
    tpu.enqueue_indirect_dma source(%dma_start3A_82 : memref<1000000x32xf32, #tpu.memory_space<hbm>>) target(%dma_start3A_76 : memref<128x32xf32, #tpu.memory_space<vmem>>) offsets(%dma_start3A_79 : memref<128xi32, #tpu.memory_space<vmem>>) semaphore(%arg11 : memref<!tpu.dma_semaphore, #tpu.memory_space<semaphore_mem>>)
    %dma_start3A_83 = arith.constant 7 : i32
    %dma_start3A_84 = arith.constant 896 : i32
    %dma_start3A_85 = arith.constant 0 : i32
    %dma_start3A_86 = tpu.memref_slice %arg7[%dma_start3A_84, %dma_start3A_85] : memref<1280x32xf32, #tpu.memory_space<vmem>> -> memref<128x32xf32, #tpu.memory_space<vmem>>
    %dma_start3A_87 = arith.constant 0 : i32
    %dma_start3A_88 = tpu.memref_slice %arg5[%dma_start3A_83, %dma_start3A_87] : memref<10x128xi32, #tpu.memory_space<vmem>> -> memref<1x128xi32, #tpu.memory_space<vmem>>
    %dma_start3A_89 = tpu.memref_squeeze %dma_start3A_88 : memref<1x128xi32, #tpu.memory_space<vmem>> -> memref<128xi32, #tpu.memory_space<vmem>>
    %dma_start3A_90 = arith.constant 0 : i32
    %dma_start3A_91 = arith.constant 0 : i32
    %dma_start3A_92 = tpu.memref_slice %arg2[%dma_start3A_90, %dma_start3A_91] : memref<1000000x32xf32, #tpu.memory_space<hbm>> -> memref<1000000x32xf32, #tpu.memory_space<hbm>>
    tpu.enqueue_indirect_dma source(%dma_start3A_92 : memref<1000000x32xf32, #tpu.memory_space<hbm>>) target(%dma_start3A_86 : memref<128x32xf32, #tpu.memory_space<vmem>>) offsets(%dma_start3A_89 : memref<128xi32, #tpu.memory_space<vmem>>) semaphore(%arg11 : memref<!tpu.dma_semaphore, #tpu.memory_space<semaphore_mem>>)
    %dma_start3A_93 = arith.constant 8 : i32
    %dma_start3A_94 = arith.constant 1024 : i32
    %dma_start3A_95 = arith.constant 0 : i32
    %dma_start3A_96 = tpu.memref_slice %arg7[%dma_start3A_94, %dma_start3A_95] : memref<1280x32xf32, #tpu.memory_space<vmem>> -> memref<128x32xf32, #tpu.memory_space<vmem>>
    %dma_start3A_97 = arith.constant 0 : i32
    %dma_start3A_98 = tpu.memref_slice %arg5[%dma_start3A_93, %dma_start3A_97] : memref<10x128xi32, #tpu.memory_space<vmem>> -> memref<1x128xi32, #tpu.memory_space<vmem>>
    %dma_start3A_99 = tpu.memref_squeeze %dma_start3A_98 : memref<1x128xi32, #tpu.memory_space<vmem>> -> memref<128xi32, #tpu.memory_space<vmem>>
    %dma_start3A_100 = arith.constant 0 : i32
    %dma_start3A_101 = arith.constant 0 : i32
    %dma_start3A_102 = tpu.memref_slice %arg2[%dma_start3A_100, %dma_start3A_101] : memref<1000000x32xf32, #tpu.memory_space<hbm>> -> memref<1000000x32xf32, #tpu.memory_space<hbm>>
    tpu.enqueue_indirect_dma source(%dma_start3A_102 : memref<1000000x32xf32, #tpu.memory_space<hbm>>) target(%dma_start3A_96 : memref<128x32xf32, #tpu.memory_space<vmem>>) offsets(%dma_start3A_99 : memref<128xi32, #tpu.memory_space<vmem>>) semaphore(%arg11 : memref<!tpu.dma_semaphore, #tpu.memory_space<semaphore_mem>>)
    %dma_start3A_103 = arith.constant 9 : i32
    %dma_start3A_104 = arith.constant 1152 : i32
    %dma_start3A_105 = arith.constant 0 : i32
    %dma_start3A_106 = tpu.memref_slice %arg7[%dma_start3A_104, %dma_start3A_105] : memref<1280x32xf32, #tpu.memory_space<vmem>> -> memref<128x32xf32, #tpu.memory_space<vmem>>
    %dma_start3A_107 = arith.constant 0 : i32
    %dma_start3A_108 = tpu.memref_slice %arg5[%dma_start3A_103, %dma_start3A_107] : memref<10x128xi32, #tpu.memory_space<vmem>> -> memref<1x128xi32, #tpu.memory_space<vmem>>
    %dma_start3A_109 = tpu.memref_squeeze %dma_start3A_108 : memref<1x128xi32, #tpu.memory_space<vmem>> -> memref<128xi32, #tpu.memory_space<vmem>>
    %dma_start3A_110 = arith.constant 0 : i32
    %dma_start3A_111 = arith.constant 0 : i32
    %dma_start3A_112 = tpu.memref_slice %arg2[%dma_start3A_110, %dma_start3A_111] : memref<1000000x32xf32, #tpu.memory_space<hbm>> -> memref<1000000x32xf32, #tpu.memory_space<hbm>>
    tpu.enqueue_indirect_dma source(%dma_start3A_112 : memref<1000000x32xf32, #tpu.memory_space<hbm>>) target(%dma_start3A_106 : memref<128x32xf32, #tpu.memory_space<vmem>>) offsets(%dma_start3A_109 : memref<128xi32, #tpu.memory_space<vmem>>) semaphore(%arg11 : memref<!tpu.dma_semaphore, #tpu.memory_space<semaphore_mem>>)
    %add3A_113 = arith.constant 10 : i32
    %add3A_114 = arith.addi %mul3A_2, %add3A_113 : i32
    %dma_start3A_115 = arith.constant 0 : i32
    %dma_start3A_116 = tpu.memref_slice %arg3[%add3A_114, %dma_start3A_115] : memref<25600x128xi32, #tpu.memory_space<hbm>> -> memref<10x128xi32, #tpu.memory_space<hbm>>
    %dma_start3A_117 = arith.constant 0 : i32
    %dma_start3A_118 = tpu.memref_slice %arg3[%add3A_114, %dma_start3A_117] : memref<25600x128xi32, #tpu.memory_space<hbm>> -> memref<10x128xi32, #tpu.memory_space<hbm>>
    tpu.enqueue_dma source(%dma_start3A_118 : memref<10x128xi32, #tpu.memory_space<hbm>>) target(%arg6 : memref<10x128xi32, #tpu.memory_space<vmem>>) target_semaphore(%arg10 : memref<!tpu.dma_semaphore, #tpu.memory_space<semaphore_mem>>)
    %add3A_119 = arith.constant 10 : i32
    %add3A_120 = arith.addi %mul3A_2, %add3A_119 : i32
    %dma_wait3A_121 = arith.constant 0 : i32
    %dma_wait3A_122 = tpu.memref_slice %arg3[%add3A_120, %dma_wait3A_121] : memref<25600x128xi32, #tpu.memory_space<hbm>> -> memref<10x128xi32, #tpu.memory_space<hbm>>
    %dma_wait3A_123 = arith.constant 0 : i32
    %dma_wait3A_124 = tpu.memref_slice %arg3[%add3A_120, %dma_wait3A_123] : memref<25600x128xi32, #tpu.memory_space<hbm>> -> memref<10x128xi32, #tpu.memory_space<hbm>>
    tpu.wait_dma2 semaphore(%arg10 : memref<!tpu.dma_semaphore, #tpu.memory_space<semaphore_mem>>) src(%dma_wait3A_124 : memref<10x128xi32, #tpu.memory_space<hbm>>) dst(%arg6 : memref<10x128xi32, #tpu.memory_space<vmem>>)
    %dma_start3A_125 = arith.constant 0 : i32
    %dma_start3A_126 = arith.constant 0 : i32
    %dma_start3A_127 = arith.constant 0 : i32
    %dma_start3A_128 = tpu.memref_slice %arg8[%dma_start3A_126, %dma_start3A_127] : memref<1280x32xf32, #tpu.memory_space<vmem>> -> memref<128x32xf32, #tpu.memory_space<vmem>>
    %dma_start3A_129 = arith.constant 0 : i32
    %dma_start3A_130 = tpu.memref_slice %arg6[%dma_start3A_125, %dma_start3A_129] : memref<10x128xi32, #tpu.memory_space<vmem>> -> memref<1x128xi32, #tpu.memory_space<vmem>>
    %dma_start3A_131 = tpu.memref_squeeze %dma_start3A_130 : memref<1x128xi32, #tpu.memory_space<vmem>> -> memref<128xi32, #tpu.memory_space<vmem>>
    %dma_start3A_132 = arith.constant 0 : i32
    %dma_start3A_133 = arith.constant 0 : i32
    %dma_start3A_134 = tpu.memref_slice %arg2[%dma_start3A_132, %dma_start3A_133] : memref<1000000x32xf32, #tpu.memory_space<hbm>> -> memref<1000000x32xf32, #tpu.memory_space<hbm>>
    tpu.enqueue_indirect_dma source(%dma_start3A_134 : memref<1000000x32xf32, #tpu.memory_space<hbm>>) target(%dma_start3A_128 : memref<128x32xf32, #tpu.memory_space<vmem>>) offsets(%dma_start3A_131 : memref<128xi32, #tpu.memory_space<vmem>>) semaphore(%arg12 : memref<!tpu.dma_semaphore, #tpu.memory_space<semaphore_mem>>)
    %dma_start3A_135 = arith.constant 1 : i32
    %dma_start3A_136 = arith.constant 128 : i32
    %dma_start3A_137 = arith.constant 0 : i32
    %dma_start3A_138 = tpu.memref_slice %arg8[%dma_start3A_136, %dma_start3A_137] : memref<1280x32xf32, #tpu.memory_space<vmem>> -> memref<128x32xf32, #tpu.memory_space<vmem>>
    %dma_start3A_139 = arith.constant 0 : i32
    %dma_start3A_140 = tpu.memref_slice %arg6[%dma_start3A_135, %dma_start3A_139] : memref<10x128xi32, #tpu.memory_space<vmem>> -> memref<1x128xi32, #tpu.memory_space<vmem>>
    %dma_start3A_141 = tpu.memref_squeeze %dma_start3A_140 : memref<1x128xi32, #tpu.memory_space<vmem>> -> memref<128xi32, #tpu.memory_space<vmem>>
    %dma_start3A_142 = arith.constant 0 : i32
    %dma_start3A_143 = arith.constant 0 : i32
    %dma_start3A_144 = tpu.memref_slice %arg2[%dma_start3A_142, %dma_start3A_143] : memref<1000000x32xf32, #tpu.memory_space<hbm>> -> memref<1000000x32xf32, #tpu.memory_space<hbm>>
    tpu.enqueue_indirect_dma source(%dma_start3A_144 : memref<1000000x32xf32, #tpu.memory_space<hbm>>) target(%dma_start3A_138 : memref<128x32xf32, #tpu.memory_space<vmem>>) offsets(%dma_start3A_141 : memref<128xi32, #tpu.memory_space<vmem>>) semaphore(%arg12 : memref<!tpu.dma_semaphore, #tpu.memory_space<semaphore_mem>>)
    %dma_start3A_145 = arith.constant 2 : i32
    %dma_start3A_146 = arith.constant 256 : i32
    %dma_start3A_147 = arith.constant 0 : i32
    %dma_start3A_148 = tpu.memref_slice %arg8[%dma_start3A_146, %dma_start3A_147] : memref<1280x32xf32, #tpu.memory_space<vmem>> -> memref<128x32xf32, #tpu.memory_space<vmem>>
    %dma_start3A_149 = arith.constant 0 : i32
    %dma_start3A_150 = tpu.memref_slice %arg6[%dma_start3A_145, %dma_start3A_149] : memref<10x128xi32, #tpu.memory_space<vmem>> -> memref<1x128xi32, #tpu.memory_space<vmem>>
    %dma_start3A_151 = tpu.memref_squeeze %dma_start3A_150 : memref<1x128xi32, #tpu.memory_space<vmem>> -> memref<128xi32, #tpu.memory_space<vmem>>
    %dma_start3A_152 = arith.constant 0 : i32
    %dma_start3A_153 = arith.constant 0 : i32
    %dma_start3A_154 = tpu.memref_slice %arg2[%dma_start3A_152, %dma_start3A_153] : memref<1000000x32xf32, #tpu.memory_space<hbm>> -> memref<1000000x32xf32, #tpu.memory_space<hbm>>
    tpu.enqueue_indirect_dma source(%dma_start3A_154 : memref<1000000x32xf32, #tpu.memory_space<hbm>>) target(%dma_start3A_148 : memref<128x32xf32, #tpu.memory_space<vmem>>) offsets(%dma_start3A_151 : memref<128xi32, #tpu.memory_space<vmem>>) semaphore(%arg12 : memref<!tpu.dma_semaphore, #tpu.memory_space<semaphore_mem>>)
    %dma_start3A_155 = arith.constant 3 : i32
    %dma_start3A_156 = arith.constant 384 : i32
    %dma_start3A_157 = arith.constant 0 : i32
    %dma_start3A_158 = tpu.memref_slice %arg8[%dma_start3A_156, %dma_start3A_157] : memref<1280x32xf32, #tpu.memory_space<vmem>> -> memref<128x32xf32, #tpu.memory_space<vmem>>
    %dma_start3A_159 = arith.constant 0 : i32
    %dma_start3A_160 = tpu.memref_slice %arg6[%dma_start3A_155, %dma_start3A_159] : memref<10x128xi32, #tpu.memory_space<vmem>> -> memref<1x128xi32, #tpu.memory_space<vmem>>
    %dma_start3A_161 = tpu.memref_squeeze %dma_start3A_160 : memref<1x128xi32, #tpu.memory_space<vmem>> -> memref<128xi32, #tpu.memory_space<vmem>>
    %dma_start3A_162 = arith.constant 0 : i32
    %dma_start3A_163 = arith.constant 0 : i32
    %dma_start3A_164 = tpu.memref_slice %arg2[%dma_start3A_162, %dma_start3A_163] : memref<1000000x32xf32, #tpu.memory_space<hbm>> -> memref<1000000x32xf32, #tpu.memory_space<hbm>>
    tpu.enqueue_indirect_dma source(%dma_start3A_164 : memref<1000000x32xf32, #tpu.memory_space<hbm>>) target(%dma_start3A_158 : memref<128x32xf32, #tpu.memory_space<vmem>>) offsets(%dma_start3A_161 : memref<128xi32, #tpu.memory_space<vmem>>) semaphore(%arg12 : memref<!tpu.dma_semaphore, #tpu.memory_space<semaphore_mem>>)
    %dma_start3A_165 = arith.constant 4 : i32
    %dma_start3A_166 = arith.constant 512 : i32
    %dma_start3A_167 = arith.constant 0 : i32
    %dma_start3A_168 = tpu.memref_slice %arg8[%dma_start3A_166, %dma_start3A_167] : memref<1280x32xf32, #tpu.memory_space<vmem>> -> memref<128x32xf32, #tpu.memory_space<vmem>>
    %dma_start3A_169 = arith.constant 0 : i32
    %dma_start3A_170 = tpu.memref_slice %arg6[%dma_start3A_165, %dma_start3A_169] : memref<10x128xi32, #tpu.memory_space<vmem>> -> memref<1x128xi32, #tpu.memory_space<vmem>>
    %dma_start3A_171 = tpu.memref_squeeze %dma_start3A_170 : memref<1x128xi32, #tpu.memory_space<vmem>> -> memref<128xi32, #tpu.memory_space<vmem>>
    %dma_start3A_172 = arith.constant 0 : i32
    %dma_start3A_173 = arith.constant 0 : i32
    %dma_start3A_174 = tpu.memref_slice %arg2[%dma_start3A_172, %dma_start3A_173] : memref<1000000x32xf32, #tpu.memory_space<hbm>> -> memref<1000000x32xf32, #tpu.memory_space<hbm>>
    tpu.enqueue_indirect_dma source(%dma_start3A_174 : memref<1000000x32xf32, #tpu.memory_space<hbm>>) target(%dma_start3A_168 : memref<128x32xf32, #tpu.memory_space<vmem>>) offsets(%dma_start3A_171 : memref<128xi32, #tpu.memory_space<vmem>>) semaphore(%arg12 : memref<!tpu.dma_semaphore, #tpu.memory_space<semaphore_mem>>)
    %dma_start3A_175 = arith.constant 5 : i32
    %dma_start3A_176 = arith.constant 640 : i32
    %dma_start3A_177 = arith.constant 0 : i32
    %dma_start3A_178 = tpu.memref_slice %arg8[%dma_start3A_176, %dma_start3A_177] : memref<1280x32xf32, #tpu.memory_space<vmem>> -> memref<128x32xf32, #tpu.memory_space<vmem>>
    %dma_start3A_179 = arith.constant 0 : i32
    %dma_start3A_180 = tpu.memref_slice %arg6[%dma_start3A_175, %dma_start3A_179] : memref<10x128xi32, #tpu.memory_space<vmem>> -> memref<1x128xi32, #tpu.memory_space<vmem>>
    %dma_start3A_181 = tpu.memref_squeeze %dma_start3A_180 : memref<1x128xi32, #tpu.memory_space<vmem>> -> memref<128xi32, #tpu.memory_space<vmem>>
    %dma_start3A_182 = arith.constant 0 : i32
    %dma_start3A_183 = arith.constant 0 : i32
    %dma_start3A_184 = tpu.memref_slice %arg2[%dma_start3A_182, %dma_start3A_183] : memref<1000000x32xf32, #tpu.memory_space<hbm>> -> memref<1000000x32xf32, #tpu.memory_space<hbm>>
    tpu.enqueue_indirect_dma source(%dma_start3A_184 : memref<1000000x32xf32, #tpu.memory_space<hbm>>) target(%dma_start3A_178 : memref<128x32xf32, #tpu.memory_space<vmem>>) offsets(%dma_start3A_181 : memref<128xi32, #tpu.memory_space<vmem>>) semaphore(%arg12 : memref<!tpu.dma_semaphore, #tpu.memory_space<semaphore_mem>>)
    %dma_start3A_185 = arith.constant 6 : i32
    %dma_start3A_186 = arith.constant 768 : i32
    %dma_start3A_187 = arith.constant 0 : i32
    %dma_start3A_188 = tpu.memref_slice %arg8[%dma_start3A_186, %dma_start3A_187] : memref<1280x32xf32, #tpu.memory_space<vmem>> -> memref<128x32xf32, #tpu.memory_space<vmem>>
    %dma_start3A_189 = arith.constant 0 : i32
    %dma_start3A_190 = tpu.memref_slice %arg6[%dma_start3A_185, %dma_start3A_189] : memref<10x128xi32, #tpu.memory_space<vmem>> -> memref<1x128xi32, #tpu.memory_space<vmem>>
    %dma_start3A_191 = tpu.memref_squeeze %dma_start3A_190 : memref<1x128xi32, #tpu.memory_space<vmem>> -> memref<128xi32, #tpu.memory_space<vmem>>
    %dma_start3A_192 = arith.constant 0 : i32
    %dma_start3A_193 = arith.constant 0 : i32
    %dma_start3A_194 = tpu.memref_slice %arg2[%dma_start3A_192, %dma_start3A_193] : memref<1000000x32xf32, #tpu.memory_space<hbm>> -> memref<1000000x32xf32, #tpu.memory_space<hbm>>
    tpu.enqueue_indirect_dma source(%dma_start3A_194 : memref<1000000x32xf32, #tpu.memory_space<hbm>>) target(%dma_start3A_188 : memref<128x32xf32, #tpu.memory_space<vmem>>) offsets(%dma_start3A_191 : memref<128xi32, #tpu.memory_space<vmem>>) semaphore(%arg12 : memref<!tpu.dma_semaphore, #tpu.memory_space<semaphore_mem>>)
    %dma_start3A_195 = arith.constant 7 : i32
    %dma_start3A_196 = arith.constant 896 : i32
    %dma_start3A_197 = arith.constant 0 : i32
    %dma_start3A_198 = tpu.memref_slice %arg8[%dma_start3A_196, %dma_start3A_197] : memref<1280x32xf32, #tpu.memory_space<vmem>> -> memref<128x32xf32, #tpu.memory_space<vmem>>
    %dma_start3A_199 = arith.constant 0 : i32
    %dma_start3A_200 = tpu.memref_slice %arg6[%dma_start3A_195, %dma_start3A_199] : memref<10x128xi32, #tpu.memory_space<vmem>> -> memref<1x128xi32, #tpu.memory_space<vmem>>
    %dma_start3A_201 = tpu.memref_squeeze %dma_start3A_200 : memref<1x128xi32, #tpu.memory_space<vmem>> -> memref<128xi32, #tpu.memory_space<vmem>>
    %dma_start3A_202 = arith.constant 0 : i32
    %dma_start3A_203 = arith.constant 0 : i32
    %dma_start3A_204 = tpu.memref_slice %arg2[%dma_start3A_202, %dma_start3A_203] : memref<1000000x32xf32, #tpu.memory_space<hbm>> -> memref<1000000x32xf32, #tpu.memory_space<hbm>>
    tpu.enqueue_indirect_dma source(%dma_start3A_204 : memref<1000000x32xf32, #tpu.memory_space<hbm>>) target(%dma_start3A_198 : memref<128x32xf32, #tpu.memory_space<vmem>>) offsets(%dma_start3A_201 : memref<128xi32, #tpu.memory_space<vmem>>) semaphore(%arg12 : memref<!tpu.dma_semaphore, #tpu.memory_space<semaphore_mem>>)
    %dma_start3A_205 = arith.constant 8 : i32
    %dma_start3A_206 = arith.constant 1024 : i32
    %dma_start3A_207 = arith.constant 0 : i32
    %dma_start3A_208 = tpu.memref_slice %arg8[%dma_start3A_206, %dma_start3A_207] : memref<1280x32xf32, #tpu.memory_space<vmem>> -> memref<128x32xf32, #tpu.memory_space<vmem>>
    %dma_start3A_209 = arith.constant 0 : i32
    %dma_start3A_210 = tpu.memref_slice %arg6[%dma_start3A_205, %dma_start3A_209] : memref<10x128xi32, #tpu.memory_space<vmem>> -> memref<1x128xi32, #tpu.memory_space<vmem>>
    %dma_start3A_211 = tpu.memref_squeeze %dma_start3A_210 : memref<1x128xi32, #tpu.memory_space<vmem>> -> memref<128xi32, #tpu.memory_space<vmem>>
    %dma_start3A_212 = arith.constant 0 : i32
    %dma_start3A_213 = arith.constant 0 : i32
    %dma_start3A_214 = tpu.memref_slice %arg2[%dma_start3A_212, %dma_start3A_213] : memref<1000000x32xf32, #tpu.memory_space<hbm>> -> memref<1000000x32xf32, #tpu.memory_space<hbm>>
    tpu.enqueue_indirect_dma source(%dma_start3A_214 : memref<1000000x32xf32, #tpu.memory_space<hbm>>) target(%dma_start3A_208 : memref<128x32xf32, #tpu.memory_space<vmem>>) offsets(%dma_start3A_211 : memref<128xi32, #tpu.memory_space<vmem>>) semaphore(%arg12 : memref<!tpu.dma_semaphore, #tpu.memory_space<semaphore_mem>>)
    %dma_start3A_215 = arith.constant 9 : i32
    %dma_start3A_216 = arith.constant 1152 : i32
    %dma_start3A_217 = arith.constant 0 : i32
    %dma_start3A_218 = tpu.memref_slice %arg8[%dma_start3A_216, %dma_start3A_217] : memref<1280x32xf32, #tpu.memory_space<vmem>> -> memref<128x32xf32, #tpu.memory_space<vmem>>
    %dma_start3A_219 = arith.constant 0 : i32
    %dma_start3A_220 = tpu.memref_slice %arg6[%dma_start3A_215, %dma_start3A_219] : memref<10x128xi32, #tpu.memory_space<vmem>> -> memref<1x128xi32, #tpu.memory_space<vmem>>
    %dma_start3A_221 = tpu.memref_squeeze %dma_start3A_220 : memref<1x128xi32, #tpu.memory_space<vmem>> -> memref<128xi32, #tpu.memory_space<vmem>>
    %dma_start3A_222 = arith.constant 0 : i32
    %dma_start3A_223 = arith.constant 0 : i32
    %dma_start3A_224 = tpu.memref_slice %arg2[%dma_start3A_222, %dma_start3A_223] : memref<1000000x32xf32, #tpu.memory_space<hbm>> -> memref<1000000x32xf32, #tpu.memory_space<hbm>>
    tpu.enqueue_indirect_dma source(%dma_start3A_224 : memref<1000000x32xf32, #tpu.memory_space<hbm>>) target(%dma_start3A_218 : memref<128x32xf32, #tpu.memory_space<vmem>>) offsets(%dma_start3A_221 : memref<128xi32, #tpu.memory_space<vmem>>) semaphore(%arg12 : memref<!tpu.dma_semaphore, #tpu.memory_space<semaphore_mem>>)
    %dma_wait3A_225 = arith.constant 0 : i32
    %dma_wait3A_226 = arith.constant 0 : i32
    %dma_wait3A_227 = arith.constant 0 : i32
    %dma_wait3A_228 = tpu.memref_slice %arg7[%dma_wait3A_226, %dma_wait3A_227] : memref<1280x32xf32, #tpu.memory_space<vmem>> -> memref<128x32xf32, #tpu.memory_space<vmem>>
    %dma_wait3A_229 = arith.constant 0 : i32
    %dma_wait3A_230 = tpu.memref_slice %arg5[%dma_wait3A_225, %dma_wait3A_229] : memref<10x128xi32, #tpu.memory_space<vmem>> -> memref<1x128xi32, #tpu.memory_space<vmem>>
    %dma_wait3A_231 = tpu.memref_squeeze %dma_wait3A_230 : memref<1x128xi32, #tpu.memory_space<vmem>> -> memref<128xi32, #tpu.memory_space<vmem>>
    %dma_wait3A_232 = arith.constant 0 : i32
    %dma_wait3A_233 = arith.constant 0 : i32
    %dma_wait3A_234 = tpu.memref_slice %arg2[%dma_wait3A_232, %dma_wait3A_233] : memref<1000000x32xf32, #tpu.memory_space<hbm>> -> memref<1000000x32xf32, #tpu.memory_space<hbm>>
    tpu.wait_indirect_dma semaphore(%arg11 : memref<!tpu.dma_semaphore, #tpu.memory_space<semaphore_mem>>) src(%dma_wait3A_234 : memref<1000000x32xf32, #tpu.memory_space<hbm>>) dst(%dma_wait3A_228 : memref<128x32xf32, #tpu.memory_space<vmem>>)
    %dma_wait3A_235 = arith.constant 1 : i32
    %dma_wait3A_236 = arith.constant 128 : i32
    %dma_wait3A_237 = arith.constant 0 : i32
    %dma_wait3A_238 = tpu.memref_slice %arg7[%dma_wait3A_236, %dma_wait3A_237] : memref<1280x32xf32, #tpu.memory_space<vmem>> -> memref<128x32xf32, #tpu.memory_space<vmem>>
    %dma_wait3A_239 = arith.constant 0 : i32
    %dma_wait3A_240 = tpu.memref_slice %arg5[%dma_wait3A_235, %dma_wait3A_239] : memref<10x128xi32, #tpu.memory_space<vmem>> -> memref<1x128xi32, #tpu.memory_space<vmem>>
    %dma_wait3A_241 = tpu.memref_squeeze %dma_wait3A_240 : memref<1x128xi32, #tpu.memory_space<vmem>> -> memref<128xi32, #tpu.memory_space<vmem>>
    %dma_wait3A_242 = arith.constant 0 : i32
    %dma_wait3A_243 = arith.constant 0 : i32
    %dma_wait3A_244 = tpu.memref_slice %arg2[%dma_wait3A_242, %dma_wait3A_243] : memref<1000000x32xf32, #tpu.memory_space<hbm>> -> memref<1000000x32xf32, #tpu.memory_space<hbm>>
    tpu.wait_indirect_dma semaphore(%arg11 : memref<!tpu.dma_semaphore, #tpu.memory_space<semaphore_mem>>) src(%dma_wait3A_244 : memref<1000000x32xf32, #tpu.memory_space<hbm>>) dst(%dma_wait3A_238 : memref<128x32xf32, #tpu.memory_space<vmem>>)
    %dma_wait3A_245 = arith.constant 2 : i32
    %dma_wait3A_246 = arith.constant 256 : i32
    %dma_wait3A_247 = arith.constant 0 : i32
    %dma_wait3A_248 = tpu.memref_slice %arg7[%dma_wait3A_246, %dma_wait3A_247] : memref<1280x32xf32, #tpu.memory_space<vmem>> -> memref<128x32xf32, #tpu.memory_space<vmem>>
    %dma_wait3A_249 = arith.constant 0 : i32
    %dma_wait3A_250 = tpu.memref_slice %arg5[%dma_wait3A_245, %dma_wait3A_249] : memref<10x128xi32, #tpu.memory_space<vmem>> -> memref<1x128xi32, #tpu.memory_space<vmem>>
    %dma_wait3A_251 = tpu.memref_squeeze %dma_wait3A_250 : memref<1x128xi32, #tpu.memory_space<vmem>> -> memref<128xi32, #tpu.memory_space<vmem>>
    %dma_wait3A_252 = arith.constant 0 : i32
    %dma_wait3A_253 = arith.constant 0 : i32
    %dma_wait3A_254 = tpu.memref_slice %arg2[%dma_wait3A_252, %dma_wait3A_253] : memref<1000000x32xf32, #tpu.memory_space<hbm>> -> memref<1000000x32xf32, #tpu.memory_space<hbm>>
    tpu.wait_indirect_dma semaphore(%arg11 : memref<!tpu.dma_semaphore, #tpu.memory_space<semaphore_mem>>) src(%dma_wait3A_254 : memref<1000000x32xf32, #tpu.memory_space<hbm>>) dst(%dma_wait3A_248 : memref<128x32xf32, #tpu.memory_space<vmem>>)
    %dma_wait3A_255 = arith.constant 3 : i32
    %dma_wait3A_256 = arith.constant 384 : i32
    %dma_wait3A_257 = arith.constant 0 : i32
    %dma_wait3A_258 = tpu.memref_slice %arg7[%dma_wait3A_256, %dma_wait3A_257] : memref<1280x32xf32, #tpu.memory_space<vmem>> -> memref<128x32xf32, #tpu.memory_space<vmem>>
    %dma_wait3A_259 = arith.constant 0 : i32
    %dma_wait3A_260 = tpu.memref_slice %arg5[%dma_wait3A_255, %dma_wait3A_259] : memref<10x128xi32, #tpu.memory_space<vmem>> -> memref<1x128xi32, #tpu.memory_space<vmem>>
    %dma_wait3A_261 = tpu.memref_squeeze %dma_wait3A_260 : memref<1x128xi32, #tpu.memory_space<vmem>> -> memref<128xi32, #tpu.memory_space<vmem>>
    %dma_wait3A_262 = arith.constant 0 : i32
    %dma_wait3A_263 = arith.constant 0 : i32
    %dma_wait3A_264 = tpu.memref_slice %arg2[%dma_wait3A_262, %dma_wait3A_263] : memref<1000000x32xf32, #tpu.memory_space<hbm>> -> memref<1000000x32xf32, #tpu.memory_space<hbm>>
    tpu.wait_indirect_dma semaphore(%arg11 : memref<!tpu.dma_semaphore, #tpu.memory_space<semaphore_mem>>) src(%dma_wait3A_264 : memref<1000000x32xf32, #tpu.memory_space<hbm>>) dst(%dma_wait3A_258 : memref<128x32xf32, #tpu.memory_space<vmem>>)
    %dma_wait3A_265 = arith.constant 4 : i32
    %dma_wait3A_266 = arith.constant 512 : i32
    %dma_wait3A_267 = arith.constant 0 : i32
    %dma_wait3A_268 = tpu.memref_slice %arg7[%dma_wait3A_266, %dma_wait3A_267] : memref<1280x32xf32, #tpu.memory_space<vmem>> -> memref<128x32xf32, #tpu.memory_space<vmem>>
    %dma_wait3A_269 = arith.constant 0 : i32
    %dma_wait3A_270 = tpu.memref_slice %arg5[%dma_wait3A_265, %dma_wait3A_269] : memref<10x128xi32, #tpu.memory_space<vmem>> -> memref<1x128xi32, #tpu.memory_space<vmem>>
    %dma_wait3A_271 = tpu.memref_squeeze %dma_wait3A_270 : memref<1x128xi32, #tpu.memory_space<vmem>> -> memref<128xi32, #tpu.memory_space<vmem>>
    %dma_wait3A_272 = arith.constant 0 : i32
    %dma_wait3A_273 = arith.constant 0 : i32
    %dma_wait3A_274 = tpu.memref_slice %arg2[%dma_wait3A_272, %dma_wait3A_273] : memref<1000000x32xf32, #tpu.memory_space<hbm>> -> memref<1000000x32xf32, #tpu.memory_space<hbm>>
    tpu.wait_indirect_dma semaphore(%arg11 : memref<!tpu.dma_semaphore, #tpu.memory_space<semaphore_mem>>) src(%dma_wait3A_274 : memref<1000000x32xf32, #tpu.memory_space<hbm>>) dst(%dma_wait3A_268 : memref<128x32xf32, #tpu.memory_space<vmem>>)
    %dma_wait3A_275 = arith.constant 5 : i32
    %dma_wait3A_276 = arith.constant 640 : i32
    %dma_wait3A_277 = arith.constant 0 : i32
    %dma_wait3A_278 = tpu.memref_slice %arg7[%dma_wait3A_276, %dma_wait3A_277] : memref<1280x32xf32, #tpu.memory_space<vmem>> -> memref<128x32xf32, #tpu.memory_space<vmem>>
    %dma_wait3A_279 = arith.constant 0 : i32
    %dma_wait3A_280 = tpu.memref_slice %arg5[%dma_wait3A_275, %dma_wait3A_279] : memref<10x128xi32, #tpu.memory_space<vmem>> -> memref<1x128xi32, #tpu.memory_space<vmem>>
    %dma_wait3A_281 = tpu.memref_squeeze %dma_wait3A_280 : memref<1x128xi32, #tpu.memory_space<vmem>> -> memref<128xi32, #tpu.memory_space<vmem>>
    %dma_wait3A_282 = arith.constant 0 : i32
    %dma_wait3A_283 = arith.constant 0 : i32
    %dma_wait3A_284 = tpu.memref_slice %arg2[%dma_wait3A_282, %dma_wait3A_283] : memref<1000000x32xf32, #tpu.memory_space<hbm>> -> memref<1000000x32xf32, #tpu.memory_space<hbm>>
    tpu.wait_indirect_dma semaphore(%arg11 : memref<!tpu.dma_semaphore, #tpu.memory_space<semaphore_mem>>) src(%dma_wait3A_284 : memref<1000000x32xf32, #tpu.memory_space<hbm>>) dst(%dma_wait3A_278 : memref<128x32xf32, #tpu.memory_space<vmem>>)
    %dma_wait3A_285 = arith.constant 6 : i32
    %dma_wait3A_286 = arith.constant 768 : i32
    %dma_wait3A_287 = arith.constant 0 : i32
    %dma_wait3A_288 = tpu.memref_slice %arg7[%dma_wait3A_286, %dma_wait3A_287] : memref<1280x32xf32, #tpu.memory_space<vmem>> -> memref<128x32xf32, #tpu.memory_space<vmem>>
    %dma_wait3A_289 = arith.constant 0 : i32
    %dma_wait3A_290 = tpu.memref_slice %arg5[%dma_wait3A_285, %dma_wait3A_289] : memref<10x128xi32, #tpu.memory_space<vmem>> -> memref<1x128xi32, #tpu.memory_space<vmem>>
    %dma_wait3A_291 = tpu.memref_squeeze %dma_wait3A_290 : memref<1x128xi32, #tpu.memory_space<vmem>> -> memref<128xi32, #tpu.memory_space<vmem>>
    %dma_wait3A_292 = arith.constant 0 : i32
    %dma_wait3A_293 = arith.constant 0 : i32
    %dma_wait3A_294 = tpu.memref_slice %arg2[%dma_wait3A_292, %dma_wait3A_293] : memref<1000000x32xf32, #tpu.memory_space<hbm>> -> memref<1000000x32xf32, #tpu.memory_space<hbm>>
    tpu.wait_indirect_dma semaphore(%arg11 : memref<!tpu.dma_semaphore, #tpu.memory_space<semaphore_mem>>) src(%dma_wait3A_294 : memref<1000000x32xf32, #tpu.memory_space<hbm>>) dst(%dma_wait3A_288 : memref<128x32xf32, #tpu.memory_space<vmem>>)
    %dma_wait3A_295 = arith.constant 7 : i32
    %dma_wait3A_296 = arith.constant 896 : i32
    %dma_wait3A_297 = arith.constant 0 : i32
    %dma_wait3A_298 = tpu.memref_slice %arg7[%dma_wait3A_296, %dma_wait3A_297] : memref<1280x32xf32, #tpu.memory_space<vmem>> -> memref<128x32xf32, #tpu.memory_space<vmem>>
    %dma_wait3A_299 = arith.constant 0 : i32
    %dma_wait3A_300 = tpu.memref_slice %arg5[%dma_wait3A_295, %dma_wait3A_299] : memref<10x128xi32, #tpu.memory_space<vmem>> -> memref<1x128xi32, #tpu.memory_space<vmem>>
    %dma_wait3A_301 = tpu.memref_squeeze %dma_wait3A_300 : memref<1x128xi32, #tpu.memory_space<vmem>> -> memref<128xi32, #tpu.memory_space<vmem>>
    %dma_wait3A_302 = arith.constant 0 : i32
    %dma_wait3A_303 = arith.constant 0 : i32
    %dma_wait3A_304 = tpu.memref_slice %arg2[%dma_wait3A_302, %dma_wait3A_303] : memref<1000000x32xf32, #tpu.memory_space<hbm>> -> memref<1000000x32xf32, #tpu.memory_space<hbm>>
    tpu.wait_indirect_dma semaphore(%arg11 : memref<!tpu.dma_semaphore, #tpu.memory_space<semaphore_mem>>) src(%dma_wait3A_304 : memref<1000000x32xf32, #tpu.memory_space<hbm>>) dst(%dma_wait3A_298 : memref<128x32xf32, #tpu.memory_space<vmem>>)
    %dma_wait3A_305 = arith.constant 8 : i32
    %dma_wait3A_306 = arith.constant 1024 : i32
    %dma_wait3A_307 = arith.constant 0 : i32
    %dma_wait3A_308 = tpu.memref_slice %arg7[%dma_wait3A_306, %dma_wait3A_307] : memref<1280x32xf32, #tpu.memory_space<vmem>> -> memref<128x32xf32, #tpu.memory_space<vmem>>
    %dma_wait3A_309 = arith.constant 0 : i32
    %dma_wait3A_310 = tpu.memref_slice %arg5[%dma_wait3A_305, %dma_wait3A_309] : memref<10x128xi32, #tpu.memory_space<vmem>> -> memref<1x128xi32, #tpu.memory_space<vmem>>
    %dma_wait3A_311 = tpu.memref_squeeze %dma_wait3A_310 : memref<1x128xi32, #tpu.memory_space<vmem>> -> memref<128xi32, #tpu.memory_space<vmem>>
    %dma_wait3A_312 = arith.constant 0 : i32
    %dma_wait3A_313 = arith.constant 0 : i32
    %dma_wait3A_314 = tpu.memref_slice %arg2[%dma_wait3A_312, %dma_wait3A_313] : memref<1000000x32xf32, #tpu.memory_space<hbm>> -> memref<1000000x32xf32, #tpu.memory_space<hbm>>
    tpu.wait_indirect_dma semaphore(%arg11 : memref<!tpu.dma_semaphore, #tpu.memory_space<semaphore_mem>>) src(%dma_wait3A_314 : memref<1000000x32xf32, #tpu.memory_space<hbm>>) dst(%dma_wait3A_308 : memref<128x32xf32, #tpu.memory_space<vmem>>)
    %dma_wait3A_315 = arith.constant 9 : i32
    %dma_wait3A_316 = arith.constant 1152 : i32
    %dma_wait3A_317 = arith.constant 0 : i32
    %dma_wait3A_318 = tpu.memref_slice %arg7[%dma_wait3A_316, %dma_wait3A_317] : memref<1280x32xf32, #tpu.memory_space<vmem>> -> memref<128x32xf32, #tpu.memory_space<vmem>>
    %dma_wait3A_319 = arith.constant 0 : i32
    %dma_wait3A_320 = tpu.memref_slice %arg5[%dma_wait3A_315, %dma_wait3A_319] : memref<10x128xi32, #tpu.memory_space<vmem>> -> memref<1x128xi32, #tpu.memory_space<vmem>>
    %dma_wait3A_321 = tpu.memref_squeeze %dma_wait3A_320 : memref<1x128xi32, #tpu.memory_space<vmem>> -> memref<128xi32, #tpu.memory_space<vmem>>
    %dma_wait3A_322 = arith.constant 0 : i32
    %dma_wait3A_323 = arith.constant 0 : i32
    %dma_wait3A_324 = tpu.memref_slice %arg2[%dma_wait3A_322, %dma_wait3A_323] : memref<1000000x32xf32, #tpu.memory_space<hbm>> -> memref<1000000x32xf32, #tpu.memory_space<hbm>>
    tpu.wait_indirect_dma semaphore(%arg11 : memref<!tpu.dma_semaphore, #tpu.memory_space<semaphore_mem>>) src(%dma_wait3A_324 : memref<1000000x32xf32, #tpu.memory_space<hbm>>) dst(%dma_wait3A_318 : memref<128x32xf32, #tpu.memory_space<vmem>>)
    %add3A_325 = arith.constant 0 : i32
    %add3A_326 = arith.addi %mul3A_2, %add3A_325 : i32
    %mul3A_327 = arith.constant 128 : i32
    %mul3A_328 = arith.muli %add3A_326, %mul3A_327 : i32
    %dma_start3A_329 = arith.constant 0 : i32
    %dma_start3A_330 = tpu.memref_slice %arg4[%mul3A_328, %dma_start3A_329] : memref<3276800x32xf32, #tpu.memory_space<hbm>> -> memref<1280x32xf32, #tpu.memory_space<hbm>>
    %dma_start3A_331 = arith.constant 0 : i32
    %dma_start3A_332 = tpu.memref_slice %arg4[%mul3A_328, %dma_start3A_331] : memref<3276800x32xf32, #tpu.memory_space<hbm>> -> memref<1280x32xf32, #tpu.memory_space<hbm>>
    tpu.enqueue_dma source(%arg7 : memref<1280x32xf32, #tpu.memory_space<vmem>>) target(%dma_start3A_332 : memref<1280x32xf32, #tpu.memory_space<hbm>>) target_semaphore(%arg13 : memref<!tpu.dma_semaphore, #tpu.memory_space<semaphore_mem>>)
    %add3A_333 = arith.constant 20 : i32
    %add3A_334 = arith.addi %mul3A_2, %add3A_333 : i32
    %dma_start3A_335 = arith.constant 0 : i32
    %dma_start3A_336 = tpu.memref_slice %arg3[%add3A_334, %dma_start3A_335] : memref<25600x128xi32, #tpu.memory_space<hbm>> -> memref<10x128xi32, #tpu.memory_space<hbm>>
    %dma_start3A_337 = arith.constant 0 : i32
    %dma_start3A_338 = tpu.memref_slice %arg3[%add3A_334, %dma_start3A_337] : memref<25600x128xi32, #tpu.memory_space<hbm>> -> memref<10x128xi32, #tpu.memory_space<hbm>>
    tpu.enqueue_dma source(%dma_start3A_338 : memref<10x128xi32, #tpu.memory_space<hbm>>) target(%arg5 : memref<10x128xi32, #tpu.memory_space<vmem>>) target_semaphore(%arg9 : memref<!tpu.dma_semaphore, #tpu.memory_space<semaphore_mem>>)
    %add3A_339 = arith.constant 20 : i32
    %add3A_340 = arith.addi %mul3A_2, %add3A_339 : i32
    %dma_wait3A_341 = arith.constant 0 : i32
    %dma_wait3A_342 = tpu.memref_slice %arg3[%add3A_340, %dma_wait3A_341] : memref<25600x128xi32, #tpu.memory_space<hbm>> -> memref<10x128xi32, #tpu.memory_space<hbm>>
    %dma_wait3A_343 = arith.constant 0 : i32
    %dma_wait3A_344 = tpu.memref_slice %arg3[%add3A_340, %dma_wait3A_343] : memref<25600x128xi32, #tpu.memory_space<hbm>> -> memref<10x128xi32, #tpu.memory_space<hbm>>
    tpu.wait_dma2 semaphore(%arg9 : memref<!tpu.dma_semaphore, #tpu.memory_space<semaphore_mem>>) src(%dma_wait3A_344 : memref<10x128xi32, #tpu.memory_space<hbm>>) dst(%arg5 : memref<10x128xi32, #tpu.memory_space<vmem>>)
    %add3A_345 = arith.constant 0 : i32
    %add3A_346 = arith.addi %mul3A_2, %add3A_345 : i32
    %mul3A_347 = arith.constant 128 : i32
    %mul3A_348 = arith.muli %add3A_346, %mul3A_347 : i32
    %dma_wait3A_349 = arith.constant 0 : i32
    %dma_wait3A_350 = tpu.memref_slice %arg4[%mul3A_348, %dma_wait3A_349] : memref<3276800x32xf32, #tpu.memory_space<hbm>> -> memref<1280x32xf32, #tpu.memory_space<hbm>>
    %dma_wait3A_351 = arith.constant 0 : i32
    %dma_wait3A_352 = tpu.memref_slice %arg4[%mul3A_348, %dma_wait3A_351] : memref<3276800x32xf32, #tpu.memory_space<hbm>> -> memref<1280x32xf32, #tpu.memory_space<hbm>>
    tpu.wait_dma2 semaphore(%arg13 : memref<!tpu.dma_semaphore, #tpu.memory_space<semaphore_mem>>) src(%arg7 : memref<1280x32xf32, #tpu.memory_space<vmem>>) dst(%dma_wait3A_352 : memref<1280x32xf32, #tpu.memory_space<hbm>>)
    %dma_start3A_353 = arith.constant 0 : i32
    %dma_start3A_354 = arith.constant 0 : i32
    %dma_start3A_355 = arith.constant 0 : i32
    %dma_start3A_356 = tpu.memref_slice %arg7[%dma_start3A_354, %dma_start3A_355] : memref<1280x32xf32, #tpu.memory_space<vmem>> -> memref<128x32xf32, #tpu.memory_space<vmem>>
    %dma_start3A_357 = arith.constant 0 : i32
    %dma_start3A_358 = tpu.memref_slice %arg5[%dma_start3A_353, %dma_start3A_357] : memref<10x128xi32, #tpu.memory_space<vmem>> -> memref<1x128xi32, #tpu.memory_space<vmem>>
    %dma_start3A_359 = tpu.memref_squeeze %dma_start3A_358 : memref<1x128xi32, #tpu.memory_space<vmem>> -> memref<128xi32, #tpu.memory_space<vmem>>
    %dma_start3A_360 = arith.constant 0 : i32
    %dma_start3A_361 = arith.constant 0 : i32
    %dma_start3A_362 = tpu.memref_slice %arg2[%dma_start3A_360, %dma_start3A_361] : memref<1000000x32xf32, #tpu.memory_space<hbm>> -> memref<1000000x32xf32, #tpu.memory_space<hbm>>
    tpu.enqueue_indirect_dma source(%dma_start3A_362 : memref<1000000x32xf32, #tpu.memory_space<hbm>>) target(%dma_start3A_356 : memref<128x32xf32, #tpu.memory_space<vmem>>) offsets(%dma_start3A_359 : memref<128xi32, #tpu.memory_space<vmem>>) semaphore(%arg11 : memref<!tpu.dma_semaphore, #tpu.memory_space<semaphore_mem>>)
    %dma_start3A_363 = arith.constant 1 : i32
    %dma_start3A_364 = arith.constant 128 : i32
    %dma_start3A_365 = arith.constant 0 : i32
    %dma_start3A_366 = tpu.memref_slice %arg7[%dma_start3A_364, %dma_start3A_365] : memref<1280x32xf32, #tpu.memory_space<vmem>> -> memref<128x32xf32, #tpu.memory_space<vmem>>
    %dma_start3A_367 = arith.constant 0 : i32
    %dma_start3A_368 = tpu.memref_slice %arg5[%dma_start3A_363, %dma_start3A_367] : memref<10x128xi32, #tpu.memory_space<vmem>> -> memref<1x128xi32, #tpu.memory_space<vmem>>
    %dma_start3A_369 = tpu.memref_squeeze %dma_start3A_368 : memref<1x128xi32, #tpu.memory_space<vmem>> -> memref<128xi32, #tpu.memory_space<vmem>>
    %dma_start3A_370 = arith.constant 0 : i32
    %dma_start3A_371 = arith.constant 0 : i32
    %dma_start3A_372 = tpu.memref_slice %arg2[%dma_start3A_370, %dma_start3A_371] : memref<1000000x32xf32, #tpu.memory_space<hbm>> -> memref<1000000x32xf32, #tpu.memory_space<hbm>>
    tpu.enqueue_indirect_dma source(%dma_start3A_372 : memref<1000000x32xf32, #tpu.memory_space<hbm>>) target(%dma_start3A_366 : memref<128x32xf32, #tpu.memory_space<vmem>>) offsets(%dma_start3A_369 : memref<128xi32, #tpu.memory_space<vmem>>) semaphore(%arg11 : memref<!tpu.dma_semaphore, #tpu.memory_space<semaphore_mem>>)
    %dma_start3A_373 = arith.constant 2 : i32
    %dma_start3A_374 = arith.constant 256 : i32
    %dma_start3A_375 = arith.constant 0 : i32
    %dma_start3A_376 = tpu.memref_slice %arg7[%dma_start3A_374, %dma_start3A_375] : memref<1280x32xf32, #tpu.memory_space<vmem>> -> memref<128x32xf32, #tpu.memory_space<vmem>>
    %dma_start3A_377 = arith.constant 0 : i32
    %dma_start3A_378 = tpu.memref_slice %arg5[%dma_start3A_373, %dma_start3A_377] : memref<10x128xi32, #tpu.memory_space<vmem>> -> memref<1x128xi32, #tpu.memory_space<vmem>>
    %dma_start3A_379 = tpu.memref_squeeze %dma_start3A_378 : memref<1x128xi32, #tpu.memory_space<vmem>> -> memref<128xi32, #tpu.memory_space<vmem>>
    %dma_start3A_380 = arith.constant 0 : i32
    %dma_start3A_381 = arith.constant 0 : i32
    %dma_start3A_382 = tpu.memref_slice %arg2[%dma_start3A_380, %dma_start3A_381] : memref<1000000x32xf32, #tpu.memory_space<hbm>> -> memref<1000000x32xf32, #tpu.memory_space<hbm>>
    tpu.enqueue_indirect_dma source(%dma_start3A_382 : memref<1000000x32xf32, #tpu.memory_space<hbm>>) target(%dma_start3A_376 : memref<128x32xf32, #tpu.memory_space<vmem>>) offsets(%dma_start3A_379 : memref<128xi32, #tpu.memory_space<vmem>>) semaphore(%arg11 : memref<!tpu.dma_semaphore, #tpu.memory_space<semaphore_mem>>)
    %dma_start3A_383 = arith.constant 3 : i32
    %dma_start3A_384 = arith.constant 384 : i32
    %dma_start3A_385 = arith.constant 0 : i32
    %dma_start3A_386 = tpu.memref_slice %arg7[%dma_start3A_384, %dma_start3A_385] : memref<1280x32xf32, #tpu.memory_space<vmem>> -> memref<128x32xf32, #tpu.memory_space<vmem>>
    %dma_start3A_387 = arith.constant 0 : i32
    %dma_start3A_388 = tpu.memref_slice %arg5[%dma_start3A_383, %dma_start3A_387] : memref<10x128xi32, #tpu.memory_space<vmem>> -> memref<1x128xi32, #tpu.memory_space<vmem>>
    %dma_start3A_389 = tpu.memref_squeeze %dma_start3A_388 : memref<1x128xi32, #tpu.memory_space<vmem>> -> memref<128xi32, #tpu.memory_space<vmem>>
    %dma_start3A_390 = arith.constant 0 : i32
    %dma_start3A_391 = arith.constant 0 : i32
    %dma_start3A_392 = tpu.memref_slice %arg2[%dma_start3A_390, %dma_start3A_391] : memref<1000000x32xf32, #tpu.memory_space<hbm>> -> memref<1000000x32xf32, #tpu.memory_space<hbm>>
    tpu.enqueue_indirect_dma source(%dma_start3A_392 : memref<1000000x32xf32, #tpu.memory_space<hbm>>) target(%dma_start3A_386 : memref<128x32xf32, #tpu.memory_space<vmem>>) offsets(%dma_start3A_389 : memref<128xi32, #tpu.memory_space<vmem>>) semaphore(%arg11 : memref<!tpu.dma_semaphore, #tpu.memory_space<semaphore_mem>>)
    %dma_start3A_393 = arith.constant 4 : i32
    %dma_start3A_394 = arith.constant 512 : i32
    %dma_start3A_395 = arith.constant 0 : i32
    %dma_start3A_396 = tpu.memref_slice %arg7[%dma_start3A_394, %dma_start3A_395] : memref<1280x32xf32, #tpu.memory_space<vmem>> -> memref<128x32xf32, #tpu.memory_space<vmem>>
    %dma_start3A_397 = arith.constant 0 : i32
    %dma_start3A_398 = tpu.memref_slice %arg5[%dma_start3A_393, %dma_start3A_397] : memref<10x128xi32, #tpu.memory_space<vmem>> -> memref<1x128xi32, #tpu.memory_space<vmem>>
    %dma_start3A_399 = tpu.memref_squeeze %dma_start3A_398 : memref<1x128xi32, #tpu.memory_space<vmem>> -> memref<128xi32, #tpu.memory_space<vmem>>
    %dma_start3A_400 = arith.constant 0 : i32
    %dma_start3A_401 = arith.constant 0 : i32
    %dma_start3A_402 = tpu.memref_slice %arg2[%dma_start3A_400, %dma_start3A_401] : memref<1000000x32xf32, #tpu.memory_space<hbm>> -> memref<1000000x32xf32, #tpu.memory_space<hbm>>
    tpu.enqueue_indirect_dma source(%dma_start3A_402 : memref<1000000x32xf32, #tpu.memory_space<hbm>>) target(%dma_start3A_396 : memref<128x32xf32, #tpu.memory_space<vmem>>) offsets(%dma_start3A_399 : memref<128xi32, #tpu.memory_space<vmem>>) semaphore(%arg11 : memref<!tpu.dma_semaphore, #tpu.memory_space<semaphore_mem>>)
    %dma_start3A_403 = arith.constant 5 : i32
    %dma_start3A_404 = arith.constant 640 : i32
    %dma_start3A_405 = arith.constant 0 : i32
    %dma_start3A_406 = tpu.memref_slice %arg7[%dma_start3A_404, %dma_start3A_405] : memref<1280x32xf32, #tpu.memory_space<vmem>> -> memref<128x32xf32, #tpu.memory_space<vmem>>
    %dma_start3A_407 = arith.constant 0 : i32
    %dma_start3A_408 = tpu.memref_slice %arg5[%dma_start3A_403, %dma_start3A_407] : memref<10x128xi32, #tpu.memory_space<vmem>> -> memref<1x128xi32, #tpu.memory_space<vmem>>
    %dma_start3A_409 = tpu.memref_squeeze %dma_start3A_408 : memref<1x128xi32, #tpu.memory_space<vmem>> -> memref<128xi32, #tpu.memory_space<vmem>>
    %dma_start3A_410 = arith.constant 0 : i32
    %dma_start3A_411 = arith.constant 0 : i32
    %dma_start3A_412 = tpu.memref_slice %arg2[%dma_start3A_410, %dma_start3A_411] : memref<1000000x32xf32, #tpu.memory_space<hbm>> -> memref<1000000x32xf32, #tpu.memory_space<hbm>>
    tpu.enqueue_indirect_dma source(%dma_start3A_412 : memref<1000000x32xf32, #tpu.memory_space<hbm>>) target(%dma_start3A_406 : memref<128x32xf32, #tpu.memory_space<vmem>>) offsets(%dma_start3A_409 : memref<128xi32, #tpu.memory_space<vmem>>) semaphore(%arg11 : memref<!tpu.dma_semaphore, #tpu.memory_space<semaphore_mem>>)
    %dma_start3A_413 = arith.constant 6 : i32
    %dma_start3A_414 = arith.constant 768 : i32
    %dma_start3A_415 = arith.constant 0 : i32
    %dma_start3A_416 = tpu.memref_slice %arg7[%dma_start3A_414, %dma_start3A_415] : memref<1280x32xf32, #tpu.memory_space<vmem>> -> memref<128x32xf32, #tpu.memory_space<vmem>>
    %dma_start3A_417 = arith.constant 0 : i32
    %dma_start3A_418 = tpu.memref_slice %arg5[%dma_start3A_413, %dma_start3A_417] : memref<10x128xi32, #tpu.memory_space<vmem>> -> memref<1x128xi32, #tpu.memory_space<vmem>>
    %dma_start3A_419 = tpu.memref_squeeze %dma_start3A_418 : memref<1x128xi32, #tpu.memory_space<vmem>> -> memref<128xi32, #tpu.memory_space<vmem>>
    %dma_start3A_420 = arith.constant 0 : i32
    %dma_start3A_421 = arith.constant 0 : i32
    %dma_start3A_422 = tpu.memref_slice %arg2[%dma_start3A_420, %dma_start3A_421] : memref<1000000x32xf32, #tpu.memory_space<hbm>> -> memref<1000000x32xf32, #tpu.memory_space<hbm>>
    tpu.enqueue_indirect_dma source(%dma_start3A_422 : memref<1000000x32xf32, #tpu.memory_space<hbm>>) target(%dma_start3A_416 : memref<128x32xf32, #tpu.memory_space<vmem>>) offsets(%dma_start3A_419 : memref<128xi32, #tpu.memory_space<vmem>>) semaphore(%arg11 : memref<!tpu.dma_semaphore, #tpu.memory_space<semaphore_mem>>)
    %dma_start3A_423 = arith.constant 7 : i32
    %dma_start3A_424 = arith.constant 896 : i32
    %dma_start3A_425 = arith.constant 0 : i32
    %dma_start3A_426 = tpu.memref_slice %arg7[%dma_start3A_424, %dma_start3A_425] : memref<1280x32xf32, #tpu.memory_space<vmem>> -> memref<128x32xf32, #tpu.memory_space<vmem>>
    %dma_start3A_427 = arith.constant 0 : i32
    %dma_start3A_428 = tpu.memref_slice %arg5[%dma_start3A_423, %dma_start3A_427] : memref<10x128xi32, #tpu.memory_space<vmem>> -> memref<1x128xi32, #tpu.memory_space<vmem>>
    %dma_start3A_429 = tpu.memref_squeeze %dma_start3A_428 : memref<1x128xi32, #tpu.memory_space<vmem>> -> memref<128xi32, #tpu.memory_space<vmem>>
    %dma_start3A_430 = arith.constant 0 : i32
    %dma_start3A_431 = arith.constant 0 : i32
    %dma_start3A_432 = tpu.memref_slice %arg2[%dma_start3A_430, %dma_start3A_431] : memref<1000000x32xf32, #tpu.memory_space<hbm>> -> memref<1000000x32xf32, #tpu.memory_space<hbm>>
    tpu.enqueue_indirect_dma source(%dma_start3A_432 : memref<1000000x32xf32, #tpu.memory_space<hbm>>) target(%dma_start3A_426 : memref<128x32xf32, #tpu.memory_space<vmem>>) offsets(%dma_start3A_429 : memref<128xi32, #tpu.memory_space<vmem>>) semaphore(%arg11 : memref<!tpu.dma_semaphore, #tpu.memory_space<semaphore_mem>>)
    %dma_start3A_433 = arith.constant 8 : i32
    %dma_start3A_434 = arith.constant 1024 : i32
    %dma_start3A_435 = arith.constant 0 : i32
    %dma_start3A_436 = tpu.memref_slice %arg7[%dma_start3A_434, %dma_start3A_435] : memref<1280x32xf32, #tpu.memory_space<vmem>> -> memref<128x32xf32, #tpu.memory_space<vmem>>
    %dma_start3A_437 = arith.constant 0 : i32
    %dma_start3A_438 = tpu.memref_slice %arg5[%dma_start3A_433, %dma_start3A_437] : memref<10x128xi32, #tpu.memory_space<vmem>> -> memref<1x128xi32, #tpu.memory_space<vmem>>
    %dma_start3A_439 = tpu.memref_squeeze %dma_start3A_438 : memref<1x128xi32, #tpu.memory_space<vmem>> -> memref<128xi32, #tpu.memory_space<vmem>>
    %dma_start3A_440 = arith.constant 0 : i32
    %dma_start3A_441 = arith.constant 0 : i32
    %dma_start3A_442 = tpu.memref_slice %arg2[%dma_start3A_440, %dma_start3A_441] : memref<1000000x32xf32, #tpu.memory_space<hbm>> -> memref<1000000x32xf32, #tpu.memory_space<hbm>>
    tpu.enqueue_indirect_dma source(%dma_start3A_442 : memref<1000000x32xf32, #tpu.memory_space<hbm>>) target(%dma_start3A_436 : memref<128x32xf32, #tpu.memory_space<vmem>>) offsets(%dma_start3A_439 : memref<128xi32, #tpu.memory_space<vmem>>) semaphore(%arg11 : memref<!tpu.dma_semaphore, #tpu.memory_space<semaphore_mem>>)
    %dma_start3A_443 = arith.constant 9 : i32
    %dma_start3A_444 = arith.constant 1152 : i32
    %dma_start3A_445 = arith.constant 0 : i32
    %dma_start3A_446 = tpu.memref_slice %arg7[%dma_start3A_444, %dma_start3A_445] : memref<1280x32xf32, #tpu.memory_space<vmem>> -> memref<128x32xf32, #tpu.memory_space<vmem>>
    %dma_start3A_447 = arith.constant 0 : i32
    %dma_start3A_448 = tpu.memref_slice %arg5[%dma_start3A_443, %dma_start3A_447] : memref<10x128xi32, #tpu.memory_space<vmem>> -> memref<1x128xi32, #tpu.memory_space<vmem>>
    %dma_start3A_449 = tpu.memref_squeeze %dma_start3A_448 : memref<1x128xi32, #tpu.memory_space<vmem>> -> memref<128xi32, #tpu.memory_space<vmem>>
    %dma_start3A_450 = arith.constant 0 : i32
    %dma_start3A_451 = arith.constant 0 : i32
    %dma_start3A_452 = tpu.memref_slice %arg2[%dma_start3A_450, %dma_start3A_451] : memref<1000000x32xf32, #tpu.memory_space<hbm>> -> memref<1000000x32xf32, #tpu.memory_space<hbm>>
    tpu.enqueue_indirect_dma source(%dma_start3A_452 : memref<1000000x32xf32, #tpu.memory_space<hbm>>) target(%dma_start3A_446 : memref<128x32xf32, #tpu.memory_space<vmem>>) offsets(%dma_start3A_449 : memref<128xi32, #tpu.memory_space<vmem>>) semaphore(%arg11 : memref<!tpu.dma_semaphore, #tpu.memory_space<semaphore_mem>>)
    %dma_wait3A_453 = arith.constant 0 : i32
    %dma_wait3A_454 = arith.constant 0 : i32
    %dma_wait3A_455 = arith.constant 0 : i32
    %dma_wait3A_456 = tpu.memref_slice %arg8[%dma_wait3A_454, %dma_wait3A_455] : memref<1280x32xf32, #tpu.memory_space<vmem>> -> memref<128x32xf32, #tpu.memory_space<vmem>>
    %dma_wait3A_457 = arith.constant 0 : i32
    %dma_wait3A_458 = tpu.memref_slice %arg6[%dma_wait3A_453, %dma_wait3A_457] : memref<10x128xi32, #tpu.memory_space<vmem>> -> memref<1x128xi32, #tpu.memory_space<vmem>>
    %dma_wait3A_459 = tpu.memref_squeeze %dma_wait3A_458 : memref<1x128xi32, #tpu.memory_space<vmem>> -> memref<128xi32, #tpu.memory_space<vmem>>
    %dma_wait3A_460 = arith.constant 0 : i32
    %dma_wait3A_461 = arith.constant 0 : i32
    %dma_wait3A_462 = tpu.memref_slice %arg2[%dma_wait3A_460, %dma_wait3A_461] : memref<1000000x32xf32, #tpu.memory_space<hbm>> -> memref<1000000x32xf32, #tpu.memory_space<hbm>>
    tpu.wait_indirect_dma semaphore(%arg12 : memref<!tpu.dma_semaphore, #tpu.memory_space<semaphore_mem>>) src(%dma_wait3A_462 : memref<1000000x32xf32, #tpu.memory_space<hbm>>) dst(%dma_wait3A_456 : memref<128x32xf32, #tpu.memory_space<vmem>>)
    %dma_wait3A_463 = arith.constant 1 : i32
    %dma_wait3A_464 = arith.constant 128 : i32
    %dma_wait3A_465 = arith.constant 0 : i32
    %dma_wait3A_466 = tpu.memref_slice %arg8[%dma_wait3A_464, %dma_wait3A_465] : memref<1280x32xf32, #tpu.memory_space<vmem>> -> memref<128x32xf32, #tpu.memory_space<vmem>>
    %dma_wait3A_467 = arith.constant 0 : i32
    %dma_wait3A_468 = tpu.memref_slice %arg6[%dma_wait3A_463, %dma_wait3A_467] : memref<10x128xi32, #tpu.memory_space<vmem>> -> memref<1x128xi32, #tpu.memory_space<vmem>>
    %dma_wait3A_469 = tpu.memref_squeeze %dma_wait3A_468 : memref<1x128xi32, #tpu.memory_space<vmem>> -> memref<128xi32, #tpu.memory_space<vmem>>
    %dma_wait3A_470 = arith.constant 0 : i32
    %dma_wait3A_471 = arith.constant 0 : i32
    %dma_wait3A_472 = tpu.memref_slice %arg2[%dma_wait3A_470, %dma_wait3A_471] : memref<1000000x32xf32, #tpu.memory_space<hbm>> -> memref<1000000x32xf32, #tpu.memory_space<hbm>>
    tpu.wait_indirect_dma semaphore(%arg12 : memref<!tpu.dma_semaphore, #tpu.memory_space<semaphore_mem>>) src(%dma_wait3A_472 : memref<1000000x32xf32, #tpu.memory_space<hbm>>) dst(%dma_wait3A_466 : memref<128x32xf32, #tpu.memory_space<vmem>>)
    %dma_wait3A_473 = arith.constant 2 : i32
    %dma_wait3A_474 = arith.constant 256 : i32
    %dma_wait3A_475 = arith.constant 0 : i32
    %dma_wait3A_476 = tpu.memref_slice %arg8[%dma_wait3A_474, %dma_wait3A_475] : memref<1280x32xf32, #tpu.memory_space<vmem>> -> memref<128x32xf32, #tpu.memory_space<vmem>>
    %dma_wait3A_477 = arith.constant 0 : i32
    %dma_wait3A_478 = tpu.memref_slice %arg6[%dma_wait3A_473, %dma_wait3A_477] : memref<10x128xi32, #tpu.memory_space<vmem>> -> memref<1x128xi32, #tpu.memory_space<vmem>>
    %dma_wait3A_479 = tpu.memref_squeeze %dma_wait3A_478 : memref<1x128xi32, #tpu.memory_space<vmem>> -> memref<128xi32, #tpu.memory_space<vmem>>
    %dma_wait3A_480 = arith.constant 0 : i32
    %dma_wait3A_481 = arith.constant 0 : i32
    %dma_wait3A_482 = tpu.memref_slice %arg2[%dma_wait3A_480, %dma_wait3A_481] : memref<1000000x32xf32, #tpu.memory_space<hbm>> -> memref<1000000x32xf32, #tpu.memory_space<hbm>>
    tpu.wait_indirect_dma semaphore(%arg12 : memref<!tpu.dma_semaphore, #tpu.memory_space<semaphore_mem>>) src(%dma_wait3A_482 : memref<1000000x32xf32, #tpu.memory_space<hbm>>) dst(%dma_wait3A_476 : memref<128x32xf32, #tpu.memory_space<vmem>>)
    %dma_wait3A_483 = arith.constant 3 : i32
    %dma_wait3A_484 = arith.constant 384 : i32
    %dma_wait3A_485 = arith.constant 0 : i32
    %dma_wait3A_486 = tpu.memref_slice %arg8[%dma_wait3A_484, %dma_wait3A_485] : memref<1280x32xf32, #tpu.memory_space<vmem>> -> memref<128x32xf32, #tpu.memory_space<vmem>>
    %dma_wait3A_487 = arith.constant 0 : i32
    %dma_wait3A_488 = tpu.memref_slice %arg6[%dma_wait3A_483, %dma_wait3A_487] : memref<10x128xi32, #tpu.memory_space<vmem>> -> memref<1x128xi32, #tpu.memory_space<vmem>>
    %dma_wait3A_489 = tpu.memref_squeeze %dma_wait3A_488 : memref<1x128xi32, #tpu.memory_space<vmem>> -> memref<128xi32, #tpu.memory_space<vmem>>
    %dma_wait3A_490 = arith.constant 0 : i32
    %dma_wait3A_491 = arith.constant 0 : i32
    %dma_wait3A_492 = tpu.memref_slice %arg2[%dma_wait3A_490, %dma_wait3A_491] : memref<1000000x32xf32, #tpu.memory_space<hbm>> -> memref<1000000x32xf32, #tpu.memory_space<hbm>>
    tpu.wait_indirect_dma semaphore(%arg12 : memref<!tpu.dma_semaphore, #tpu.memory_space<semaphore_mem>>) src(%dma_wait3A_492 : memref<1000000x32xf32, #tpu.memory_space<hbm>>) dst(%dma_wait3A_486 : memref<128x32xf32, #tpu.memory_space<vmem>>)
    %dma_wait3A_493 = arith.constant 4 : i32
    %dma_wait3A_494 = arith.constant 512 : i32
    %dma_wait3A_495 = arith.constant 0 : i32
    %dma_wait3A_496 = tpu.memref_slice %arg8[%dma_wait3A_494, %dma_wait3A_495] : memref<1280x32xf32, #tpu.memory_space<vmem>> -> memref<128x32xf32, #tpu.memory_space<vmem>>
    %dma_wait3A_497 = arith.constant 0 : i32
    %dma_wait3A_498 = tpu.memref_slice %arg6[%dma_wait3A_493, %dma_wait3A_497] : memref<10x128xi32, #tpu.memory_space<vmem>> -> memref<1x128xi32, #tpu.memory_space<vmem>>
    %dma_wait3A_499 = tpu.memref_squeeze %dma_wait3A_498 : memref<1x128xi32, #tpu.memory_space<vmem>> -> memref<128xi32, #tpu.memory_space<vmem>>
    %dma_wait3A_500 = arith.constant 0 : i32
    %dma_wait3A_501 = arith.constant 0 : i32
    %dma_wait3A_502 = tpu.memref_slice %arg2[%dma_wait3A_500, %dma_wait3A_501] : memref<1000000x32xf32, #tpu.memory_space<hbm>> -> memref<1000000x32xf32, #tpu.memory_space<hbm>>
    tpu.wait_indirect_dma semaphore(%arg12 : memref<!tpu.dma_semaphore, #tpu.memory_space<semaphore_mem>>) src(%dma_wait3A_502 : memref<1000000x32xf32, #tpu.memory_space<hbm>>) dst(%dma_wait3A_496 : memref<128x32xf32, #tpu.memory_space<vmem>>)
    %dma_wait3A_503 = arith.constant 5 : i32
    %dma_wait3A_504 = arith.constant 640 : i32
    %dma_wait3A_505 = arith.constant 0 : i32
    %dma_wait3A_506 = tpu.memref_slice %arg8[%dma_wait3A_504, %dma_wait3A_505] : memref<1280x32xf32, #tpu.memory_space<vmem>> -> memref<128x32xf32, #tpu.memory_space<vmem>>
    %dma_wait3A_507 = arith.constant 0 : i32
    %dma_wait3A_508 = tpu.memref_slice %arg6[%dma_wait3A_503, %dma_wait3A_507] : memref<10x128xi32, #tpu.memory_space<vmem>> -> memref<1x128xi32, #tpu.memory_space<vmem>>
    %dma_wait3A_509 = tpu.memref_squeeze %dma_wait3A_508 : memref<1x128xi32, #tpu.memory_space<vmem>> -> memref<128xi32, #tpu.memory_space<vmem>>
    %dma_wait3A_510 = arith.constant 0 : i32
    %dma_wait3A_511 = arith.constant 0 : i32
    %dma_wait3A_512 = tpu.memref_slice %arg2[%dma_wait3A_510, %dma_wait3A_511] : memref<1000000x32xf32, #tpu.memory_space<hbm>> -> memref<1000000x32xf32, #tpu.memory_space<hbm>>
    tpu.wait_indirect_dma semaphore(%arg12 : memref<!tpu.dma_semaphore, #tpu.memory_space<semaphore_mem>>) src(%dma_wait3A_512 : memref<1000000x32xf32, #tpu.memory_space<hbm>>) dst(%dma_wait3A_506 : memref<128x32xf32, #tpu.memory_space<vmem>>)
    %dma_wait3A_513 = arith.constant 6 : i32
    %dma_wait3A_514 = arith.constant 768 : i32
    %dma_wait3A_515 = arith.constant 0 : i32
    %dma_wait3A_516 = tpu.memref_slice %arg8[%dma_wait3A_514, %dma_wait3A_515] : memref<1280x32xf32, #tpu.memory_space<vmem>> -> memref<128x32xf32, #tpu.memory_space<vmem>>
    %dma_wait3A_517 = arith.constant 0 : i32
    %dma_wait3A_518 = tpu.memref_slice %arg6[%dma_wait3A_513, %dma_wait3A_517] : memref<10x128xi32, #tpu.memory_space<vmem>> -> memref<1x128xi32, #tpu.memory_space<vmem>>
    %dma_wait3A_519 = tpu.memref_squeeze %dma_wait3A_518 : memref<1x128xi32, #tpu.memory_space<vmem>> -> memref<128xi32, #tpu.memory_space<vmem>>
    %dma_wait3A_520 = arith.constant 0 : i32
    %dma_wait3A_521 = arith.constant 0 : i32
    %dma_wait3A_522 = tpu.memref_slice %arg2[%dma_wait3A_520, %dma_wait3A_521] : memref<1000000x32xf32, #tpu.memory_space<hbm>> -> memref<1000000x32xf32, #tpu.memory_space<hbm>>
    tpu.wait_indirect_dma semaphore(%arg12 : memref<!tpu.dma_semaphore, #tpu.memory_space<semaphore_mem>>) src(%dma_wait3A_522 : memref<1000000x32xf32, #tpu.memory_space<hbm>>) dst(%dma_wait3A_516 : memref<128x32xf32, #tpu.memory_space<vmem>>)
    %dma_wait3A_523 = arith.constant 7 : i32
    %dma_wait3A_524 = arith.constant 896 : i32
    %dma_wait3A_525 = arith.constant 0 : i32
    %dma_wait3A_526 = tpu.memref_slice %arg8[%dma_wait3A_524, %dma_wait3A_525] : memref<1280x32xf32, #tpu.memory_space<vmem>> -> memref<128x32xf32, #tpu.memory_space<vmem>>
    %dma_wait3A_527 = arith.constant 0 : i32
    %dma_wait3A_528 = tpu.memref_slice %arg6[%dma_wait3A_523, %dma_wait3A_527] : memref<10x128xi32, #tpu.memory_space<vmem>> -> memref<1x128xi32, #tpu.memory_space<vmem>>
    %dma_wait3A_529 = tpu.memref_squeeze %dma_wait3A_528 : memref<1x128xi32, #tpu.memory_space<vmem>> -> memref<128xi32, #tpu.memory_space<vmem>>
    %dma_wait3A_530 = arith.constant 0 : i32
    %dma_wait3A_531 = arith.constant 0 : i32
    %dma_wait3A_532 = tpu.memref_slice %arg2[%dma_wait3A_530, %dma_wait3A_531] : memref<1000000x32xf32, #tpu.memory_space<hbm>> -> memref<1000000x32xf32, #tpu.memory_space<hbm>>
    tpu.wait_indirect_dma semaphore(%arg12 : memref<!tpu.dma_semaphore, #tpu.memory_space<semaphore_mem>>) src(%dma_wait3A_532 : memref<1000000x32xf32, #tpu.memory_space<hbm>>) dst(%dma_wait3A_526 : memref<128x32xf32, #tpu.memory_space<vmem>>)
    %dma_wait3A_533 = arith.constant 8 : i32
    %dma_wait3A_534 = arith.constant 1024 : i32
    %dma_wait3A_535 = arith.constant 0 : i32
    %dma_wait3A_536 = tpu.memref_slice %arg8[%dma_wait3A_534, %dma_wait3A_535] : memref<1280x32xf32, #tpu.memory_space<vmem>> -> memref<128x32xf32, #tpu.memory_space<vmem>>
    %dma_wait3A_537 = arith.constant 0 : i32
    %dma_wait3A_538 = tpu.memref_slice %arg6[%dma_wait3A_533, %dma_wait3A_537] : memref<10x128xi32, #tpu.memory_space<vmem>> -> memref<1x128xi32, #tpu.memory_space<vmem>>
    %dma_wait3A_539 = tpu.memref_squeeze %dma_wait3A_538 : memref<1x128xi32, #tpu.memory_space<vmem>> -> memref<128xi32, #tpu.memory_space<vmem>>
    %dma_wait3A_540 = arith.constant 0 : i32
    %dma_wait3A_541 = arith.constant 0 : i32
    %dma_wait3A_542 = tpu.memref_slice %arg2[%dma_wait3A_540, %dma_wait3A_541] : memref<1000000x32xf32, #tpu.memory_space<hbm>> -> memref<1000000x32xf32, #tpu.memory_space<hbm>>
    tpu.wait_indirect_dma semaphore(%arg12 : memref<!tpu.dma_semaphore, #tpu.memory_space<semaphore_mem>>) src(%dma_wait3A_542 : memref<1000000x32xf32, #tpu.memory_space<hbm>>) dst(%dma_wait3A_536 : memref<128x32xf32, #tpu.memory_space<vmem>>)
    %dma_wait3A_543 = arith.constant 9 : i32
    %dma_wait3A_544 = arith.constant 1152 : i32
    %dma_wait3A_545 = arith.constant 0 : i32
    %dma_wait3A_546 = tpu.memref_slice %arg8[%dma_wait3A_544, %dma_wait3A_545] : memref<1280x32xf32, #tpu.memory_space<vmem>> -> memref<128x32xf32, #tpu.memory_space<vmem>>
    %dma_wait3A_547 = arith.constant 0 : i32
    %dma_wait3A_548 = tpu.memref_slice %arg6[%dma_wait3A_543, %dma_wait3A_547] : memref<10x128xi32, #tpu.memory_space<vmem>> -> memref<1x128xi32, #tpu.memory_space<vmem>>
    %dma_wait3A_549 = tpu.memref_squeeze %dma_wait3A_548 : memref<1x128xi32, #tpu.memory_space<vmem>> -> memref<128xi32, #tpu.memory_space<vmem>>
    %dma_wait3A_550 = arith.constant 0 : i32
    %dma_wait3A_551 = arith.constant 0 : i32
    %dma_wait3A_552 = tpu.memref_slice %arg2[%dma_wait3A_550, %dma_wait3A_551] : memref<1000000x32xf32, #tpu.memory_space<hbm>> -> memref<1000000x32xf32, #tpu.memory_space<hbm>>
    tpu.wait_indirect_dma semaphore(%arg12 : memref<!tpu.dma_semaphore, #tpu.memory_space<semaphore_mem>>) src(%dma_wait3A_552 : memref<1000000x32xf32, #tpu.memory_space<hbm>>) dst(%dma_wait3A_546 : memref<128x32xf32, #tpu.memory_space<vmem>>)
    %add3A_553 = arith.constant 10 : i32
    %add3A_554 = arith.addi %mul3A_2, %add3A_553 : i32
    %mul3A_555 = arith.constant 128 : i32
    %mul3A_556 = arith.muli %add3A_554, %mul3A_555 : i32
    %dma_start3A_557 = arith.constant 0 : i32
    %dma_start3A_558 = tpu.memref_slice %arg4[%mul3A_556, %dma_start3A_557] : memref<3276800x32xf32, #tpu.memory_space<hbm>> -> memref<1280x32xf32, #tpu.memory_space<hbm>>
    %dma_start3A_559 = arith.constant 0 : i32
    %dma_start3A_560 = tpu.memref_slice %arg4[%mul3A_556, %dma_start3A_559] : memref<3276800x32xf32, #tpu.memory_space<hbm>> -> memref<1280x32xf32, #tpu.memory_space<hbm>>
    tpu.enqueue_dma source(%arg8 : memref<1280x32xf32, #tpu.memory_space<vmem>>) target(%dma_start3A_560 : memref<1280x32xf32, #tpu.memory_space<hbm>>) target_semaphore(%arg14 : memref<!tpu.dma_semaphore, #tpu.memory_space<semaphore_mem>>)
    %add3A_561 = arith.constant 30 : i32
    %add3A_562 = arith.addi %mul3A_2, %add3A_561 : i32
    %dma_start3A_563 = arith.constant 0 : i32
    %dma_start3A_564 = tpu.memref_slice %arg3[%add3A_562, %dma_start3A_563] : memref<25600x128xi32, #tpu.memory_space<hbm>> -> memref<10x128xi32, #tpu.memory_space<hbm>>
    %dma_start3A_565 = arith.constant 0 : i32
    %dma_start3A_566 = tpu.memref_slice %arg3[%add3A_562, %dma_start3A_565] : memref<25600x128xi32, #tpu.memory_space<hbm>> -> memref<10x128xi32, #tpu.memory_space<hbm>>
    tpu.enqueue_dma source(%dma_start3A_566 : memref<10x128xi32, #tpu.memory_space<hbm>>) target(%arg6 : memref<10x128xi32, #tpu.memory_space<vmem>>) target_semaphore(%arg10 : memref<!tpu.dma_semaphore, #tpu.memory_space<semaphore_mem>>)
    %scan3A = arith.constant 0 : i32
    %scan3A_567 = arith.constant 1 : i32
    %scan3A_568 = arith.constant 38 : i32
    %scan3A_569 = arith.addi %scan3A_567, %scan3A_568 : i32
    %scan3A_570 = arith.constant 1 : i32
    scf.for %scan3A_918 = %scan3A_567 to %scan3A_569 step %scan3A_570  : i32 {
      %mul3A_919 = arith.constant 2 : i32
      %mul3A_920 = arith.muli %mul3A_919, %scan3A_918 : i32
      %add3A_921 = arith.constant 1 : i32
      %add3A_922 = arith.addi %mul3A_920, %add3A_921 : i32
      %mul3A_923 = arith.constant 10 : i32
      %mul3A_924 = arith.muli %add3A_922, %mul3A_923 : i32
      %add3A_925 = arith.addi %mul3A_2, %mul3A_924 : i32
      %dma_wait3A_926 = arith.constant 0 : i32
      %dma_wait3A_927 = tpu.memref_slice %arg3[%add3A_925, %dma_wait3A_926] : memref<25600x128xi32, #tpu.memory_space<hbm>> -> memref<10x128xi32, #tpu.memory_space<hbm>>
      %dma_wait3A_928 = arith.constant 0 : i32
      %dma_wait3A_929 = tpu.memref_slice %arg3[%add3A_925, %dma_wait3A_928] : memref<25600x128xi32, #tpu.memory_space<hbm>> -> memref<10x128xi32, #tpu.memory_space<hbm>>
      tpu.wait_dma2 semaphore(%arg10 : memref<!tpu.dma_semaphore, #tpu.memory_space<semaphore_mem>>) src(%dma_wait3A_929 : memref<10x128xi32, #tpu.memory_space<hbm>>) dst(%arg6 : memref<10x128xi32, #tpu.memory_space<vmem>>)
      %sub3A = arith.constant 2 : i32
      %sub3A_930 = arith.subi %add3A_922, %sub3A : i32
      %mul3A_931 = arith.constant 10 : i32
      %mul3A_932 = arith.muli %sub3A_930, %mul3A_931 : i32
      %add3A_933 = arith.addi %mul3A_2, %mul3A_932 : i32
      %mul3A_934 = arith.constant 128 : i32
      %mul3A_935 = arith.muli %add3A_933, %mul3A_934 : i32
      %dma_wait3A_936 = arith.constant 0 : i32
      %dma_wait3A_937 = tpu.memref_slice %arg4[%mul3A_935, %dma_wait3A_936] : memref<3276800x32xf32, #tpu.memory_space<hbm>> -> memref<1280x32xf32, #tpu.memory_space<hbm>>
      %dma_wait3A_938 = arith.constant 0 : i32
      %dma_wait3A_939 = tpu.memref_slice %arg4[%mul3A_935, %dma_wait3A_938] : memref<3276800x32xf32, #tpu.memory_space<hbm>> -> memref<1280x32xf32, #tpu.memory_space<hbm>>
      tpu.wait_dma2 semaphore(%arg14 : memref<!tpu.dma_semaphore, #tpu.memory_space<semaphore_mem>>) src(%arg8 : memref<1280x32xf32, #tpu.memory_space<vmem>>) dst(%dma_wait3A_939 : memref<1280x32xf32, #tpu.memory_space<hbm>>)
      %dma_start3A_940 = arith.constant 0 : i32
      %dma_start3A_941 = arith.constant 0 : i32
      %dma_start3A_942 = arith.constant 0 : i32
      %dma_start3A_943 = tpu.memref_slice %arg8[%dma_start3A_941, %dma_start3A_942] : memref<1280x32xf32, #tpu.memory_space<vmem>> -> memref<128x32xf32, #tpu.memory_space<vmem>>
      %dma_start3A_944 = arith.constant 0 : i32
      %dma_start3A_945 = tpu.memref_slice %arg6[%dma_start3A_940, %dma_start3A_944] : memref<10x128xi32, #tpu.memory_space<vmem>> -> memref<1x128xi32, #tpu.memory_space<vmem>>
      %dma_start3A_946 = tpu.memref_squeeze %dma_start3A_945 : memref<1x128xi32, #tpu.memory_space<vmem>> -> memref<128xi32, #tpu.memory_space<vmem>>
      %dma_start3A_947 = arith.constant 0 : i32
      %dma_start3A_948 = arith.constant 0 : i32
      %dma_start3A_949 = tpu.memref_slice %arg2[%dma_start3A_947, %dma_start3A_948] : memref<1000000x32xf32, #tpu.memory_space<hbm>> -> memref<1000000x32xf32, #tpu.memory_space<hbm>>
      tpu.enqueue_indirect_dma source(%dma_start3A_949 : memref<1000000x32xf32, #tpu.memory_space<hbm>>) target(%dma_start3A_943 : memref<128x32xf32, #tpu.memory_space<vmem>>) offsets(%dma_start3A_946 : memref<128xi32, #tpu.memory_space<vmem>>) semaphore(%arg12 : memref<!tpu.dma_semaphore, #tpu.memory_space<semaphore_mem>>)
      %dma_start3A_950 = arith.constant 1 : i32
      %dma_start3A_951 = arith.constant 128 : i32
      %dma_start3A_952 = arith.constant 0 : i32
      %dma_start3A_953 = tpu.memref_slice %arg8[%dma_start3A_951, %dma_start3A_952] : memref<1280x32xf32, #tpu.memory_space<vmem>> -> memref<128x32xf32, #tpu.memory_space<vmem>>
      %dma_start3A_954 = arith.constant 0 : i32
      %dma_start3A_955 = tpu.memref_slice %arg6[%dma_start3A_950, %dma_start3A_954] : memref<10x128xi32, #tpu.memory_space<vmem>> -> memref<1x128xi32, #tpu.memory_space<vmem>>
      %dma_start3A_956 = tpu.memref_squeeze %dma_start3A_955 : memref<1x128xi32, #tpu.memory_space<vmem>> -> memref<128xi32, #tpu.memory_space<vmem>>
      %dma_start3A_957 = arith.constant 0 : i32
      %dma_start3A_958 = arith.constant 0 : i32
      %dma_start3A_959 = tpu.memref_slice %arg2[%dma_start3A_957, %dma_start3A_958] : memref<1000000x32xf32, #tpu.memory_space<hbm>> -> memref<1000000x32xf32, #tpu.memory_space<hbm>>
      tpu.enqueue_indirect_dma source(%dma_start3A_959 : memref<1000000x32xf32, #tpu.memory_space<hbm>>) target(%dma_start3A_953 : memref<128x32xf32, #tpu.memory_space<vmem>>) offsets(%dma_start3A_956 : memref<128xi32, #tpu.memory_space<vmem>>) semaphore(%arg12 : memref<!tpu.dma_semaphore, #tpu.memory_space<semaphore_mem>>)
      %dma_start3A_960 = arith.constant 2 : i32
      %dma_start3A_961 = arith.constant 256 : i32
      %dma_start3A_962 = arith.constant 0 : i32
      %dma_start3A_963 = tpu.memref_slice %arg8[%dma_start3A_961, %dma_start3A_962] : memref<1280x32xf32, #tpu.memory_space<vmem>> -> memref<128x32xf32, #tpu.memory_space<vmem>>
      %dma_start3A_964 = arith.constant 0 : i32
      %dma_start3A_965 = tpu.memref_slice %arg6[%dma_start3A_960, %dma_start3A_964] : memref<10x128xi32, #tpu.memory_space<vmem>> -> memref<1x128xi32, #tpu.memory_space<vmem>>
      %dma_start3A_966 = tpu.memref_squeeze %dma_start3A_965 : memref<1x128xi32, #tpu.memory_space<vmem>> -> memref<128xi32, #tpu.memory_space<vmem>>
      %dma_start3A_967 = arith.constant 0 : i32
      %dma_start3A_968 = arith.constant 0 : i32
      %dma_start3A_969 = tpu.memref_slice %arg2[%dma_start3A_967, %dma_start3A_968] : memref<1000000x32xf32, #tpu.memory_space<hbm>> -> memref<1000000x32xf32, #tpu.memory_space<hbm>>
      tpu.enqueue_indirect_dma source(%dma_start3A_969 : memref<1000000x32xf32, #tpu.memory_space<hbm>>) target(%dma_start3A_963 : memref<128x32xf32, #tpu.memory_space<vmem>>) offsets(%dma_start3A_966 : memref<128xi32, #tpu.memory_space<vmem>>) semaphore(%arg12 : memref<!tpu.dma_semaphore, #tpu.memory_space<semaphore_mem>>)
      %dma_start3A_970 = arith.constant 3 : i32
      %dma_start3A_971 = arith.constant 384 : i32
      %dma_start3A_972 = arith.constant 0 : i32
      %dma_start3A_973 = tpu.memref_slice %arg8[%dma_start3A_971, %dma_start3A_972] : memref<1280x32xf32, #tpu.memory_space<vmem>> -> memref<128x32xf32, #tpu.memory_space<vmem>>
      %dma_start3A_974 = arith.constant 0 : i32
      %dma_start3A_975 = tpu.memref_slice %arg6[%dma_start3A_970, %dma_start3A_974] : memref<10x128xi32, #tpu.memory_space<vmem>> -> memref<1x128xi32, #tpu.memory_space<vmem>>
      %dma_start3A_976 = tpu.memref_squeeze %dma_start3A_975 : memref<1x128xi32, #tpu.memory_space<vmem>> -> memref<128xi32, #tpu.memory_space<vmem>>
      %dma_start3A_977 = arith.constant 0 : i32
      %dma_start3A_978 = arith.constant 0 : i32
      %dma_start3A_979 = tpu.memref_slice %arg2[%dma_start3A_977, %dma_start3A_978] : memref<1000000x32xf32, #tpu.memory_space<hbm>> -> memref<1000000x32xf32, #tpu.memory_space<hbm>>
      tpu.enqueue_indirect_dma source(%dma_start3A_979 : memref<1000000x32xf32, #tpu.memory_space<hbm>>) target(%dma_start3A_973 : memref<128x32xf32, #tpu.memory_space<vmem>>) offsets(%dma_start3A_976 : memref<128xi32, #tpu.memory_space<vmem>>) semaphore(%arg12 : memref<!tpu.dma_semaphore, #tpu.memory_space<semaphore_mem>>)
      %dma_start3A_980 = arith.constant 4 : i32
      %dma_start3A_981 = arith.constant 512 : i32
      %dma_start3A_982 = arith.constant 0 : i32
      %dma_start3A_983 = tpu.memref_slice %arg8[%dma_start3A_981, %dma_start3A_982] : memref<1280x32xf32, #tpu.memory_space<vmem>> -> memref<128x32xf32, #tpu.memory_space<vmem>>
      %dma_start3A_984 = arith.constant 0 : i32
      %dma_start3A_985 = tpu.memref_slice %arg6[%dma_start3A_980, %dma_start3A_984] : memref<10x128xi32, #tpu.memory_space<vmem>> -> memref<1x128xi32, #tpu.memory_space<vmem>>
      %dma_start3A_986 = tpu.memref_squeeze %dma_start3A_985 : memref<1x128xi32, #tpu.memory_space<vmem>> -> memref<128xi32, #tpu.memory_space<vmem>>
      %dma_start3A_987 = arith.constant 0 : i32
      %dma_start3A_988 = arith.constant 0 : i32
      %dma_start3A_989 = tpu.memref_slice %arg2[%dma_start3A_987, %dma_start3A_988] : memref<1000000x32xf32, #tpu.memory_space<hbm>> -> memref<1000000x32xf32, #tpu.memory_space<hbm>>
      tpu.enqueue_indirect_dma source(%dma_start3A_989 : memref<1000000x32xf32, #tpu.memory_space<hbm>>) target(%dma_start3A_983 : memref<128x32xf32, #tpu.memory_space<vmem>>) offsets(%dma_start3A_986 : memref<128xi32, #tpu.memory_space<vmem>>) semaphore(%arg12 : memref<!tpu.dma_semaphore, #tpu.memory_space<semaphore_mem>>)
      %dma_start3A_990 = arith.constant 5 : i32
      %dma_start3A_991 = arith.constant 640 : i32
      %dma_start3A_992 = arith.constant 0 : i32
      %dma_start3A_993 = tpu.memref_slice %arg8[%dma_start3A_991, %dma_start3A_992] : memref<1280x32xf32, #tpu.memory_space<vmem>> -> memref<128x32xf32, #tpu.memory_space<vmem>>
      %dma_start3A_994 = arith.constant 0 : i32
      %dma_start3A_995 = tpu.memref_slice %arg6[%dma_start3A_990, %dma_start3A_994] : memref<10x128xi32, #tpu.memory_space<vmem>> -> memref<1x128xi32, #tpu.memory_space<vmem>>
      %dma_start3A_996 = tpu.memref_squeeze %dma_start3A_995 : memref<1x128xi32, #tpu.memory_space<vmem>> -> memref<128xi32, #tpu.memory_space<vmem>>
      %dma_start3A_997 = arith.constant 0 : i32
      %dma_start3A_998 = arith.constant 0 : i32
      %dma_start3A_999 = tpu.memref_slice %arg2[%dma_start3A_997, %dma_start3A_998] : memref<1000000x32xf32, #tpu.memory_space<hbm>> -> memref<1000000x32xf32, #tpu.memory_space<hbm>>
      tpu.enqueue_indirect_dma source(%dma_start3A_999 : memref<1000000x32xf32, #tpu.memory_space<hbm>>) target(%dma_start3A_993 : memref<128x32xf32, #tpu.memory_space<vmem>>) offsets(%dma_start3A_996 : memref<128xi32, #tpu.memory_space<vmem>>) semaphore(%arg12 : memref<!tpu.dma_semaphore, #tpu.memory_space<semaphore_mem>>)
      %dma_start3A_1000 = arith.constant 6 : i32
      %dma_start3A_1001 = arith.constant 768 : i32
      %dma_start3A_1002 = arith.constant 0 : i32
      %dma_start3A_1003 = tpu.memref_slice %arg8[%dma_start3A_1001, %dma_start3A_1002] : memref<1280x32xf32, #tpu.memory_space<vmem>> -> memref<128x32xf32, #tpu.memory_space<vmem>>
      %dma_start3A_1004 = arith.constant 0 : i32
      %dma_start3A_1005 = tpu.memref_slice %arg6[%dma_start3A_1000, %dma_start3A_1004] : memref<10x128xi32, #tpu.memory_space<vmem>> -> memref<1x128xi32, #tpu.memory_space<vmem>>
      %dma_start3A_1006 = tpu.memref_squeeze %dma_start3A_1005 : memref<1x128xi32, #tpu.memory_space<vmem>> -> memref<128xi32, #tpu.memory_space<vmem>>
      %dma_start3A_1007 = arith.constant 0 : i32
      %dma_start3A_1008 = arith.constant 0 : i32
      %dma_start3A_1009 = tpu.memref_slice %arg2[%dma_start3A_1007, %dma_start3A_1008] : memref<1000000x32xf32, #tpu.memory_space<hbm>> -> memref<1000000x32xf32, #tpu.memory_space<hbm>>
      tpu.enqueue_indirect_dma source(%dma_start3A_1009 : memref<1000000x32xf32, #tpu.memory_space<hbm>>) target(%dma_start3A_1003 : memref<128x32xf32, #tpu.memory_space<vmem>>) offsets(%dma_start3A_1006 : memref<128xi32, #tpu.memory_space<vmem>>) semaphore(%arg12 : memref<!tpu.dma_semaphore, #tpu.memory_space<semaphore_mem>>)
      %dma_start3A_1010 = arith.constant 7 : i32
      %dma_start3A_1011 = arith.constant 896 : i32
      %dma_start3A_1012 = arith.constant 0 : i32
      %dma_start3A_1013 = tpu.memref_slice %arg8[%dma_start3A_1011, %dma_start3A_1012] : memref<1280x32xf32, #tpu.memory_space<vmem>> -> memref<128x32xf32, #tpu.memory_space<vmem>>
      %dma_start3A_1014 = arith.constant 0 : i32
      %dma_start3A_1015 = tpu.memref_slice %arg6[%dma_start3A_1010, %dma_start3A_1014] : memref<10x128xi32, #tpu.memory_space<vmem>> -> memref<1x128xi32, #tpu.memory_space<vmem>>
      %dma_start3A_1016 = tpu.memref_squeeze %dma_start3A_1015 : memref<1x128xi32, #tpu.memory_space<vmem>> -> memref<128xi32, #tpu.memory_space<vmem>>
      %dma_start3A_1017 = arith.constant 0 : i32
      %dma_start3A_1018 = arith.constant 0 : i32
      %dma_start3A_1019 = tpu.memref_slice %arg2[%dma_start3A_1017, %dma_start3A_1018] : memref<1000000x32xf32, #tpu.memory_space<hbm>> -> memref<1000000x32xf32, #tpu.memory_space<hbm>>
      tpu.enqueue_indirect_dma source(%dma_start3A_1019 : memref<1000000x32xf32, #tpu.memory_space<hbm>>) target(%dma_start3A_1013 : memref<128x32xf32, #tpu.memory_space<vmem>>) offsets(%dma_start3A_1016 : memref<128xi32, #tpu.memory_space<vmem>>) semaphore(%arg12 : memref<!tpu.dma_semaphore, #tpu.memory_space<semaphore_mem>>)
      %dma_start3A_1020 = arith.constant 8 : i32
      %dma_start3A_1021 = arith.constant 1024 : i32
      %dma_start3A_1022 = arith.constant 0 : i32
      %dma_start3A_1023 = tpu.memref_slice %arg8[%dma_start3A_1021, %dma_start3A_1022] : memref<1280x32xf32, #tpu.memory_space<vmem>> -> memref<128x32xf32, #tpu.memory_space<vmem>>
      %dma_start3A_1024 = arith.constant 0 : i32
      %dma_start3A_1025 = tpu.memref_slice %arg6[%dma_start3A_1020, %dma_start3A_1024] : memref<10x128xi32, #tpu.memory_space<vmem>> -> memref<1x128xi32, #tpu.memory_space<vmem>>
      %dma_start3A_1026 = tpu.memref_squeeze %dma_start3A_1025 : memref<1x128xi32, #tpu.memory_space<vmem>> -> memref<128xi32, #tpu.memory_space<vmem>>
      %dma_start3A_1027 = arith.constant 0 : i32
      %dma_start3A_1028 = arith.constant 0 : i32
      %dma_start3A_1029 = tpu.memref_slice %arg2[%dma_start3A_1027, %dma_start3A_1028] : memref<1000000x32xf32, #tpu.memory_space<hbm>> -> memref<1000000x32xf32, #tpu.memory_space<hbm>>
      tpu.enqueue_indirect_dma source(%dma_start3A_1029 : memref<1000000x32xf32, #tpu.memory_space<hbm>>) target(%dma_start3A_1023 : memref<128x32xf32, #tpu.memory_space<vmem>>) offsets(%dma_start3A_1026 : memref<128xi32, #tpu.memory_space<vmem>>) semaphore(%arg12 : memref<!tpu.dma_semaphore, #tpu.memory_space<semaphore_mem>>)
      %dma_start3A_1030 = arith.constant 9 : i32
      %dma_start3A_1031 = arith.constant 1152 : i32
      %dma_start3A_1032 = arith.constant 0 : i32
      %dma_start3A_1033 = tpu.memref_slice %arg8[%dma_start3A_1031, %dma_start3A_1032] : memref<1280x32xf32, #tpu.memory_space<vmem>> -> memref<128x32xf32, #tpu.memory_space<vmem>>
      %dma_start3A_1034 = arith.constant 0 : i32
      %dma_start3A_1035 = tpu.memref_slice %arg6[%dma_start3A_1030, %dma_start3A_1034] : memref<10x128xi32, #tpu.memory_space<vmem>> -> memref<1x128xi32, #tpu.memory_space<vmem>>
      %dma_start3A_1036 = tpu.memref_squeeze %dma_start3A_1035 : memref<1x128xi32, #tpu.memory_space<vmem>> -> memref<128xi32, #tpu.memory_space<vmem>>
      %dma_start3A_1037 = arith.constant 0 : i32
      %dma_start3A_1038 = arith.constant 0 : i32
      %dma_start3A_1039 = tpu.memref_slice %arg2[%dma_start3A_1037, %dma_start3A_1038] : memref<1000000x32xf32, #tpu.memory_space<hbm>> -> memref<1000000x32xf32, #tpu.memory_space<hbm>>
      tpu.enqueue_indirect_dma source(%dma_start3A_1039 : memref<1000000x32xf32, #tpu.memory_space<hbm>>) target(%dma_start3A_1033 : memref<128x32xf32, #tpu.memory_space<vmem>>) offsets(%dma_start3A_1036 : memref<128xi32, #tpu.memory_space<vmem>>) semaphore(%arg12 : memref<!tpu.dma_semaphore, #tpu.memory_space<semaphore_mem>>)
      %dma_wait3A_1040 = arith.constant 0 : i32
      %dma_wait3A_1041 = arith.constant 0 : i32
      %dma_wait3A_1042 = arith.constant 0 : i32
      %dma_wait3A_1043 = tpu.memref_slice %arg7[%dma_wait3A_1041, %dma_wait3A_1042] : memref<1280x32xf32, #tpu.memory_space<vmem>> -> memref<128x32xf32, #tpu.memory_space<vmem>>
      %dma_wait3A_1044 = arith.constant 0 : i32
      %dma_wait3A_1045 = tpu.memref_slice %arg5[%dma_wait3A_1040, %dma_wait3A_1044] : memref<10x128xi32, #tpu.memory_space<vmem>> -> memref<1x128xi32, #tpu.memory_space<vmem>>
      %dma_wait3A_1046 = tpu.memref_squeeze %dma_wait3A_1045 : memref<1x128xi32, #tpu.memory_space<vmem>> -> memref<128xi32, #tpu.memory_space<vmem>>
      %dma_wait3A_1047 = arith.constant 0 : i32
      %dma_wait3A_1048 = arith.constant 0 : i32
      %dma_wait3A_1049 = tpu.memref_slice %arg2[%dma_wait3A_1047, %dma_wait3A_1048] : memref<1000000x32xf32, #tpu.memory_space<hbm>> -> memref<1000000x32xf32, #tpu.memory_space<hbm>>
      tpu.wait_indirect_dma semaphore(%arg11 : memref<!tpu.dma_semaphore, #tpu.memory_space<semaphore_mem>>) src(%dma_wait3A_1049 : memref<1000000x32xf32, #tpu.memory_space<hbm>>) dst(%dma_wait3A_1043 : memref<128x32xf32, #tpu.memory_space<vmem>>)
      %dma_wait3A_1050 = arith.constant 1 : i32
      %dma_wait3A_1051 = arith.constant 128 : i32
      %dma_wait3A_1052 = arith.constant 0 : i32
      %dma_wait3A_1053 = tpu.memref_slice %arg7[%dma_wait3A_1051, %dma_wait3A_1052] : memref<1280x32xf32, #tpu.memory_space<vmem>> -> memref<128x32xf32, #tpu.memory_space<vmem>>
      %dma_wait3A_1054 = arith.constant 0 : i32
      %dma_wait3A_1055 = tpu.memref_slice %arg5[%dma_wait3A_1050, %dma_wait3A_1054] : memref<10x128xi32, #tpu.memory_space<vmem>> -> memref<1x128xi32, #tpu.memory_space<vmem>>
      %dma_wait3A_1056 = tpu.memref_squeeze %dma_wait3A_1055 : memref<1x128xi32, #tpu.memory_space<vmem>> -> memref<128xi32, #tpu.memory_space<vmem>>
      %dma_wait3A_1057 = arith.constant 0 : i32
      %dma_wait3A_1058 = arith.constant 0 : i32
      %dma_wait3A_1059 = tpu.memref_slice %arg2[%dma_wait3A_1057, %dma_wait3A_1058] : memref<1000000x32xf32, #tpu.memory_space<hbm>> -> memref<1000000x32xf32, #tpu.memory_space<hbm>>
      tpu.wait_indirect_dma semaphore(%arg11 : memref<!tpu.dma_semaphore, #tpu.memory_space<semaphore_mem>>) src(%dma_wait3A_1059 : memref<1000000x32xf32, #tpu.memory_space<hbm>>) dst(%dma_wait3A_1053 : memref<128x32xf32, #tpu.memory_space<vmem>>)
      %dma_wait3A_1060 = arith.constant 2 : i32
      %dma_wait3A_1061 = arith.constant 256 : i32
      %dma_wait3A_1062 = arith.constant 0 : i32
      %dma_wait3A_1063 = tpu.memref_slice %arg7[%dma_wait3A_1061, %dma_wait3A_1062] : memref<1280x32xf32, #tpu.memory_space<vmem>> -> memref<128x32xf32, #tpu.memory_space<vmem>>
      %dma_wait3A_1064 = arith.constant 0 : i32
      %dma_wait3A_1065 = tpu.memref_slice %arg5[%dma_wait3A_1060, %dma_wait3A_1064] : memref<10x128xi32, #tpu.memory_space<vmem>> -> memref<1x128xi32, #tpu.memory_space<vmem>>
      %dma_wait3A_1066 = tpu.memref_squeeze %dma_wait3A_1065 : memref<1x128xi32, #tpu.memory_space<vmem>> -> memref<128xi32, #tpu.memory_space<vmem>>
      %dma_wait3A_1067 = arith.constant 0 : i32
      %dma_wait3A_1068 = arith.constant 0 : i32
      %dma_wait3A_1069 = tpu.memref_slice %arg2[%dma_wait3A_1067, %dma_wait3A_1068] : memref<1000000x32xf32, #tpu.memory_space<hbm>> -> memref<1000000x32xf32, #tpu.memory_space<hbm>>
      tpu.wait_indirect_dma semaphore(%arg11 : memref<!tpu.dma_semaphore, #tpu.memory_space<semaphore_mem>>) src(%dma_wait3A_1069 : memref<1000000x32xf32, #tpu.memory_space<hbm>>) dst(%dma_wait3A_1063 : memref<128x32xf32, #tpu.memory_space<vmem>>)
      %dma_wait3A_1070 = arith.constant 3 : i32
      %dma_wait3A_1071 = arith.constant 384 : i32
      %dma_wait3A_1072 = arith.constant 0 : i32
      %dma_wait3A_1073 = tpu.memref_slice %arg7[%dma_wait3A_1071, %dma_wait3A_1072] : memref<1280x32xf32, #tpu.memory_space<vmem>> -> memref<128x32xf32, #tpu.memory_space<vmem>>
      %dma_wait3A_1074 = arith.constant 0 : i32
      %dma_wait3A_1075 = tpu.memref_slice %arg5[%dma_wait3A_1070, %dma_wait3A_1074] : memref<10x128xi32, #tpu.memory_space<vmem>> -> memref<1x128xi32, #tpu.memory_space<vmem>>
      %dma_wait3A_1076 = tpu.memref_squeeze %dma_wait3A_1075 : memref<1x128xi32, #tpu.memory_space<vmem>> -> memref<128xi32, #tpu.memory_space<vmem>>
      %dma_wait3A_1077 = arith.constant 0 : i32
      %dma_wait3A_1078 = arith.constant 0 : i32
      %dma_wait3A_1079 = tpu.memref_slice %arg2[%dma_wait3A_1077, %dma_wait3A_1078] : memref<1000000x32xf32, #tpu.memory_space<hbm>> -> memref<1000000x32xf32, #tpu.memory_space<hbm>>
      tpu.wait_indirect_dma semaphore(%arg11 : memref<!tpu.dma_semaphore, #tpu.memory_space<semaphore_mem>>) src(%dma_wait3A_1079 : memref<1000000x32xf32, #tpu.memory_space<hbm>>) dst(%dma_wait3A_1073 : memref<128x32xf32, #tpu.memory_space<vmem>>)
      %dma_wait3A_1080 = arith.constant 4 : i32
      %dma_wait3A_1081 = arith.constant 512 : i32
      %dma_wait3A_1082 = arith.constant 0 : i32
      %dma_wait3A_1083 = tpu.memref_slice %arg7[%dma_wait3A_1081, %dma_wait3A_1082] : memref<1280x32xf32, #tpu.memory_space<vmem>> -> memref<128x32xf32, #tpu.memory_space<vmem>>
      %dma_wait3A_1084 = arith.constant 0 : i32
      %dma_wait3A_1085 = tpu.memref_slice %arg5[%dma_wait3A_1080, %dma_wait3A_1084] : memref<10x128xi32, #tpu.memory_space<vmem>> -> memref<1x128xi32, #tpu.memory_space<vmem>>
      %dma_wait3A_1086 = tpu.memref_squeeze %dma_wait3A_1085 : memref<1x128xi32, #tpu.memory_space<vmem>> -> memref<128xi32, #tpu.memory_space<vmem>>
      %dma_wait3A_1087 = arith.constant 0 : i32
      %dma_wait3A_1088 = arith.constant 0 : i32
      %dma_wait3A_1089 = tpu.memref_slice %arg2[%dma_wait3A_1087, %dma_wait3A_1088] : memref<1000000x32xf32, #tpu.memory_space<hbm>> -> memref<1000000x32xf32, #tpu.memory_space<hbm>>
      tpu.wait_indirect_dma semaphore(%arg11 : memref<!tpu.dma_semaphore, #tpu.memory_space<semaphore_mem>>) src(%dma_wait3A_1089 : memref<1000000x32xf32, #tpu.memory_space<hbm>>) dst(%dma_wait3A_1083 : memref<128x32xf32, #tpu.memory_space<vmem>>)
      %dma_wait3A_1090 = arith.constant 5 : i32
      %dma_wait3A_1091 = arith.constant 640 : i32
      %dma_wait3A_1092 = arith.constant 0 : i32
      %dma_wait3A_1093 = tpu.memref_slice %arg7[%dma_wait3A_1091, %dma_wait3A_1092] : memref<1280x32xf32, #tpu.memory_space<vmem>> -> memref<128x32xf32, #tpu.memory_space<vmem>>
      %dma_wait3A_1094 = arith.constant 0 : i32
      %dma_wait3A_1095 = tpu.memref_slice %arg5[%dma_wait3A_1090, %dma_wait3A_1094] : memref<10x128xi32, #tpu.memory_space<vmem>> -> memref<1x128xi32, #tpu.memory_space<vmem>>
      %dma_wait3A_1096 = tpu.memref_squeeze %dma_wait3A_1095 : memref<1x128xi32, #tpu.memory_space<vmem>> -> memref<128xi32, #tpu.memory_space<vmem>>
      %dma_wait3A_1097 = arith.constant 0 : i32
      %dma_wait3A_1098 = arith.constant 0 : i32
      %dma_wait3A_1099 = tpu.memref_slice %arg2[%dma_wait3A_1097, %dma_wait3A_1098] : memref<1000000x32xf32, #tpu.memory_space<hbm>> -> memref<1000000x32xf32, #tpu.memory_space<hbm>>
      tpu.wait_indirect_dma semaphore(%arg11 : memref<!tpu.dma_semaphore, #tpu.memory_space<semaphore_mem>>) src(%dma_wait3A_1099 : memref<1000000x32xf32, #tpu.memory_space<hbm>>) dst(%dma_wait3A_1093 : memref<128x32xf32, #tpu.memory_space<vmem>>)
      %dma_wait3A_1100 = arith.constant 6 : i32
      %dma_wait3A_1101 = arith.constant 768 : i32
      %dma_wait3A_1102 = arith.constant 0 : i32
      %dma_wait3A_1103 = tpu.memref_slice %arg7[%dma_wait3A_1101, %dma_wait3A_1102] : memref<1280x32xf32, #tpu.memory_space<vmem>> -> memref<128x32xf32, #tpu.memory_space<vmem>>
      %dma_wait3A_1104 = arith.constant 0 : i32
      %dma_wait3A_1105 = tpu.memref_slice %arg5[%dma_wait3A_1100, %dma_wait3A_1104] : memref<10x128xi32, #tpu.memory_space<vmem>> -> memref<1x128xi32, #tpu.memory_space<vmem>>
      %dma_wait3A_1106 = tpu.memref_squeeze %dma_wait3A_1105 : memref<1x128xi32, #tpu.memory_space<vmem>> -> memref<128xi32, #tpu.memory_space<vmem>>
      %dma_wait3A_1107 = arith.constant 0 : i32
      %dma_wait3A_1108 = arith.constant 0 : i32
      %dma_wait3A_1109 = tpu.memref_slice %arg2[%dma_wait3A_1107, %dma_wait3A_1108] : memref<1000000x32xf32, #tpu.memory_space<hbm>> -> memref<1000000x32xf32, #tpu.memory_space<hbm>>
      tpu.wait_indirect_dma semaphore(%arg11 : memref<!tpu.dma_semaphore, #tpu.memory_space<semaphore_mem>>) src(%dma_wait3A_1109 : memref<1000000x32xf32, #tpu.memory_space<hbm>>) dst(%dma_wait3A_1103 : memref<128x32xf32, #tpu.memory_space<vmem>>)
      %dma_wait3A_1110 = arith.constant 7 : i32
      %dma_wait3A_1111 = arith.constant 896 : i32
      %dma_wait3A_1112 = arith.constant 0 : i32
      %dma_wait3A_1113 = tpu.memref_slice %arg7[%dma_wait3A_1111, %dma_wait3A_1112] : memref<1280x32xf32, #tpu.memory_space<vmem>> -> memref<128x32xf32, #tpu.memory_space<vmem>>
      %dma_wait3A_1114 = arith.constant 0 : i32
      %dma_wait3A_1115 = tpu.memref_slice %arg5[%dma_wait3A_1110, %dma_wait3A_1114] : memref<10x128xi32, #tpu.memory_space<vmem>> -> memref<1x128xi32, #tpu.memory_space<vmem>>
      %dma_wait3A_1116 = tpu.memref_squeeze %dma_wait3A_1115 : memref<1x128xi32, #tpu.memory_space<vmem>> -> memref<128xi32, #tpu.memory_space<vmem>>
      %dma_wait3A_1117 = arith.constant 0 : i32
      %dma_wait3A_1118 = arith.constant 0 : i32
      %dma_wait3A_1119 = tpu.memref_slice %arg2[%dma_wait3A_1117, %dma_wait3A_1118] : memref<1000000x32xf32, #tpu.memory_space<hbm>> -> memref<1000000x32xf32, #tpu.memory_space<hbm>>
      tpu.wait_indirect_dma semaphore(%arg11 : memref<!tpu.dma_semaphore, #tpu.memory_space<semaphore_mem>>) src(%dma_wait3A_1119 : memref<1000000x32xf32, #tpu.memory_space<hbm>>) dst(%dma_wait3A_1113 : memref<128x32xf32, #tpu.memory_space<vmem>>)
      %dma_wait3A_1120 = arith.constant 8 : i32
      %dma_wait3A_1121 = arith.constant 1024 : i32
      %dma_wait3A_1122 = arith.constant 0 : i32
      %dma_wait3A_1123 = tpu.memref_slice %arg7[%dma_wait3A_1121, %dma_wait3A_1122] : memref<1280x32xf32, #tpu.memory_space<vmem>> -> memref<128x32xf32, #tpu.memory_space<vmem>>
      %dma_wait3A_1124 = arith.constant 0 : i32
      %dma_wait3A_1125 = tpu.memref_slice %arg5[%dma_wait3A_1120, %dma_wait3A_1124] : memref<10x128xi32, #tpu.memory_space<vmem>> -> memref<1x128xi32, #tpu.memory_space<vmem>>
      %dma_wait3A_1126 = tpu.memref_squeeze %dma_wait3A_1125 : memref<1x128xi32, #tpu.memory_space<vmem>> -> memref<128xi32, #tpu.memory_space<vmem>>
      %dma_wait3A_1127 = arith.constant 0 : i32
      %dma_wait3A_1128 = arith.constant 0 : i32
      %dma_wait3A_1129 = tpu.memref_slice %arg2[%dma_wait3A_1127, %dma_wait3A_1128] : memref<1000000x32xf32, #tpu.memory_space<hbm>> -> memref<1000000x32xf32, #tpu.memory_space<hbm>>
      tpu.wait_indirect_dma semaphore(%arg11 : memref<!tpu.dma_semaphore, #tpu.memory_space<semaphore_mem>>) src(%dma_wait3A_1129 : memref<1000000x32xf32, #tpu.memory_space<hbm>>) dst(%dma_wait3A_1123 : memref<128x32xf32, #tpu.memory_space<vmem>>)
      %dma_wait3A_1130 = arith.constant 9 : i32
      %dma_wait3A_1131 = arith.constant 1152 : i32
      %dma_wait3A_1132 = arith.constant 0 : i32
      %dma_wait3A_1133 = tpu.memref_slice %arg7[%dma_wait3A_1131, %dma_wait3A_1132] : memref<1280x32xf32, #tpu.memory_space<vmem>> -> memref<128x32xf32, #tpu.memory_space<vmem>>
      %dma_wait3A_1134 = arith.constant 0 : i32
      %dma_wait3A_1135 = tpu.memref_slice %arg5[%dma_wait3A_1130, %dma_wait3A_1134] : memref<10x128xi32, #tpu.memory_space<vmem>> -> memref<1x128xi32, #tpu.memory_space<vmem>>
      %dma_wait3A_1136 = tpu.memref_squeeze %dma_wait3A_1135 : memref<1x128xi32, #tpu.memory_space<vmem>> -> memref<128xi32, #tpu.memory_space<vmem>>
      %dma_wait3A_1137 = arith.constant 0 : i32
      %dma_wait3A_1138 = arith.constant 0 : i32
      %dma_wait3A_1139 = tpu.memref_slice %arg2[%dma_wait3A_1137, %dma_wait3A_1138] : memref<1000000x32xf32, #tpu.memory_space<hbm>> -> memref<1000000x32xf32, #tpu.memory_space<hbm>>
      tpu.wait_indirect_dma semaphore(%arg11 : memref<!tpu.dma_semaphore, #tpu.memory_space<semaphore_mem>>) src(%dma_wait3A_1139 : memref<1000000x32xf32, #tpu.memory_space<hbm>>) dst(%dma_wait3A_1133 : memref<128x32xf32, #tpu.memory_space<vmem>>)
      %mul3A_1140 = arith.constant 10 : i32
      %mul3A_1141 = arith.muli %mul3A_920, %mul3A_1140 : i32
      %add3A_1142 = arith.addi %mul3A_2, %mul3A_1141 : i32
      %mul3A_1143 = arith.constant 128 : i32
      %mul3A_1144 = arith.muli %add3A_1142, %mul3A_1143 : i32
      %dma_start3A_1145 = arith.constant 0 : i32
      %dma_start3A_1146 = tpu.memref_slice %arg4[%mul3A_1144, %dma_start3A_1145] : memref<3276800x32xf32, #tpu.memory_space<hbm>> -> memref<1280x32xf32, #tpu.memory_space<hbm>>
      %dma_start3A_1147 = arith.constant 0 : i32
      %dma_start3A_1148 = tpu.memref_slice %arg4[%mul3A_1144, %dma_start3A_1147] : memref<3276800x32xf32, #tpu.memory_space<hbm>> -> memref<1280x32xf32, #tpu.memory_space<hbm>>
      tpu.enqueue_dma source(%arg7 : memref<1280x32xf32, #tpu.memory_space<vmem>>) target(%dma_start3A_1148 : memref<1280x32xf32, #tpu.memory_space<hbm>>) target_semaphore(%arg13 : memref<!tpu.dma_semaphore, #tpu.memory_space<semaphore_mem>>)
      %add3A_1149 = arith.constant 2 : i32
      %add3A_1150 = arith.addi %mul3A_920, %add3A_1149 : i32
      %mul3A_1151 = arith.constant 10 : i32
      %mul3A_1152 = arith.muli %add3A_1150, %mul3A_1151 : i32
      %add3A_1153 = arith.addi %mul3A_2, %mul3A_1152 : i32
      %dma_start3A_1154 = arith.constant 0 : i32
      %dma_start3A_1155 = tpu.memref_slice %arg3[%add3A_1153, %dma_start3A_1154] : memref<25600x128xi32, #tpu.memory_space<hbm>> -> memref<10x128xi32, #tpu.memory_space<hbm>>
      %dma_start3A_1156 = arith.constant 0 : i32
      %dma_start3A_1157 = tpu.memref_slice %arg3[%add3A_1153, %dma_start3A_1156] : memref<25600x128xi32, #tpu.memory_space<hbm>> -> memref<10x128xi32, #tpu.memory_space<hbm>>
      tpu.enqueue_dma source(%dma_start3A_1157 : memref<10x128xi32, #tpu.memory_space<hbm>>) target(%arg5 : memref<10x128xi32, #tpu.memory_space<vmem>>) target_semaphore(%arg9 : memref<!tpu.dma_semaphore, #tpu.memory_space<semaphore_mem>>)
      %add3A_1158 = arith.constant 2 : i32
      %add3A_1159 = arith.addi %mul3A_920, %add3A_1158 : i32
      %mul3A_1160 = arith.constant 10 : i32
      %mul3A_1161 = arith.muli %add3A_1159, %mul3A_1160 : i32
      %add3A_1162 = arith.addi %mul3A_2, %mul3A_1161 : i32
      %dma_wait3A_1163 = arith.constant 0 : i32
      %dma_wait3A_1164 = tpu.memref_slice %arg3[%add3A_1162, %dma_wait3A_1163] : memref<25600x128xi32, #tpu.memory_space<hbm>> -> memref<10x128xi32, #tpu.memory_space<hbm>>
      %dma_wait3A_1165 = arith.constant 0 : i32
      %dma_wait3A_1166 = tpu.memref_slice %arg3[%add3A_1162, %dma_wait3A_1165] : memref<25600x128xi32, #tpu.memory_space<hbm>> -> memref<10x128xi32, #tpu.memory_space<hbm>>
      tpu.wait_dma2 semaphore(%arg9 : memref<!tpu.dma_semaphore, #tpu.memory_space<semaphore_mem>>) src(%dma_wait3A_1166 : memref<10x128xi32, #tpu.memory_space<hbm>>) dst(%arg5 : memref<10x128xi32, #tpu.memory_space<vmem>>)
      %mul3A_1167 = arith.constant 10 : i32
      %mul3A_1168 = arith.muli %mul3A_920, %mul3A_1167 : i32
      %add3A_1169 = arith.addi %mul3A_2, %mul3A_1168 : i32
      %mul3A_1170 = arith.constant 128 : i32
      %mul3A_1171 = arith.muli %add3A_1169, %mul3A_1170 : i32
      %dma_wait3A_1172 = arith.constant 0 : i32
      %dma_wait3A_1173 = tpu.memref_slice %arg4[%mul3A_1171, %dma_wait3A_1172] : memref<3276800x32xf32, #tpu.memory_space<hbm>> -> memref<1280x32xf32, #tpu.memory_space<hbm>>
      %dma_wait3A_1174 = arith.constant 0 : i32
      %dma_wait3A_1175 = tpu.memref_slice %arg4[%mul3A_1171, %dma_wait3A_1174] : memref<3276800x32xf32, #tpu.memory_space<hbm>> -> memref<1280x32xf32, #tpu.memory_space<hbm>>
      tpu.wait_dma2 semaphore(%arg13 : memref<!tpu.dma_semaphore, #tpu.memory_space<semaphore_mem>>) src(%arg7 : memref<1280x32xf32, #tpu.memory_space<vmem>>) dst(%dma_wait3A_1175 : memref<1280x32xf32, #tpu.memory_space<hbm>>)
      %dma_start3A_1176 = arith.constant 0 : i32
      %dma_start3A_1177 = arith.constant 0 : i32
      %dma_start3A_1178 = arith.constant 0 : i32
      %dma_start3A_1179 = tpu.memref_slice %arg7[%dma_start3A_1177, %dma_start3A_1178] : memref<1280x32xf32, #tpu.memory_space<vmem>> -> memref<128x32xf32, #tpu.memory_space<vmem>>
      %dma_start3A_1180 = arith.constant 0 : i32
      %dma_start3A_1181 = tpu.memref_slice %arg5[%dma_start3A_1176, %dma_start3A_1180] : memref<10x128xi32, #tpu.memory_space<vmem>> -> memref<1x128xi32, #tpu.memory_space<vmem>>
      %dma_start3A_1182 = tpu.memref_squeeze %dma_start3A_1181 : memref<1x128xi32, #tpu.memory_space<vmem>> -> memref<128xi32, #tpu.memory_space<vmem>>
      %dma_start3A_1183 = arith.constant 0 : i32
      %dma_start3A_1184 = arith.constant 0 : i32
      %dma_start3A_1185 = tpu.memref_slice %arg2[%dma_start3A_1183, %dma_start3A_1184] : memref<1000000x32xf32, #tpu.memory_space<hbm>> -> memref<1000000x32xf32, #tpu.memory_space<hbm>>
      tpu.enqueue_indirect_dma source(%dma_start3A_1185 : memref<1000000x32xf32, #tpu.memory_space<hbm>>) target(%dma_start3A_1179 : memref<128x32xf32, #tpu.memory_space<vmem>>) offsets(%dma_start3A_1182 : memref<128xi32, #tpu.memory_space<vmem>>) semaphore(%arg11 : memref<!tpu.dma_semaphore, #tpu.memory_space<semaphore_mem>>)
      %dma_start3A_1186 = arith.constant 1 : i32
      %dma_start3A_1187 = arith.constant 128 : i32
      %dma_start3A_1188 = arith.constant 0 : i32
      %dma_start3A_1189 = tpu.memref_slice %arg7[%dma_start3A_1187, %dma_start3A_1188] : memref<1280x32xf32, #tpu.memory_space<vmem>> -> memref<128x32xf32, #tpu.memory_space<vmem>>
      %dma_start3A_1190 = arith.constant 0 : i32
      %dma_start3A_1191 = tpu.memref_slice %arg5[%dma_start3A_1186, %dma_start3A_1190] : memref<10x128xi32, #tpu.memory_space<vmem>> -> memref<1x128xi32, #tpu.memory_space<vmem>>
      %dma_start3A_1192 = tpu.memref_squeeze %dma_start3A_1191 : memref<1x128xi32, #tpu.memory_space<vmem>> -> memref<128xi32, #tpu.memory_space<vmem>>
      %dma_start3A_1193 = arith.constant 0 : i32
      %dma_start3A_1194 = arith.constant 0 : i32
      %dma_start3A_1195 = tpu.memref_slice %arg2[%dma_start3A_1193, %dma_start3A_1194] : memref<1000000x32xf32, #tpu.memory_space<hbm>> -> memref<1000000x32xf32, #tpu.memory_space<hbm>>
      tpu.enqueue_indirect_dma source(%dma_start3A_1195 : memref<1000000x32xf32, #tpu.memory_space<hbm>>) target(%dma_start3A_1189 : memref<128x32xf32, #tpu.memory_space<vmem>>) offsets(%dma_start3A_1192 : memref<128xi32, #tpu.memory_space<vmem>>) semaphore(%arg11 : memref<!tpu.dma_semaphore, #tpu.memory_space<semaphore_mem>>)
      %dma_start3A_1196 = arith.constant 2 : i32
      %dma_start3A_1197 = arith.constant 256 : i32
      %dma_start3A_1198 = arith.constant 0 : i32
      %dma_start3A_1199 = tpu.memref_slice %arg7[%dma_start3A_1197, %dma_start3A_1198] : memref<1280x32xf32, #tpu.memory_space<vmem>> -> memref<128x32xf32, #tpu.memory_space<vmem>>
      %dma_start3A_1200 = arith.constant 0 : i32
      %dma_start3A_1201 = tpu.memref_slice %arg5[%dma_start3A_1196, %dma_start3A_1200] : memref<10x128xi32, #tpu.memory_space<vmem>> -> memref<1x128xi32, #tpu.memory_space<vmem>>
      %dma_start3A_1202 = tpu.memref_squeeze %dma_start3A_1201 : memref<1x128xi32, #tpu.memory_space<vmem>> -> memref<128xi32, #tpu.memory_space<vmem>>
      %dma_start3A_1203 = arith.constant 0 : i32
      %dma_start3A_1204 = arith.constant 0 : i32
      %dma_start3A_1205 = tpu.memref_slice %arg2[%dma_start3A_1203, %dma_start3A_1204] : memref<1000000x32xf32, #tpu.memory_space<hbm>> -> memref<1000000x32xf32, #tpu.memory_space<hbm>>
      tpu.enqueue_indirect_dma source(%dma_start3A_1205 : memref<1000000x32xf32, #tpu.memory_space<hbm>>) target(%dma_start3A_1199 : memref<128x32xf32, #tpu.memory_space<vmem>>) offsets(%dma_start3A_1202 : memref<128xi32, #tpu.memory_space<vmem>>) semaphore(%arg11 : memref<!tpu.dma_semaphore, #tpu.memory_space<semaphore_mem>>)
      %dma_start3A_1206 = arith.constant 3 : i32
      %dma_start3A_1207 = arith.constant 384 : i32
      %dma_start3A_1208 = arith.constant 0 : i32
      %dma_start3A_1209 = tpu.memref_slice %arg7[%dma_start3A_1207, %dma_start3A_1208] : memref<1280x32xf32, #tpu.memory_space<vmem>> -> memref<128x32xf32, #tpu.memory_space<vmem>>
      %dma_start3A_1210 = arith.constant 0 : i32
      %dma_start3A_1211 = tpu.memref_slice %arg5[%dma_start3A_1206, %dma_start3A_1210] : memref<10x128xi32, #tpu.memory_space<vmem>> -> memref<1x128xi32, #tpu.memory_space<vmem>>
      %dma_start3A_1212 = tpu.memref_squeeze %dma_start3A_1211 : memref<1x128xi32, #tpu.memory_space<vmem>> -> memref<128xi32, #tpu.memory_space<vmem>>
      %dma_start3A_1213 = arith.constant 0 : i32
      %dma_start3A_1214 = arith.constant 0 : i32
      %dma_start3A_1215 = tpu.memref_slice %arg2[%dma_start3A_1213, %dma_start3A_1214] : memref<1000000x32xf32, #tpu.memory_space<hbm>> -> memref<1000000x32xf32, #tpu.memory_space<hbm>>
      tpu.enqueue_indirect_dma source(%dma_start3A_1215 : memref<1000000x32xf32, #tpu.memory_space<hbm>>) target(%dma_start3A_1209 : memref<128x32xf32, #tpu.memory_space<vmem>>) offsets(%dma_start3A_1212 : memref<128xi32, #tpu.memory_space<vmem>>) semaphore(%arg11 : memref<!tpu.dma_semaphore, #tpu.memory_space<semaphore_mem>>)
      %dma_start3A_1216 = arith.constant 4 : i32
      %dma_start3A_1217 = arith.constant 512 : i32
      %dma_start3A_1218 = arith.constant 0 : i32
      %dma_start3A_1219 = tpu.memref_slice %arg7[%dma_start3A_1217, %dma_start3A_1218] : memref<1280x32xf32, #tpu.memory_space<vmem>> -> memref<128x32xf32, #tpu.memory_space<vmem>>
      %dma_start3A_1220 = arith.constant 0 : i32
      %dma_start3A_1221 = tpu.memref_slice %arg5[%dma_start3A_1216, %dma_start3A_1220] : memref<10x128xi32, #tpu.memory_space<vmem>> -> memref<1x128xi32, #tpu.memory_space<vmem>>
      %dma_start3A_1222 = tpu.memref_squeeze %dma_start3A_1221 : memref<1x128xi32, #tpu.memory_space<vmem>> -> memref<128xi32, #tpu.memory_space<vmem>>
      %dma_start3A_1223 = arith.constant 0 : i32
      %dma_start3A_1224 = arith.constant 0 : i32
      %dma_start3A_1225 = tpu.memref_slice %arg2[%dma_start3A_1223, %dma_start3A_1224] : memref<1000000x32xf32, #tpu.memory_space<hbm>> -> memref<1000000x32xf32, #tpu.memory_space<hbm>>
      tpu.enqueue_indirect_dma source(%dma_start3A_1225 : memref<1000000x32xf32, #tpu.memory_space<hbm>>) target(%dma_start3A_1219 : memref<128x32xf32, #tpu.memory_space<vmem>>) offsets(%dma_start3A_1222 : memref<128xi32, #tpu.memory_space<vmem>>) semaphore(%arg11 : memref<!tpu.dma_semaphore, #tpu.memory_space<semaphore_mem>>)
      %dma_start3A_1226 = arith.constant 5 : i32
      %dma_start3A_1227 = arith.constant 640 : i32
      %dma_start3A_1228 = arith.constant 0 : i32
      %dma_start3A_1229 = tpu.memref_slice %arg7[%dma_start3A_1227, %dma_start3A_1228] : memref<1280x32xf32, #tpu.memory_space<vmem>> -> memref<128x32xf32, #tpu.memory_space<vmem>>
      %dma_start3A_1230 = arith.constant 0 : i32
      %dma_start3A_1231 = tpu.memref_slice %arg5[%dma_start3A_1226, %dma_start3A_1230] : memref<10x128xi32, #tpu.memory_space<vmem>> -> memref<1x128xi32, #tpu.memory_space<vmem>>
      %dma_start3A_1232 = tpu.memref_squeeze %dma_start3A_1231 : memref<1x128xi32, #tpu.memory_space<vmem>> -> memref<128xi32, #tpu.memory_space<vmem>>
      %dma_start3A_1233 = arith.constant 0 : i32
      %dma_start3A_1234 = arith.constant 0 : i32
      %dma_start3A_1235 = tpu.memref_slice %arg2[%dma_start3A_1233, %dma_start3A_1234] : memref<1000000x32xf32, #tpu.memory_space<hbm>> -> memref<1000000x32xf32, #tpu.memory_space<hbm>>
      tpu.enqueue_indirect_dma source(%dma_start3A_1235 : memref<1000000x32xf32, #tpu.memory_space<hbm>>) target(%dma_start3A_1229 : memref<128x32xf32, #tpu.memory_space<vmem>>) offsets(%dma_start3A_1232 : memref<128xi32, #tpu.memory_space<vmem>>) semaphore(%arg11 : memref<!tpu.dma_semaphore, #tpu.memory_space<semaphore_mem>>)
      %dma_start3A_1236 = arith.constant 6 : i32
      %dma_start3A_1237 = arith.constant 768 : i32
      %dma_start3A_1238 = arith.constant 0 : i32
      %dma_start3A_1239 = tpu.memref_slice %arg7[%dma_start3A_1237, %dma_start3A_1238] : memref<1280x32xf32, #tpu.memory_space<vmem>> -> memref<128x32xf32, #tpu.memory_space<vmem>>
      %dma_start3A_1240 = arith.constant 0 : i32
      %dma_start3A_1241 = tpu.memref_slice %arg5[%dma_start3A_1236, %dma_start3A_1240] : memref<10x128xi32, #tpu.memory_space<vmem>> -> memref<1x128xi32, #tpu.memory_space<vmem>>
      %dma_start3A_1242 = tpu.memref_squeeze %dma_start3A_1241 : memref<1x128xi32, #tpu.memory_space<vmem>> -> memref<128xi32, #tpu.memory_space<vmem>>
      %dma_start3A_1243 = arith.constant 0 : i32
      %dma_start3A_1244 = arith.constant 0 : i32
      %dma_start3A_1245 = tpu.memref_slice %arg2[%dma_start3A_1243, %dma_start3A_1244] : memref<1000000x32xf32, #tpu.memory_space<hbm>> -> memref<1000000x32xf32, #tpu.memory_space<hbm>>
      tpu.enqueue_indirect_dma source(%dma_start3A_1245 : memref<1000000x32xf32, #tpu.memory_space<hbm>>) target(%dma_start3A_1239 : memref<128x32xf32, #tpu.memory_space<vmem>>) offsets(%dma_start3A_1242 : memref<128xi32, #tpu.memory_space<vmem>>) semaphore(%arg11 : memref<!tpu.dma_semaphore, #tpu.memory_space<semaphore_mem>>)
      %dma_start3A_1246 = arith.constant 7 : i32
      %dma_start3A_1247 = arith.constant 896 : i32
      %dma_start3A_1248 = arith.constant 0 : i32
      %dma_start3A_1249 = tpu.memref_slice %arg7[%dma_start3A_1247, %dma_start3A_1248] : memref<1280x32xf32, #tpu.memory_space<vmem>> -> memref<128x32xf32, #tpu.memory_space<vmem>>
      %dma_start3A_1250 = arith.constant 0 : i32
      %dma_start3A_1251 = tpu.memref_slice %arg5[%dma_start3A_1246, %dma_start3A_1250] : memref<10x128xi32, #tpu.memory_space<vmem>> -> memref<1x128xi32, #tpu.memory_space<vmem>>
      %dma_start3A_1252 = tpu.memref_squeeze %dma_start3A_1251 : memref<1x128xi32, #tpu.memory_space<vmem>> -> memref<128xi32, #tpu.memory_space<vmem>>
      %dma_start3A_1253 = arith.constant 0 : i32
      %dma_start3A_1254 = arith.constant 0 : i32
      %dma_start3A_1255 = tpu.memref_slice %arg2[%dma_start3A_1253, %dma_start3A_1254] : memref<1000000x32xf32, #tpu.memory_space<hbm>> -> memref<1000000x32xf32, #tpu.memory_space<hbm>>
      tpu.enqueue_indirect_dma source(%dma_start3A_1255 : memref<1000000x32xf32, #tpu.memory_space<hbm>>) target(%dma_start3A_1249 : memref<128x32xf32, #tpu.memory_space<vmem>>) offsets(%dma_start3A_1252 : memref<128xi32, #tpu.memory_space<vmem>>) semaphore(%arg11 : memref<!tpu.dma_semaphore, #tpu.memory_space<semaphore_mem>>)
      %dma_start3A_1256 = arith.constant 8 : i32
      %dma_start3A_1257 = arith.constant 1024 : i32
      %dma_start3A_1258 = arith.constant 0 : i32
      %dma_start3A_1259 = tpu.memref_slice %arg7[%dma_start3A_1257, %dma_start3A_1258] : memref<1280x32xf32, #tpu.memory_space<vmem>> -> memref<128x32xf32, #tpu.memory_space<vmem>>
      %dma_start3A_1260 = arith.constant 0 : i32
      %dma_start3A_1261 = tpu.memref_slice %arg5[%dma_start3A_1256, %dma_start3A_1260] : memref<10x128xi32, #tpu.memory_space<vmem>> -> memref<1x128xi32, #tpu.memory_space<vmem>>
      %dma_start3A_1262 = tpu.memref_squeeze %dma_start3A_1261 : memref<1x128xi32, #tpu.memory_space<vmem>> -> memref<128xi32, #tpu.memory_space<vmem>>
      %dma_start3A_1263 = arith.constant 0 : i32
      %dma_start3A_1264 = arith.constant 0 : i32
      %dma_start3A_1265 = tpu.memref_slice %arg2[%dma_start3A_1263, %dma_start3A_1264] : memref<1000000x32xf32, #tpu.memory_space<hbm>> -> memref<1000000x32xf32, #tpu.memory_space<hbm>>
      tpu.enqueue_indirect_dma source(%dma_start3A_1265 : memref<1000000x32xf32, #tpu.memory_space<hbm>>) target(%dma_start3A_1259 : memref<128x32xf32, #tpu.memory_space<vmem>>) offsets(%dma_start3A_1262 : memref<128xi32, #tpu.memory_space<vmem>>) semaphore(%arg11 : memref<!tpu.dma_semaphore, #tpu.memory_space<semaphore_mem>>)
      %dma_start3A_1266 = arith.constant 9 : i32
      %dma_start3A_1267 = arith.constant 1152 : i32
      %dma_start3A_1268 = arith.constant 0 : i32
      %dma_start3A_1269 = tpu.memref_slice %arg7[%dma_start3A_1267, %dma_start3A_1268] : memref<1280x32xf32, #tpu.memory_space<vmem>> -> memref<128x32xf32, #tpu.memory_space<vmem>>
      %dma_start3A_1270 = arith.constant 0 : i32
      %dma_start3A_1271 = tpu.memref_slice %arg5[%dma_start3A_1266, %dma_start3A_1270] : memref<10x128xi32, #tpu.memory_space<vmem>> -> memref<1x128xi32, #tpu.memory_space<vmem>>
      %dma_start3A_1272 = tpu.memref_squeeze %dma_start3A_1271 : memref<1x128xi32, #tpu.memory_space<vmem>> -> memref<128xi32, #tpu.memory_space<vmem>>
      %dma_start3A_1273 = arith.constant 0 : i32
      %dma_start3A_1274 = arith.constant 0 : i32
      %dma_start3A_1275 = tpu.memref_slice %arg2[%dma_start3A_1273, %dma_start3A_1274] : memref<1000000x32xf32, #tpu.memory_space<hbm>> -> memref<1000000x32xf32, #tpu.memory_space<hbm>>
      tpu.enqueue_indirect_dma source(%dma_start3A_1275 : memref<1000000x32xf32, #tpu.memory_space<hbm>>) target(%dma_start3A_1269 : memref<128x32xf32, #tpu.memory_space<vmem>>) offsets(%dma_start3A_1272 : memref<128xi32, #tpu.memory_space<vmem>>) semaphore(%arg11 : memref<!tpu.dma_semaphore, #tpu.memory_space<semaphore_mem>>)
      %dma_wait3A_1276 = arith.constant 0 : i32
      %dma_wait3A_1277 = arith.constant 0 : i32
      %dma_wait3A_1278 = arith.constant 0 : i32
      %dma_wait3A_1279 = tpu.memref_slice %arg8[%dma_wait3A_1277, %dma_wait3A_1278] : memref<1280x32xf32, #tpu.memory_space<vmem>> -> memref<128x32xf32, #tpu.memory_space<vmem>>
      %dma_wait3A_1280 = arith.constant 0 : i32
      %dma_wait3A_1281 = tpu.memref_slice %arg6[%dma_wait3A_1276, %dma_wait3A_1280] : memref<10x128xi32, #tpu.memory_space<vmem>> -> memref<1x128xi32, #tpu.memory_space<vmem>>
      %dma_wait3A_1282 = tpu.memref_squeeze %dma_wait3A_1281 : memref<1x128xi32, #tpu.memory_space<vmem>> -> memref<128xi32, #tpu.memory_space<vmem>>
      %dma_wait3A_1283 = arith.constant 0 : i32
      %dma_wait3A_1284 = arith.constant 0 : i32
      %dma_wait3A_1285 = tpu.memref_slice %arg2[%dma_wait3A_1283, %dma_wait3A_1284] : memref<1000000x32xf32, #tpu.memory_space<hbm>> -> memref<1000000x32xf32, #tpu.memory_space<hbm>>
      tpu.wait_indirect_dma semaphore(%arg12 : memref<!tpu.dma_semaphore, #tpu.memory_space<semaphore_mem>>) src(%dma_wait3A_1285 : memref<1000000x32xf32, #tpu.memory_space<hbm>>) dst(%dma_wait3A_1279 : memref<128x32xf32, #tpu.memory_space<vmem>>)
      %dma_wait3A_1286 = arith.constant 1 : i32
      %dma_wait3A_1287 = arith.constant 128 : i32
      %dma_wait3A_1288 = arith.constant 0 : i32
      %dma_wait3A_1289 = tpu.memref_slice %arg8[%dma_wait3A_1287, %dma_wait3A_1288] : memref<1280x32xf32, #tpu.memory_space<vmem>> -> memref<128x32xf32, #tpu.memory_space<vmem>>
      %dma_wait3A_1290 = arith.constant 0 : i32
      %dma_wait3A_1291 = tpu.memref_slice %arg6[%dma_wait3A_1286, %dma_wait3A_1290] : memref<10x128xi32, #tpu.memory_space<vmem>> -> memref<1x128xi32, #tpu.memory_space<vmem>>
      %dma_wait3A_1292 = tpu.memref_squeeze %dma_wait3A_1291 : memref<1x128xi32, #tpu.memory_space<vmem>> -> memref<128xi32, #tpu.memory_space<vmem>>
      %dma_wait3A_1293 = arith.constant 0 : i32
      %dma_wait3A_1294 = arith.constant 0 : i32
      %dma_wait3A_1295 = tpu.memref_slice %arg2[%dma_wait3A_1293, %dma_wait3A_1294] : memref<1000000x32xf32, #tpu.memory_space<hbm>> -> memref<1000000x32xf32, #tpu.memory_space<hbm>>
      tpu.wait_indirect_dma semaphore(%arg12 : memref<!tpu.dma_semaphore, #tpu.memory_space<semaphore_mem>>) src(%dma_wait3A_1295 : memref<1000000x32xf32, #tpu.memory_space<hbm>>) dst(%dma_wait3A_1289 : memref<128x32xf32, #tpu.memory_space<vmem>>)
      %dma_wait3A_1296 = arith.constant 2 : i32
      %dma_wait3A_1297 = arith.constant 256 : i32
      %dma_wait3A_1298 = arith.constant 0 : i32
      %dma_wait3A_1299 = tpu.memref_slice %arg8[%dma_wait3A_1297, %dma_wait3A_1298] : memref<1280x32xf32, #tpu.memory_space<vmem>> -> memref<128x32xf32, #tpu.memory_space<vmem>>
      %dma_wait3A_1300 = arith.constant 0 : i32
      %dma_wait3A_1301 = tpu.memref_slice %arg6[%dma_wait3A_1296, %dma_wait3A_1300] : memref<10x128xi32, #tpu.memory_space<vmem>> -> memref<1x128xi32, #tpu.memory_space<vmem>>
      %dma_wait3A_1302 = tpu.memref_squeeze %dma_wait3A_1301 : memref<1x128xi32, #tpu.memory_space<vmem>> -> memref<128xi32, #tpu.memory_space<vmem>>
      %dma_wait3A_1303 = arith.constant 0 : i32
      %dma_wait3A_1304 = arith.constant 0 : i32
      %dma_wait3A_1305 = tpu.memref_slice %arg2[%dma_wait3A_1303, %dma_wait3A_1304] : memref<1000000x32xf32, #tpu.memory_space<hbm>> -> memref<1000000x32xf32, #tpu.memory_space<hbm>>
      tpu.wait_indirect_dma semaphore(%arg12 : memref<!tpu.dma_semaphore, #tpu.memory_space<semaphore_mem>>) src(%dma_wait3A_1305 : memref<1000000x32xf32, #tpu.memory_space<hbm>>) dst(%dma_wait3A_1299 : memref<128x32xf32, #tpu.memory_space<vmem>>)
      %dma_wait3A_1306 = arith.constant 3 : i32
      %dma_wait3A_1307 = arith.constant 384 : i32
      %dma_wait3A_1308 = arith.constant 0 : i32
      %dma_wait3A_1309 = tpu.memref_slice %arg8[%dma_wait3A_1307, %dma_wait3A_1308] : memref<1280x32xf32, #tpu.memory_space<vmem>> -> memref<128x32xf32, #tpu.memory_space<vmem>>
      %dma_wait3A_1310 = arith.constant 0 : i32
      %dma_wait3A_1311 = tpu.memref_slice %arg6[%dma_wait3A_1306, %dma_wait3A_1310] : memref<10x128xi32, #tpu.memory_space<vmem>> -> memref<1x128xi32, #tpu.memory_space<vmem>>
      %dma_wait3A_1312 = tpu.memref_squeeze %dma_wait3A_1311 : memref<1x128xi32, #tpu.memory_space<vmem>> -> memref<128xi32, #tpu.memory_space<vmem>>
      %dma_wait3A_1313 = arith.constant 0 : i32
      %dma_wait3A_1314 = arith.constant 0 : i32
      %dma_wait3A_1315 = tpu.memref_slice %arg2[%dma_wait3A_1313, %dma_wait3A_1314] : memref<1000000x32xf32, #tpu.memory_space<hbm>> -> memref<1000000x32xf32, #tpu.memory_space<hbm>>
      tpu.wait_indirect_dma semaphore(%arg12 : memref<!tpu.dma_semaphore, #tpu.memory_space<semaphore_mem>>) src(%dma_wait3A_1315 : memref<1000000x32xf32, #tpu.memory_space<hbm>>) dst(%dma_wait3A_1309 : memref<128x32xf32, #tpu.memory_space<vmem>>)
      %dma_wait3A_1316 = arith.constant 4 : i32
      %dma_wait3A_1317 = arith.constant 512 : i32
      %dma_wait3A_1318 = arith.constant 0 : i32
      %dma_wait3A_1319 = tpu.memref_slice %arg8[%dma_wait3A_1317, %dma_wait3A_1318] : memref<1280x32xf32, #tpu.memory_space<vmem>> -> memref<128x32xf32, #tpu.memory_space<vmem>>
      %dma_wait3A_1320 = arith.constant 0 : i32
      %dma_wait3A_1321 = tpu.memref_slice %arg6[%dma_wait3A_1316, %dma_wait3A_1320] : memref<10x128xi32, #tpu.memory_space<vmem>> -> memref<1x128xi32, #tpu.memory_space<vmem>>
      %dma_wait3A_1322 = tpu.memref_squeeze %dma_wait3A_1321 : memref<1x128xi32, #tpu.memory_space<vmem>> -> memref<128xi32, #tpu.memory_space<vmem>>
      %dma_wait3A_1323 = arith.constant 0 : i32
      %dma_wait3A_1324 = arith.constant 0 : i32
      %dma_wait3A_1325 = tpu.memref_slice %arg2[%dma_wait3A_1323, %dma_wait3A_1324] : memref<1000000x32xf32, #tpu.memory_space<hbm>> -> memref<1000000x32xf32, #tpu.memory_space<hbm>>
      tpu.wait_indirect_dma semaphore(%arg12 : memref<!tpu.dma_semaphore, #tpu.memory_space<semaphore_mem>>) src(%dma_wait3A_1325 : memref<1000000x32xf32, #tpu.memory_space<hbm>>) dst(%dma_wait3A_1319 : memref<128x32xf32, #tpu.memory_space<vmem>>)
      %dma_wait3A_1326 = arith.constant 5 : i32
      %dma_wait3A_1327 = arith.constant 640 : i32
      %dma_wait3A_1328 = arith.constant 0 : i32
      %dma_wait3A_1329 = tpu.memref_slice %arg8[%dma_wait3A_1327, %dma_wait3A_1328] : memref<1280x32xf32, #tpu.memory_space<vmem>> -> memref<128x32xf32, #tpu.memory_space<vmem>>
      %dma_wait3A_1330 = arith.constant 0 : i32
      %dma_wait3A_1331 = tpu.memref_slice %arg6[%dma_wait3A_1326, %dma_wait3A_1330] : memref<10x128xi32, #tpu.memory_space<vmem>> -> memref<1x128xi32, #tpu.memory_space<vmem>>
      %dma_wait3A_1332 = tpu.memref_squeeze %dma_wait3A_1331 : memref<1x128xi32, #tpu.memory_space<vmem>> -> memref<128xi32, #tpu.memory_space<vmem>>
      %dma_wait3A_1333 = arith.constant 0 : i32
      %dma_wait3A_1334 = arith.constant 0 : i32
      %dma_wait3A_1335 = tpu.memref_slice %arg2[%dma_wait3A_1333, %dma_wait3A_1334] : memref<1000000x32xf32, #tpu.memory_space<hbm>> -> memref<1000000x32xf32, #tpu.memory_space<hbm>>
      tpu.wait_indirect_dma semaphore(%arg12 : memref<!tpu.dma_semaphore, #tpu.memory_space<semaphore_mem>>) src(%dma_wait3A_1335 : memref<1000000x32xf32, #tpu.memory_space<hbm>>) dst(%dma_wait3A_1329 : memref<128x32xf32, #tpu.memory_space<vmem>>)
      %dma_wait3A_1336 = arith.constant 6 : i32
      %dma_wait3A_1337 = arith.constant 768 : i32
      %dma_wait3A_1338 = arith.constant 0 : i32
      %dma_wait3A_1339 = tpu.memref_slice %arg8[%dma_wait3A_1337, %dma_wait3A_1338] : memref<1280x32xf32, #tpu.memory_space<vmem>> -> memref<128x32xf32, #tpu.memory_space<vmem>>
      %dma_wait3A_1340 = arith.constant 0 : i32
      %dma_wait3A_1341 = tpu.memref_slice %arg6[%dma_wait3A_1336, %dma_wait3A_1340] : memref<10x128xi32, #tpu.memory_space<vmem>> -> memref<1x128xi32, #tpu.memory_space<vmem>>
      %dma_wait3A_1342 = tpu.memref_squeeze %dma_wait3A_1341 : memref<1x128xi32, #tpu.memory_space<vmem>> -> memref<128xi32, #tpu.memory_space<vmem>>
      %dma_wait3A_1343 = arith.constant 0 : i32
      %dma_wait3A_1344 = arith.constant 0 : i32
      %dma_wait3A_1345 = tpu.memref_slice %arg2[%dma_wait3A_1343, %dma_wait3A_1344] : memref<1000000x32xf32, #tpu.memory_space<hbm>> -> memref<1000000x32xf32, #tpu.memory_space<hbm>>
      tpu.wait_indirect_dma semaphore(%arg12 : memref<!tpu.dma_semaphore, #tpu.memory_space<semaphore_mem>>) src(%dma_wait3A_1345 : memref<1000000x32xf32, #tpu.memory_space<hbm>>) dst(%dma_wait3A_1339 : memref<128x32xf32, #tpu.memory_space<vmem>>)
      %dma_wait3A_1346 = arith.constant 7 : i32
      %dma_wait3A_1347 = arith.constant 896 : i32
      %dma_wait3A_1348 = arith.constant 0 : i32
      %dma_wait3A_1349 = tpu.memref_slice %arg8[%dma_wait3A_1347, %dma_wait3A_1348] : memref<1280x32xf32, #tpu.memory_space<vmem>> -> memref<128x32xf32, #tpu.memory_space<vmem>>
      %dma_wait3A_1350 = arith.constant 0 : i32
      %dma_wait3A_1351 = tpu.memref_slice %arg6[%dma_wait3A_1346, %dma_wait3A_1350] : memref<10x128xi32, #tpu.memory_space<vmem>> -> memref<1x128xi32, #tpu.memory_space<vmem>>
      %dma_wait3A_1352 = tpu.memref_squeeze %dma_wait3A_1351 : memref<1x128xi32, #tpu.memory_space<vmem>> -> memref<128xi32, #tpu.memory_space<vmem>>
      %dma_wait3A_1353 = arith.constant 0 : i32
      %dma_wait3A_1354 = arith.constant 0 : i32
      %dma_wait3A_1355 = tpu.memref_slice %arg2[%dma_wait3A_1353, %dma_wait3A_1354] : memref<1000000x32xf32, #tpu.memory_space<hbm>> -> memref<1000000x32xf32, #tpu.memory_space<hbm>>
      tpu.wait_indirect_dma semaphore(%arg12 : memref<!tpu.dma_semaphore, #tpu.memory_space<semaphore_mem>>) src(%dma_wait3A_1355 : memref<1000000x32xf32, #tpu.memory_space<hbm>>) dst(%dma_wait3A_1349 : memref<128x32xf32, #tpu.memory_space<vmem>>)
      %dma_wait3A_1356 = arith.constant 8 : i32
      %dma_wait3A_1357 = arith.constant 1024 : i32
      %dma_wait3A_1358 = arith.constant 0 : i32
      %dma_wait3A_1359 = tpu.memref_slice %arg8[%dma_wait3A_1357, %dma_wait3A_1358] : memref<1280x32xf32, #tpu.memory_space<vmem>> -> memref<128x32xf32, #tpu.memory_space<vmem>>
      %dma_wait3A_1360 = arith.constant 0 : i32
      %dma_wait3A_1361 = tpu.memref_slice %arg6[%dma_wait3A_1356, %dma_wait3A_1360] : memref<10x128xi32, #tpu.memory_space<vmem>> -> memref<1x128xi32, #tpu.memory_space<vmem>>
      %dma_wait3A_1362 = tpu.memref_squeeze %dma_wait3A_1361 : memref<1x128xi32, #tpu.memory_space<vmem>> -> memref<128xi32, #tpu.memory_space<vmem>>
      %dma_wait3A_1363 = arith.constant 0 : i32
      %dma_wait3A_1364 = arith.constant 0 : i32
      %dma_wait3A_1365 = tpu.memref_slice %arg2[%dma_wait3A_1363, %dma_wait3A_1364] : memref<1000000x32xf32, #tpu.memory_space<hbm>> -> memref<1000000x32xf32, #tpu.memory_space<hbm>>
      tpu.wait_indirect_dma semaphore(%arg12 : memref<!tpu.dma_semaphore, #tpu.memory_space<semaphore_mem>>) src(%dma_wait3A_1365 : memref<1000000x32xf32, #tpu.memory_space<hbm>>) dst(%dma_wait3A_1359 : memref<128x32xf32, #tpu.memory_space<vmem>>)
      %dma_wait3A_1366 = arith.constant 9 : i32
      %dma_wait3A_1367 = arith.constant 1152 : i32
      %dma_wait3A_1368 = arith.constant 0 : i32
      %dma_wait3A_1369 = tpu.memref_slice %arg8[%dma_wait3A_1367, %dma_wait3A_1368] : memref<1280x32xf32, #tpu.memory_space<vmem>> -> memref<128x32xf32, #tpu.memory_space<vmem>>
      %dma_wait3A_1370 = arith.constant 0 : i32
      %dma_wait3A_1371 = tpu.memref_slice %arg6[%dma_wait3A_1366, %dma_wait3A_1370] : memref<10x128xi32, #tpu.memory_space<vmem>> -> memref<1x128xi32, #tpu.memory_space<vmem>>
      %dma_wait3A_1372 = tpu.memref_squeeze %dma_wait3A_1371 : memref<1x128xi32, #tpu.memory_space<vmem>> -> memref<128xi32, #tpu.memory_space<vmem>>
      %dma_wait3A_1373 = arith.constant 0 : i32
      %dma_wait3A_1374 = arith.constant 0 : i32
      %dma_wait3A_1375 = tpu.memref_slice %arg2[%dma_wait3A_1373, %dma_wait3A_1374] : memref<1000000x32xf32, #tpu.memory_space<hbm>> -> memref<1000000x32xf32, #tpu.memory_space<hbm>>
      tpu.wait_indirect_dma semaphore(%arg12 : memref<!tpu.dma_semaphore, #tpu.memory_space<semaphore_mem>>) src(%dma_wait3A_1375 : memref<1000000x32xf32, #tpu.memory_space<hbm>>) dst(%dma_wait3A_1369 : memref<128x32xf32, #tpu.memory_space<vmem>>)
      %mul3A_1376 = arith.constant 10 : i32
      %mul3A_1377 = arith.muli %add3A_922, %mul3A_1376 : i32
      %add3A_1378 = arith.addi %mul3A_2, %mul3A_1377 : i32
      %mul3A_1379 = arith.constant 128 : i32
      %mul3A_1380 = arith.muli %add3A_1378, %mul3A_1379 : i32
      %dma_start3A_1381 = arith.constant 0 : i32
      %dma_start3A_1382 = tpu.memref_slice %arg4[%mul3A_1380, %dma_start3A_1381] : memref<3276800x32xf32, #tpu.memory_space<hbm>> -> memref<1280x32xf32, #tpu.memory_space<hbm>>
      %dma_start3A_1383 = arith.constant 0 : i32
      %dma_start3A_1384 = tpu.memref_slice %arg4[%mul3A_1380, %dma_start3A_1383] : memref<3276800x32xf32, #tpu.memory_space<hbm>> -> memref<1280x32xf32, #tpu.memory_space<hbm>>
      tpu.enqueue_dma source(%arg8 : memref<1280x32xf32, #tpu.memory_space<vmem>>) target(%dma_start3A_1384 : memref<1280x32xf32, #tpu.memory_space<hbm>>) target_semaphore(%arg14 : memref<!tpu.dma_semaphore, #tpu.memory_space<semaphore_mem>>)
      %add3A_1385 = arith.constant 2 : i32
      %add3A_1386 = arith.addi %add3A_922, %add3A_1385 : i32
      %mul3A_1387 = arith.constant 10 : i32
      %mul3A_1388 = arith.muli %add3A_1386, %mul3A_1387 : i32
      %add3A_1389 = arith.addi %mul3A_2, %mul3A_1388 : i32
      %dma_start3A_1390 = arith.constant 0 : i32
      %dma_start3A_1391 = tpu.memref_slice %arg3[%add3A_1389, %dma_start3A_1390] : memref<25600x128xi32, #tpu.memory_space<hbm>> -> memref<10x128xi32, #tpu.memory_space<hbm>>
      %dma_start3A_1392 = arith.constant 0 : i32
      %dma_start3A_1393 = tpu.memref_slice %arg3[%add3A_1389, %dma_start3A_1392] : memref<25600x128xi32, #tpu.memory_space<hbm>> -> memref<10x128xi32, #tpu.memory_space<hbm>>
      tpu.enqueue_dma source(%dma_start3A_1393 : memref<10x128xi32, #tpu.memory_space<hbm>>) target(%arg6 : memref<10x128xi32, #tpu.memory_space<vmem>>) target_semaphore(%arg10 : memref<!tpu.dma_semaphore, #tpu.memory_space<semaphore_mem>>)
    }
    %scan3A_571 = arith.constant 38 : i32
    %add3A_572 = arith.constant 790 : i32
    %add3A_573 = arith.addi %mul3A_2, %add3A_572 : i32
    %dma_wait3A_574 = arith.constant 0 : i32
    %dma_wait3A_575 = tpu.memref_slice %arg3[%add3A_573, %dma_wait3A_574] : memref<25600x128xi32, #tpu.memory_space<hbm>> -> memref<10x128xi32, #tpu.memory_space<hbm>>
    %dma_wait3A_576 = arith.constant 0 : i32
    %dma_wait3A_577 = tpu.memref_slice %arg3[%add3A_573, %dma_wait3A_576] : memref<25600x128xi32, #tpu.memory_space<hbm>> -> memref<10x128xi32, #tpu.memory_space<hbm>>
    tpu.wait_dma2 semaphore(%arg10 : memref<!tpu.dma_semaphore, #tpu.memory_space<semaphore_mem>>) src(%dma_wait3A_577 : memref<10x128xi32, #tpu.memory_space<hbm>>) dst(%arg6 : memref<10x128xi32, #tpu.memory_space<vmem>>)
    %add3A_578 = arith.constant 770 : i32
    %add3A_579 = arith.addi %mul3A_2, %add3A_578 : i32
    %mul3A_580 = arith.constant 128 : i32
    %mul3A_581 = arith.muli %add3A_579, %mul3A_580 : i32
    %dma_wait3A_582 = arith.constant 0 : i32
    %dma_wait3A_583 = tpu.memref_slice %arg4[%mul3A_581, %dma_wait3A_582] : memref<3276800x32xf32, #tpu.memory_space<hbm>> -> memref<1280x32xf32, #tpu.memory_space<hbm>>
    %dma_wait3A_584 = arith.constant 0 : i32
    %dma_wait3A_585 = tpu.memref_slice %arg4[%mul3A_581, %dma_wait3A_584] : memref<3276800x32xf32, #tpu.memory_space<hbm>> -> memref<1280x32xf32, #tpu.memory_space<hbm>>
    tpu.wait_dma2 semaphore(%arg14 : memref<!tpu.dma_semaphore, #tpu.memory_space<semaphore_mem>>) src(%arg8 : memref<1280x32xf32, #tpu.memory_space<vmem>>) dst(%dma_wait3A_585 : memref<1280x32xf32, #tpu.memory_space<hbm>>)
    %dma_start3A_586 = arith.constant 0 : i32
    %dma_start3A_587 = arith.constant 0 : i32
    %dma_start3A_588 = arith.constant 0 : i32
    %dma_start3A_589 = tpu.memref_slice %arg8[%dma_start3A_587, %dma_start3A_588] : memref<1280x32xf32, #tpu.memory_space<vmem>> -> memref<128x32xf32, #tpu.memory_space<vmem>>
    %dma_start3A_590 = arith.constant 0 : i32
    %dma_start3A_591 = tpu.memref_slice %arg6[%dma_start3A_586, %dma_start3A_590] : memref<10x128xi32, #tpu.memory_space<vmem>> -> memref<1x128xi32, #tpu.memory_space<vmem>>
    %dma_start3A_592 = tpu.memref_squeeze %dma_start3A_591 : memref<1x128xi32, #tpu.memory_space<vmem>> -> memref<128xi32, #tpu.memory_space<vmem>>
    %dma_start3A_593 = arith.constant 0 : i32
    %dma_start3A_594 = arith.constant 0 : i32
    %dma_start3A_595 = tpu.memref_slice %arg2[%dma_start3A_593, %dma_start3A_594] : memref<1000000x32xf32, #tpu.memory_space<hbm>> -> memref<1000000x32xf32, #tpu.memory_space<hbm>>
    tpu.enqueue_indirect_dma source(%dma_start3A_595 : memref<1000000x32xf32, #tpu.memory_space<hbm>>) target(%dma_start3A_589 : memref<128x32xf32, #tpu.memory_space<vmem>>) offsets(%dma_start3A_592 : memref<128xi32, #tpu.memory_space<vmem>>) semaphore(%arg12 : memref<!tpu.dma_semaphore, #tpu.memory_space<semaphore_mem>>)
    %dma_start3A_596 = arith.constant 1 : i32
    %dma_start3A_597 = arith.constant 128 : i32
    %dma_start3A_598 = arith.constant 0 : i32
    %dma_start3A_599 = tpu.memref_slice %arg8[%dma_start3A_597, %dma_start3A_598] : memref<1280x32xf32, #tpu.memory_space<vmem>> -> memref<128x32xf32, #tpu.memory_space<vmem>>
    %dma_start3A_600 = arith.constant 0 : i32
    %dma_start3A_601 = tpu.memref_slice %arg6[%dma_start3A_596, %dma_start3A_600] : memref<10x128xi32, #tpu.memory_space<vmem>> -> memref<1x128xi32, #tpu.memory_space<vmem>>
    %dma_start3A_602 = tpu.memref_squeeze %dma_start3A_601 : memref<1x128xi32, #tpu.memory_space<vmem>> -> memref<128xi32, #tpu.memory_space<vmem>>
    %dma_start3A_603 = arith.constant 0 : i32
    %dma_start3A_604 = arith.constant 0 : i32
    %dma_start3A_605 = tpu.memref_slice %arg2[%dma_start3A_603, %dma_start3A_604] : memref<1000000x32xf32, #tpu.memory_space<hbm>> -> memref<1000000x32xf32, #tpu.memory_space<hbm>>
    tpu.enqueue_indirect_dma source(%dma_start3A_605 : memref<1000000x32xf32, #tpu.memory_space<hbm>>) target(%dma_start3A_599 : memref<128x32xf32, #tpu.memory_space<vmem>>) offsets(%dma_start3A_602 : memref<128xi32, #tpu.memory_space<vmem>>) semaphore(%arg12 : memref<!tpu.dma_semaphore, #tpu.memory_space<semaphore_mem>>)
    %dma_start3A_606 = arith.constant 2 : i32
    %dma_start3A_607 = arith.constant 256 : i32
    %dma_start3A_608 = arith.constant 0 : i32
    %dma_start3A_609 = tpu.memref_slice %arg8[%dma_start3A_607, %dma_start3A_608] : memref<1280x32xf32, #tpu.memory_space<vmem>> -> memref<128x32xf32, #tpu.memory_space<vmem>>
    %dma_start3A_610 = arith.constant 0 : i32
    %dma_start3A_611 = tpu.memref_slice %arg6[%dma_start3A_606, %dma_start3A_610] : memref<10x128xi32, #tpu.memory_space<vmem>> -> memref<1x128xi32, #tpu.memory_space<vmem>>
    %dma_start3A_612 = tpu.memref_squeeze %dma_start3A_611 : memref<1x128xi32, #tpu.memory_space<vmem>> -> memref<128xi32, #tpu.memory_space<vmem>>
    %dma_start3A_613 = arith.constant 0 : i32
    %dma_start3A_614 = arith.constant 0 : i32
    %dma_start3A_615 = tpu.memref_slice %arg2[%dma_start3A_613, %dma_start3A_614] : memref<1000000x32xf32, #tpu.memory_space<hbm>> -> memref<1000000x32xf32, #tpu.memory_space<hbm>>
    tpu.enqueue_indirect_dma source(%dma_start3A_615 : memref<1000000x32xf32, #tpu.memory_space<hbm>>) target(%dma_start3A_609 : memref<128x32xf32, #tpu.memory_space<vmem>>) offsets(%dma_start3A_612 : memref<128xi32, #tpu.memory_space<vmem>>) semaphore(%arg12 : memref<!tpu.dma_semaphore, #tpu.memory_space<semaphore_mem>>)
    %dma_start3A_616 = arith.constant 3 : i32
    %dma_start3A_617 = arith.constant 384 : i32
    %dma_start3A_618 = arith.constant 0 : i32
    %dma_start3A_619 = tpu.memref_slice %arg8[%dma_start3A_617, %dma_start3A_618] : memref<1280x32xf32, #tpu.memory_space<vmem>> -> memref<128x32xf32, #tpu.memory_space<vmem>>
    %dma_start3A_620 = arith.constant 0 : i32
    %dma_start3A_621 = tpu.memref_slice %arg6[%dma_start3A_616, %dma_start3A_620] : memref<10x128xi32, #tpu.memory_space<vmem>> -> memref<1x128xi32, #tpu.memory_space<vmem>>
    %dma_start3A_622 = tpu.memref_squeeze %dma_start3A_621 : memref<1x128xi32, #tpu.memory_space<vmem>> -> memref<128xi32, #tpu.memory_space<vmem>>
    %dma_start3A_623 = arith.constant 0 : i32
    %dma_start3A_624 = arith.constant 0 : i32
    %dma_start3A_625 = tpu.memref_slice %arg2[%dma_start3A_623, %dma_start3A_624] : memref<1000000x32xf32, #tpu.memory_space<hbm>> -> memref<1000000x32xf32, #tpu.memory_space<hbm>>
    tpu.enqueue_indirect_dma source(%dma_start3A_625 : memref<1000000x32xf32, #tpu.memory_space<hbm>>) target(%dma_start3A_619 : memref<128x32xf32, #tpu.memory_space<vmem>>) offsets(%dma_start3A_622 : memref<128xi32, #tpu.memory_space<vmem>>) semaphore(%arg12 : memref<!tpu.dma_semaphore, #tpu.memory_space<semaphore_mem>>)
    %dma_start3A_626 = arith.constant 4 : i32
    %dma_start3A_627 = arith.constant 512 : i32
    %dma_start3A_628 = arith.constant 0 : i32
    %dma_start3A_629 = tpu.memref_slice %arg8[%dma_start3A_627, %dma_start3A_628] : memref<1280x32xf32, #tpu.memory_space<vmem>> -> memref<128x32xf32, #tpu.memory_space<vmem>>
    %dma_start3A_630 = arith.constant 0 : i32
    %dma_start3A_631 = tpu.memref_slice %arg6[%dma_start3A_626, %dma_start3A_630] : memref<10x128xi32, #tpu.memory_space<vmem>> -> memref<1x128xi32, #tpu.memory_space<vmem>>
    %dma_start3A_632 = tpu.memref_squeeze %dma_start3A_631 : memref<1x128xi32, #tpu.memory_space<vmem>> -> memref<128xi32, #tpu.memory_space<vmem>>
    %dma_start3A_633 = arith.constant 0 : i32
    %dma_start3A_634 = arith.constant 0 : i32
    %dma_start3A_635 = tpu.memref_slice %arg2[%dma_start3A_633, %dma_start3A_634] : memref<1000000x32xf32, #tpu.memory_space<hbm>> -> memref<1000000x32xf32, #tpu.memory_space<hbm>>
    tpu.enqueue_indirect_dma source(%dma_start3A_635 : memref<1000000x32xf32, #tpu.memory_space<hbm>>) target(%dma_start3A_629 : memref<128x32xf32, #tpu.memory_space<vmem>>) offsets(%dma_start3A_632 : memref<128xi32, #tpu.memory_space<vmem>>) semaphore(%arg12 : memref<!tpu.dma_semaphore, #tpu.memory_space<semaphore_mem>>)
    %dma_start3A_636 = arith.constant 5 : i32
    %dma_start3A_637 = arith.constant 640 : i32
    %dma_start3A_638 = arith.constant 0 : i32
    %dma_start3A_639 = tpu.memref_slice %arg8[%dma_start3A_637, %dma_start3A_638] : memref<1280x32xf32, #tpu.memory_space<vmem>> -> memref<128x32xf32, #tpu.memory_space<vmem>>
    %dma_start3A_640 = arith.constant 0 : i32
    %dma_start3A_641 = tpu.memref_slice %arg6[%dma_start3A_636, %dma_start3A_640] : memref<10x128xi32, #tpu.memory_space<vmem>> -> memref<1x128xi32, #tpu.memory_space<vmem>>
    %dma_start3A_642 = tpu.memref_squeeze %dma_start3A_641 : memref<1x128xi32, #tpu.memory_space<vmem>> -> memref<128xi32, #tpu.memory_space<vmem>>
    %dma_start3A_643 = arith.constant 0 : i32
    %dma_start3A_644 = arith.constant 0 : i32
    %dma_start3A_645 = tpu.memref_slice %arg2[%dma_start3A_643, %dma_start3A_644] : memref<1000000x32xf32, #tpu.memory_space<hbm>> -> memref<1000000x32xf32, #tpu.memory_space<hbm>>
    tpu.enqueue_indirect_dma source(%dma_start3A_645 : memref<1000000x32xf32, #tpu.memory_space<hbm>>) target(%dma_start3A_639 : memref<128x32xf32, #tpu.memory_space<vmem>>) offsets(%dma_start3A_642 : memref<128xi32, #tpu.memory_space<vmem>>) semaphore(%arg12 : memref<!tpu.dma_semaphore, #tpu.memory_space<semaphore_mem>>)
    %dma_start3A_646 = arith.constant 6 : i32
    %dma_start3A_647 = arith.constant 768 : i32
    %dma_start3A_648 = arith.constant 0 : i32
    %dma_start3A_649 = tpu.memref_slice %arg8[%dma_start3A_647, %dma_start3A_648] : memref<1280x32xf32, #tpu.memory_space<vmem>> -> memref<128x32xf32, #tpu.memory_space<vmem>>
    %dma_start3A_650 = arith.constant 0 : i32
    %dma_start3A_651 = tpu.memref_slice %arg6[%dma_start3A_646, %dma_start3A_650] : memref<10x128xi32, #tpu.memory_space<vmem>> -> memref<1x128xi32, #tpu.memory_space<vmem>>
    %dma_start3A_652 = tpu.memref_squeeze %dma_start3A_651 : memref<1x128xi32, #tpu.memory_space<vmem>> -> memref<128xi32, #tpu.memory_space<vmem>>
    %dma_start3A_653 = arith.constant 0 : i32
    %dma_start3A_654 = arith.constant 0 : i32
    %dma_start3A_655 = tpu.memref_slice %arg2[%dma_start3A_653, %dma_start3A_654] : memref<1000000x32xf32, #tpu.memory_space<hbm>> -> memref<1000000x32xf32, #tpu.memory_space<hbm>>
    tpu.enqueue_indirect_dma source(%dma_start3A_655 : memref<1000000x32xf32, #tpu.memory_space<hbm>>) target(%dma_start3A_649 : memref<128x32xf32, #tpu.memory_space<vmem>>) offsets(%dma_start3A_652 : memref<128xi32, #tpu.memory_space<vmem>>) semaphore(%arg12 : memref<!tpu.dma_semaphore, #tpu.memory_space<semaphore_mem>>)
    %dma_start3A_656 = arith.constant 7 : i32
    %dma_start3A_657 = arith.constant 896 : i32
    %dma_start3A_658 = arith.constant 0 : i32
    %dma_start3A_659 = tpu.memref_slice %arg8[%dma_start3A_657, %dma_start3A_658] : memref<1280x32xf32, #tpu.memory_space<vmem>> -> memref<128x32xf32, #tpu.memory_space<vmem>>
    %dma_start3A_660 = arith.constant 0 : i32
    %dma_start3A_661 = tpu.memref_slice %arg6[%dma_start3A_656, %dma_start3A_660] : memref<10x128xi32, #tpu.memory_space<vmem>> -> memref<1x128xi32, #tpu.memory_space<vmem>>
    %dma_start3A_662 = tpu.memref_squeeze %dma_start3A_661 : memref<1x128xi32, #tpu.memory_space<vmem>> -> memref<128xi32, #tpu.memory_space<vmem>>
    %dma_start3A_663 = arith.constant 0 : i32
    %dma_start3A_664 = arith.constant 0 : i32
    %dma_start3A_665 = tpu.memref_slice %arg2[%dma_start3A_663, %dma_start3A_664] : memref<1000000x32xf32, #tpu.memory_space<hbm>> -> memref<1000000x32xf32, #tpu.memory_space<hbm>>
    tpu.enqueue_indirect_dma source(%dma_start3A_665 : memref<1000000x32xf32, #tpu.memory_space<hbm>>) target(%dma_start3A_659 : memref<128x32xf32, #tpu.memory_space<vmem>>) offsets(%dma_start3A_662 : memref<128xi32, #tpu.memory_space<vmem>>) semaphore(%arg12 : memref<!tpu.dma_semaphore, #tpu.memory_space<semaphore_mem>>)
    %dma_start3A_666 = arith.constant 8 : i32
    %dma_start3A_667 = arith.constant 1024 : i32
    %dma_start3A_668 = arith.constant 0 : i32
    %dma_start3A_669 = tpu.memref_slice %arg8[%dma_start3A_667, %dma_start3A_668] : memref<1280x32xf32, #tpu.memory_space<vmem>> -> memref<128x32xf32, #tpu.memory_space<vmem>>
    %dma_start3A_670 = arith.constant 0 : i32
    %dma_start3A_671 = tpu.memref_slice %arg6[%dma_start3A_666, %dma_start3A_670] : memref<10x128xi32, #tpu.memory_space<vmem>> -> memref<1x128xi32, #tpu.memory_space<vmem>>
    %dma_start3A_672 = tpu.memref_squeeze %dma_start3A_671 : memref<1x128xi32, #tpu.memory_space<vmem>> -> memref<128xi32, #tpu.memory_space<vmem>>
    %dma_start3A_673 = arith.constant 0 : i32
    %dma_start3A_674 = arith.constant 0 : i32
    %dma_start3A_675 = tpu.memref_slice %arg2[%dma_start3A_673, %dma_start3A_674] : memref<1000000x32xf32, #tpu.memory_space<hbm>> -> memref<1000000x32xf32, #tpu.memory_space<hbm>>
    tpu.enqueue_indirect_dma source(%dma_start3A_675 : memref<1000000x32xf32, #tpu.memory_space<hbm>>) target(%dma_start3A_669 : memref<128x32xf32, #tpu.memory_space<vmem>>) offsets(%dma_start3A_672 : memref<128xi32, #tpu.memory_space<vmem>>) semaphore(%arg12 : memref<!tpu.dma_semaphore, #tpu.memory_space<semaphore_mem>>)
    %dma_start3A_676 = arith.constant 9 : i32
    %dma_start3A_677 = arith.constant 1152 : i32
    %dma_start3A_678 = arith.constant 0 : i32
    %dma_start3A_679 = tpu.memref_slice %arg8[%dma_start3A_677, %dma_start3A_678] : memref<1280x32xf32, #tpu.memory_space<vmem>> -> memref<128x32xf32, #tpu.memory_space<vmem>>
    %dma_start3A_680 = arith.constant 0 : i32
    %dma_start3A_681 = tpu.memref_slice %arg6[%dma_start3A_676, %dma_start3A_680] : memref<10x128xi32, #tpu.memory_space<vmem>> -> memref<1x128xi32, #tpu.memory_space<vmem>>
    %dma_start3A_682 = tpu.memref_squeeze %dma_start3A_681 : memref<1x128xi32, #tpu.memory_space<vmem>> -> memref<128xi32, #tpu.memory_space<vmem>>
    %dma_start3A_683 = arith.constant 0 : i32
    %dma_start3A_684 = arith.constant 0 : i32
    %dma_start3A_685 = tpu.memref_slice %arg2[%dma_start3A_683, %dma_start3A_684] : memref<1000000x32xf32, #tpu.memory_space<hbm>> -> memref<1000000x32xf32, #tpu.memory_space<hbm>>
    tpu.enqueue_indirect_dma source(%dma_start3A_685 : memref<1000000x32xf32, #tpu.memory_space<hbm>>) target(%dma_start3A_679 : memref<128x32xf32, #tpu.memory_space<vmem>>) offsets(%dma_start3A_682 : memref<128xi32, #tpu.memory_space<vmem>>) semaphore(%arg12 : memref<!tpu.dma_semaphore, #tpu.memory_space<semaphore_mem>>)
    %dma_wait3A_686 = arith.constant 0 : i32
    %dma_wait3A_687 = arith.constant 0 : i32
    %dma_wait3A_688 = arith.constant 0 : i32
    %dma_wait3A_689 = tpu.memref_slice %arg7[%dma_wait3A_687, %dma_wait3A_688] : memref<1280x32xf32, #tpu.memory_space<vmem>> -> memref<128x32xf32, #tpu.memory_space<vmem>>
    %dma_wait3A_690 = arith.constant 0 : i32
    %dma_wait3A_691 = tpu.memref_slice %arg5[%dma_wait3A_686, %dma_wait3A_690] : memref<10x128xi32, #tpu.memory_space<vmem>> -> memref<1x128xi32, #tpu.memory_space<vmem>>
    %dma_wait3A_692 = tpu.memref_squeeze %dma_wait3A_691 : memref<1x128xi32, #tpu.memory_space<vmem>> -> memref<128xi32, #tpu.memory_space<vmem>>
    %dma_wait3A_693 = arith.constant 0 : i32
    %dma_wait3A_694 = arith.constant 0 : i32
    %dma_wait3A_695 = tpu.memref_slice %arg2[%dma_wait3A_693, %dma_wait3A_694] : memref<1000000x32xf32, #tpu.memory_space<hbm>> -> memref<1000000x32xf32, #tpu.memory_space<hbm>>
    tpu.wait_indirect_dma semaphore(%arg11 : memref<!tpu.dma_semaphore, #tpu.memory_space<semaphore_mem>>) src(%dma_wait3A_695 : memref<1000000x32xf32, #tpu.memory_space<hbm>>) dst(%dma_wait3A_689 : memref<128x32xf32, #tpu.memory_space<vmem>>)
    %dma_wait3A_696 = arith.constant 1 : i32
    %dma_wait3A_697 = arith.constant 128 : i32
    %dma_wait3A_698 = arith.constant 0 : i32
    %dma_wait3A_699 = tpu.memref_slice %arg7[%dma_wait3A_697, %dma_wait3A_698] : memref<1280x32xf32, #tpu.memory_space<vmem>> -> memref<128x32xf32, #tpu.memory_space<vmem>>
    %dma_wait3A_700 = arith.constant 0 : i32
    %dma_wait3A_701 = tpu.memref_slice %arg5[%dma_wait3A_696, %dma_wait3A_700] : memref<10x128xi32, #tpu.memory_space<vmem>> -> memref<1x128xi32, #tpu.memory_space<vmem>>
    %dma_wait3A_702 = tpu.memref_squeeze %dma_wait3A_701 : memref<1x128xi32, #tpu.memory_space<vmem>> -> memref<128xi32, #tpu.memory_space<vmem>>
    %dma_wait3A_703 = arith.constant 0 : i32
    %dma_wait3A_704 = arith.constant 0 : i32
    %dma_wait3A_705 = tpu.memref_slice %arg2[%dma_wait3A_703, %dma_wait3A_704] : memref<1000000x32xf32, #tpu.memory_space<hbm>> -> memref<1000000x32xf32, #tpu.memory_space<hbm>>
    tpu.wait_indirect_dma semaphore(%arg11 : memref<!tpu.dma_semaphore, #tpu.memory_space<semaphore_mem>>) src(%dma_wait3A_705 : memref<1000000x32xf32, #tpu.memory_space<hbm>>) dst(%dma_wait3A_699 : memref<128x32xf32, #tpu.memory_space<vmem>>)
    %dma_wait3A_706 = arith.constant 2 : i32
    %dma_wait3A_707 = arith.constant 256 : i32
    %dma_wait3A_708 = arith.constant 0 : i32
    %dma_wait3A_709 = tpu.memref_slice %arg7[%dma_wait3A_707, %dma_wait3A_708] : memref<1280x32xf32, #tpu.memory_space<vmem>> -> memref<128x32xf32, #tpu.memory_space<vmem>>
    %dma_wait3A_710 = arith.constant 0 : i32
    %dma_wait3A_711 = tpu.memref_slice %arg5[%dma_wait3A_706, %dma_wait3A_710] : memref<10x128xi32, #tpu.memory_space<vmem>> -> memref<1x128xi32, #tpu.memory_space<vmem>>
    %dma_wait3A_712 = tpu.memref_squeeze %dma_wait3A_711 : memref<1x128xi32, #tpu.memory_space<vmem>> -> memref<128xi32, #tpu.memory_space<vmem>>
    %dma_wait3A_713 = arith.constant 0 : i32
    %dma_wait3A_714 = arith.constant 0 : i32
    %dma_wait3A_715 = tpu.memref_slice %arg2[%dma_wait3A_713, %dma_wait3A_714] : memref<1000000x32xf32, #tpu.memory_space<hbm>> -> memref<1000000x32xf32, #tpu.memory_space<hbm>>
    tpu.wait_indirect_dma semaphore(%arg11 : memref<!tpu.dma_semaphore, #tpu.memory_space<semaphore_mem>>) src(%dma_wait3A_715 : memref<1000000x32xf32, #tpu.memory_space<hbm>>) dst(%dma_wait3A_709 : memref<128x32xf32, #tpu.memory_space<vmem>>)
    %dma_wait3A_716 = arith.constant 3 : i32
    %dma_wait3A_717 = arith.constant 384 : i32
    %dma_wait3A_718 = arith.constant 0 : i32
    %dma_wait3A_719 = tpu.memref_slice %arg7[%dma_wait3A_717, %dma_wait3A_718] : memref<1280x32xf32, #tpu.memory_space<vmem>> -> memref<128x32xf32, #tpu.memory_space<vmem>>
    %dma_wait3A_720 = arith.constant 0 : i32
    %dma_wait3A_721 = tpu.memref_slice %arg5[%dma_wait3A_716, %dma_wait3A_720] : memref<10x128xi32, #tpu.memory_space<vmem>> -> memref<1x128xi32, #tpu.memory_space<vmem>>
    %dma_wait3A_722 = tpu.memref_squeeze %dma_wait3A_721 : memref<1x128xi32, #tpu.memory_space<vmem>> -> memref<128xi32, #tpu.memory_space<vmem>>
    %dma_wait3A_723 = arith.constant 0 : i32
    %dma_wait3A_724 = arith.constant 0 : i32
    %dma_wait3A_725 = tpu.memref_slice %arg2[%dma_wait3A_723, %dma_wait3A_724] : memref<1000000x32xf32, #tpu.memory_space<hbm>> -> memref<1000000x32xf32, #tpu.memory_space<hbm>>
    tpu.wait_indirect_dma semaphore(%arg11 : memref<!tpu.dma_semaphore, #tpu.memory_space<semaphore_mem>>) src(%dma_wait3A_725 : memref<1000000x32xf32, #tpu.memory_space<hbm>>) dst(%dma_wait3A_719 : memref<128x32xf32, #tpu.memory_space<vmem>>)
    %dma_wait3A_726 = arith.constant 4 : i32
    %dma_wait3A_727 = arith.constant 512 : i32
    %dma_wait3A_728 = arith.constant 0 : i32
    %dma_wait3A_729 = tpu.memref_slice %arg7[%dma_wait3A_727, %dma_wait3A_728] : memref<1280x32xf32, #tpu.memory_space<vmem>> -> memref<128x32xf32, #tpu.memory_space<vmem>>
    %dma_wait3A_730 = arith.constant 0 : i32
    %dma_wait3A_731 = tpu.memref_slice %arg5[%dma_wait3A_726, %dma_wait3A_730] : memref<10x128xi32, #tpu.memory_space<vmem>> -> memref<1x128xi32, #tpu.memory_space<vmem>>
    %dma_wait3A_732 = tpu.memref_squeeze %dma_wait3A_731 : memref<1x128xi32, #tpu.memory_space<vmem>> -> memref<128xi32, #tpu.memory_space<vmem>>
    %dma_wait3A_733 = arith.constant 0 : i32
    %dma_wait3A_734 = arith.constant 0 : i32
    %dma_wait3A_735 = tpu.memref_slice %arg2[%dma_wait3A_733, %dma_wait3A_734] : memref<1000000x32xf32, #tpu.memory_space<hbm>> -> memref<1000000x32xf32, #tpu.memory_space<hbm>>
    tpu.wait_indirect_dma semaphore(%arg11 : memref<!tpu.dma_semaphore, #tpu.memory_space<semaphore_mem>>) src(%dma_wait3A_735 : memref<1000000x32xf32, #tpu.memory_space<hbm>>) dst(%dma_wait3A_729 : memref<128x32xf32, #tpu.memory_space<vmem>>)
    %dma_wait3A_736 = arith.constant 5 : i32
    %dma_wait3A_737 = arith.constant 640 : i32
    %dma_wait3A_738 = arith.constant 0 : i32
    %dma_wait3A_739 = tpu.memref_slice %arg7[%dma_wait3A_737, %dma_wait3A_738] : memref<1280x32xf32, #tpu.memory_space<vmem>> -> memref<128x32xf32, #tpu.memory_space<vmem>>
    %dma_wait3A_740 = arith.constant 0 : i32
    %dma_wait3A_741 = tpu.memref_slice %arg5[%dma_wait3A_736, %dma_wait3A_740] : memref<10x128xi32, #tpu.memory_space<vmem>> -> memref<1x128xi32, #tpu.memory_space<vmem>>
    %dma_wait3A_742 = tpu.memref_squeeze %dma_wait3A_741 : memref<1x128xi32, #tpu.memory_space<vmem>> -> memref<128xi32, #tpu.memory_space<vmem>>
    %dma_wait3A_743 = arith.constant 0 : i32
    %dma_wait3A_744 = arith.constant 0 : i32
    %dma_wait3A_745 = tpu.memref_slice %arg2[%dma_wait3A_743, %dma_wait3A_744] : memref<1000000x32xf32, #tpu.memory_space<hbm>> -> memref<1000000x32xf32, #tpu.memory_space<hbm>>
    tpu.wait_indirect_dma semaphore(%arg11 : memref<!tpu.dma_semaphore, #tpu.memory_space<semaphore_mem>>) src(%dma_wait3A_745 : memref<1000000x32xf32, #tpu.memory_space<hbm>>) dst(%dma_wait3A_739 : memref<128x32xf32, #tpu.memory_space<vmem>>)
    %dma_wait3A_746 = arith.constant 6 : i32
    %dma_wait3A_747 = arith.constant 768 : i32
    %dma_wait3A_748 = arith.constant 0 : i32
    %dma_wait3A_749 = tpu.memref_slice %arg7[%dma_wait3A_747, %dma_wait3A_748] : memref<1280x32xf32, #tpu.memory_space<vmem>> -> memref<128x32xf32, #tpu.memory_space<vmem>>
    %dma_wait3A_750 = arith.constant 0 : i32
    %dma_wait3A_751 = tpu.memref_slice %arg5[%dma_wait3A_746, %dma_wait3A_750] : memref<10x128xi32, #tpu.memory_space<vmem>> -> memref<1x128xi32, #tpu.memory_space<vmem>>
    %dma_wait3A_752 = tpu.memref_squeeze %dma_wait3A_751 : memref<1x128xi32, #tpu.memory_space<vmem>> -> memref<128xi32, #tpu.memory_space<vmem>>
    %dma_wait3A_753 = arith.constant 0 : i32
    %dma_wait3A_754 = arith.constant 0 : i32
    %dma_wait3A_755 = tpu.memref_slice %arg2[%dma_wait3A_753, %dma_wait3A_754] : memref<1000000x32xf32, #tpu.memory_space<hbm>> -> memref<1000000x32xf32, #tpu.memory_space<hbm>>
    tpu.wait_indirect_dma semaphore(%arg11 : memref<!tpu.dma_semaphore, #tpu.memory_space<semaphore_mem>>) src(%dma_wait3A_755 : memref<1000000x32xf32, #tpu.memory_space<hbm>>) dst(%dma_wait3A_749 : memref<128x32xf32, #tpu.memory_space<vmem>>)
    %dma_wait3A_756 = arith.constant 7 : i32
    %dma_wait3A_757 = arith.constant 896 : i32
    %dma_wait3A_758 = arith.constant 0 : i32
    %dma_wait3A_759 = tpu.memref_slice %arg7[%dma_wait3A_757, %dma_wait3A_758] : memref<1280x32xf32, #tpu.memory_space<vmem>> -> memref<128x32xf32, #tpu.memory_space<vmem>>
    %dma_wait3A_760 = arith.constant 0 : i32
    %dma_wait3A_761 = tpu.memref_slice %arg5[%dma_wait3A_756, %dma_wait3A_760] : memref<10x128xi32, #tpu.memory_space<vmem>> -> memref<1x128xi32, #tpu.memory_space<vmem>>
    %dma_wait3A_762 = tpu.memref_squeeze %dma_wait3A_761 : memref<1x128xi32, #tpu.memory_space<vmem>> -> memref<128xi32, #tpu.memory_space<vmem>>
    %dma_wait3A_763 = arith.constant 0 : i32
    %dma_wait3A_764 = arith.constant 0 : i32
    %dma_wait3A_765 = tpu.memref_slice %arg2[%dma_wait3A_763, %dma_wait3A_764] : memref<1000000x32xf32, #tpu.memory_space<hbm>> -> memref<1000000x32xf32, #tpu.memory_space<hbm>>
    tpu.wait_indirect_dma semaphore(%arg11 : memref<!tpu.dma_semaphore, #tpu.memory_space<semaphore_mem>>) src(%dma_wait3A_765 : memref<1000000x32xf32, #tpu.memory_space<hbm>>) dst(%dma_wait3A_759 : memref<128x32xf32, #tpu.memory_space<vmem>>)
    %dma_wait3A_766 = arith.constant 8 : i32
    %dma_wait3A_767 = arith.constant 1024 : i32
    %dma_wait3A_768 = arith.constant 0 : i32
    %dma_wait3A_769 = tpu.memref_slice %arg7[%dma_wait3A_767, %dma_wait3A_768] : memref<1280x32xf32, #tpu.memory_space<vmem>> -> memref<128x32xf32, #tpu.memory_space<vmem>>
    %dma_wait3A_770 = arith.constant 0 : i32
    %dma_wait3A_771 = tpu.memref_slice %arg5[%dma_wait3A_766, %dma_wait3A_770] : memref<10x128xi32, #tpu.memory_space<vmem>> -> memref<1x128xi32, #tpu.memory_space<vmem>>
    %dma_wait3A_772 = tpu.memref_squeeze %dma_wait3A_771 : memref<1x128xi32, #tpu.memory_space<vmem>> -> memref<128xi32, #tpu.memory_space<vmem>>
    %dma_wait3A_773 = arith.constant 0 : i32
    %dma_wait3A_774 = arith.constant 0 : i32
    %dma_wait3A_775 = tpu.memref_slice %arg2[%dma_wait3A_773, %dma_wait3A_774] : memref<1000000x32xf32, #tpu.memory_space<hbm>> -> memref<1000000x32xf32, #tpu.memory_space<hbm>>
    tpu.wait_indirect_dma semaphore(%arg11 : memref<!tpu.dma_semaphore, #tpu.memory_space<semaphore_mem>>) src(%dma_wait3A_775 : memref<1000000x32xf32, #tpu.memory_space<hbm>>) dst(%dma_wait3A_769 : memref<128x32xf32, #tpu.memory_space<vmem>>)
    %dma_wait3A_776 = arith.constant 9 : i32
    %dma_wait3A_777 = arith.constant 1152 : i32
    %dma_wait3A_778 = arith.constant 0 : i32
    %dma_wait3A_779 = tpu.memref_slice %arg7[%dma_wait3A_777, %dma_wait3A_778] : memref<1280x32xf32, #tpu.memory_space<vmem>> -> memref<128x32xf32, #tpu.memory_space<vmem>>
    %dma_wait3A_780 = arith.constant 0 : i32
    %dma_wait3A_781 = tpu.memref_slice %arg5[%dma_wait3A_776, %dma_wait3A_780] : memref<10x128xi32, #tpu.memory_space<vmem>> -> memref<1x128xi32, #tpu.memory_space<vmem>>
    %dma_wait3A_782 = tpu.memref_squeeze %dma_wait3A_781 : memref<1x128xi32, #tpu.memory_space<vmem>> -> memref<128xi32, #tpu.memory_space<vmem>>
    %dma_wait3A_783 = arith.constant 0 : i32
    %dma_wait3A_784 = arith.constant 0 : i32
    %dma_wait3A_785 = tpu.memref_slice %arg2[%dma_wait3A_783, %dma_wait3A_784] : memref<1000000x32xf32, #tpu.memory_space<hbm>> -> memref<1000000x32xf32, #tpu.memory_space<hbm>>
    tpu.wait_indirect_dma semaphore(%arg11 : memref<!tpu.dma_semaphore, #tpu.memory_space<semaphore_mem>>) src(%dma_wait3A_785 : memref<1000000x32xf32, #tpu.memory_space<hbm>>) dst(%dma_wait3A_779 : memref<128x32xf32, #tpu.memory_space<vmem>>)
    %add3A_786 = arith.constant 780 : i32
    %add3A_787 = arith.addi %mul3A_2, %add3A_786 : i32
    %mul3A_788 = arith.constant 128 : i32
    %mul3A_789 = arith.muli %add3A_787, %mul3A_788 : i32
    %dma_start3A_790 = arith.constant 0 : i32
    %dma_start3A_791 = tpu.memref_slice %arg4[%mul3A_789, %dma_start3A_790] : memref<3276800x32xf32, #tpu.memory_space<hbm>> -> memref<1280x32xf32, #tpu.memory_space<hbm>>
    %dma_start3A_792 = arith.constant 0 : i32
    %dma_start3A_793 = tpu.memref_slice %arg4[%mul3A_789, %dma_start3A_792] : memref<3276800x32xf32, #tpu.memory_space<hbm>> -> memref<1280x32xf32, #tpu.memory_space<hbm>>
    tpu.enqueue_dma source(%arg7 : memref<1280x32xf32, #tpu.memory_space<vmem>>) target(%dma_start3A_793 : memref<1280x32xf32, #tpu.memory_space<hbm>>) target_semaphore(%arg13 : memref<!tpu.dma_semaphore, #tpu.memory_space<semaphore_mem>>)
    %dma_wait3A_794 = arith.constant 0 : i32
    %dma_wait3A_795 = arith.constant 0 : i32
    %dma_wait3A_796 = arith.constant 0 : i32
    %dma_wait3A_797 = tpu.memref_slice %arg8[%dma_wait3A_795, %dma_wait3A_796] : memref<1280x32xf32, #tpu.memory_space<vmem>> -> memref<128x32xf32, #tpu.memory_space<vmem>>
    %dma_wait3A_798 = arith.constant 0 : i32
    %dma_wait3A_799 = tpu.memref_slice %arg6[%dma_wait3A_794, %dma_wait3A_798] : memref<10x128xi32, #tpu.memory_space<vmem>> -> memref<1x128xi32, #tpu.memory_space<vmem>>
    %dma_wait3A_800 = tpu.memref_squeeze %dma_wait3A_799 : memref<1x128xi32, #tpu.memory_space<vmem>> -> memref<128xi32, #tpu.memory_space<vmem>>
    %dma_wait3A_801 = arith.constant 0 : i32
    %dma_wait3A_802 = arith.constant 0 : i32
    %dma_wait3A_803 = tpu.memref_slice %arg2[%dma_wait3A_801, %dma_wait3A_802] : memref<1000000x32xf32, #tpu.memory_space<hbm>> -> memref<1000000x32xf32, #tpu.memory_space<hbm>>
    tpu.wait_indirect_dma semaphore(%arg12 : memref<!tpu.dma_semaphore, #tpu.memory_space<semaphore_mem>>) src(%dma_wait3A_803 : memref<1000000x32xf32, #tpu.memory_space<hbm>>) dst(%dma_wait3A_797 : memref<128x32xf32, #tpu.memory_space<vmem>>)
    %dma_wait3A_804 = arith.constant 1 : i32
    %dma_wait3A_805 = arith.constant 128 : i32
    %dma_wait3A_806 = arith.constant 0 : i32
    %dma_wait3A_807 = tpu.memref_slice %arg8[%dma_wait3A_805, %dma_wait3A_806] : memref<1280x32xf32, #tpu.memory_space<vmem>> -> memref<128x32xf32, #tpu.memory_space<vmem>>
    %dma_wait3A_808 = arith.constant 0 : i32
    %dma_wait3A_809 = tpu.memref_slice %arg6[%dma_wait3A_804, %dma_wait3A_808] : memref<10x128xi32, #tpu.memory_space<vmem>> -> memref<1x128xi32, #tpu.memory_space<vmem>>
    %dma_wait3A_810 = tpu.memref_squeeze %dma_wait3A_809 : memref<1x128xi32, #tpu.memory_space<vmem>> -> memref<128xi32, #tpu.memory_space<vmem>>
    %dma_wait3A_811 = arith.constant 0 : i32
    %dma_wait3A_812 = arith.constant 0 : i32
    %dma_wait3A_813 = tpu.memref_slice %arg2[%dma_wait3A_811, %dma_wait3A_812] : memref<1000000x32xf32, #tpu.memory_space<hbm>> -> memref<1000000x32xf32, #tpu.memory_space<hbm>>
    tpu.wait_indirect_dma semaphore(%arg12 : memref<!tpu.dma_semaphore, #tpu.memory_space<semaphore_mem>>) src(%dma_wait3A_813 : memref<1000000x32xf32, #tpu.memory_space<hbm>>) dst(%dma_wait3A_807 : memref<128x32xf32, #tpu.memory_space<vmem>>)
    %dma_wait3A_814 = arith.constant 2 : i32
    %dma_wait3A_815 = arith.constant 256 : i32
    %dma_wait3A_816 = arith.constant 0 : i32
    %dma_wait3A_817 = tpu.memref_slice %arg8[%dma_wait3A_815, %dma_wait3A_816] : memref<1280x32xf32, #tpu.memory_space<vmem>> -> memref<128x32xf32, #tpu.memory_space<vmem>>
    %dma_wait3A_818 = arith.constant 0 : i32
    %dma_wait3A_819 = tpu.memref_slice %arg6[%dma_wait3A_814, %dma_wait3A_818] : memref<10x128xi32, #tpu.memory_space<vmem>> -> memref<1x128xi32, #tpu.memory_space<vmem>>
    %dma_wait3A_820 = tpu.memref_squeeze %dma_wait3A_819 : memref<1x128xi32, #tpu.memory_space<vmem>> -> memref<128xi32, #tpu.memory_space<vmem>>
    %dma_wait3A_821 = arith.constant 0 : i32
    %dma_wait3A_822 = arith.constant 0 : i32
    %dma_wait3A_823 = tpu.memref_slice %arg2[%dma_wait3A_821, %dma_wait3A_822] : memref<1000000x32xf32, #tpu.memory_space<hbm>> -> memref<1000000x32xf32, #tpu.memory_space<hbm>>
    tpu.wait_indirect_dma semaphore(%arg12 : memref<!tpu.dma_semaphore, #tpu.memory_space<semaphore_mem>>) src(%dma_wait3A_823 : memref<1000000x32xf32, #tpu.memory_space<hbm>>) dst(%dma_wait3A_817 : memref<128x32xf32, #tpu.memory_space<vmem>>)
    %dma_wait3A_824 = arith.constant 3 : i32
    %dma_wait3A_825 = arith.constant 384 : i32
    %dma_wait3A_826 = arith.constant 0 : i32
    %dma_wait3A_827 = tpu.memref_slice %arg8[%dma_wait3A_825, %dma_wait3A_826] : memref<1280x32xf32, #tpu.memory_space<vmem>> -> memref<128x32xf32, #tpu.memory_space<vmem>>
    %dma_wait3A_828 = arith.constant 0 : i32
    %dma_wait3A_829 = tpu.memref_slice %arg6[%dma_wait3A_824, %dma_wait3A_828] : memref<10x128xi32, #tpu.memory_space<vmem>> -> memref<1x128xi32, #tpu.memory_space<vmem>>
    %dma_wait3A_830 = tpu.memref_squeeze %dma_wait3A_829 : memref<1x128xi32, #tpu.memory_space<vmem>> -> memref<128xi32, #tpu.memory_space<vmem>>
    %dma_wait3A_831 = arith.constant 0 : i32
    %dma_wait3A_832 = arith.constant 0 : i32
    %dma_wait3A_833 = tpu.memref_slice %arg2[%dma_wait3A_831, %dma_wait3A_832] : memref<1000000x32xf32, #tpu.memory_space<hbm>> -> memref<1000000x32xf32, #tpu.memory_space<hbm>>
    tpu.wait_indirect_dma semaphore(%arg12 : memref<!tpu.dma_semaphore, #tpu.memory_space<semaphore_mem>>) src(%dma_wait3A_833 : memref<1000000x32xf32, #tpu.memory_space<hbm>>) dst(%dma_wait3A_827 : memref<128x32xf32, #tpu.memory_space<vmem>>)
    %dma_wait3A_834 = arith.constant 4 : i32
    %dma_wait3A_835 = arith.constant 512 : i32
    %dma_wait3A_836 = arith.constant 0 : i32
    %dma_wait3A_837 = tpu.memref_slice %arg8[%dma_wait3A_835, %dma_wait3A_836] : memref<1280x32xf32, #tpu.memory_space<vmem>> -> memref<128x32xf32, #tpu.memory_space<vmem>>
    %dma_wait3A_838 = arith.constant 0 : i32
    %dma_wait3A_839 = tpu.memref_slice %arg6[%dma_wait3A_834, %dma_wait3A_838] : memref<10x128xi32, #tpu.memory_space<vmem>> -> memref<1x128xi32, #tpu.memory_space<vmem>>
    %dma_wait3A_840 = tpu.memref_squeeze %dma_wait3A_839 : memref<1x128xi32, #tpu.memory_space<vmem>> -> memref<128xi32, #tpu.memory_space<vmem>>
    %dma_wait3A_841 = arith.constant 0 : i32
    %dma_wait3A_842 = arith.constant 0 : i32
    %dma_wait3A_843 = tpu.memref_slice %arg2[%dma_wait3A_841, %dma_wait3A_842] : memref<1000000x32xf32, #tpu.memory_space<hbm>> -> memref<1000000x32xf32, #tpu.memory_space<hbm>>
    tpu.wait_indirect_dma semaphore(%arg12 : memref<!tpu.dma_semaphore, #tpu.memory_space<semaphore_mem>>) src(%dma_wait3A_843 : memref<1000000x32xf32, #tpu.memory_space<hbm>>) dst(%dma_wait3A_837 : memref<128x32xf32, #tpu.memory_space<vmem>>)
    %dma_wait3A_844 = arith.constant 5 : i32
    %dma_wait3A_845 = arith.constant 640 : i32
    %dma_wait3A_846 = arith.constant 0 : i32
    %dma_wait3A_847 = tpu.memref_slice %arg8[%dma_wait3A_845, %dma_wait3A_846] : memref<1280x32xf32, #tpu.memory_space<vmem>> -> memref<128x32xf32, #tpu.memory_space<vmem>>
    %dma_wait3A_848 = arith.constant 0 : i32
    %dma_wait3A_849 = tpu.memref_slice %arg6[%dma_wait3A_844, %dma_wait3A_848] : memref<10x128xi32, #tpu.memory_space<vmem>> -> memref<1x128xi32, #tpu.memory_space<vmem>>
    %dma_wait3A_850 = tpu.memref_squeeze %dma_wait3A_849 : memref<1x128xi32, #tpu.memory_space<vmem>> -> memref<128xi32, #tpu.memory_space<vmem>>
    %dma_wait3A_851 = arith.constant 0 : i32
    %dma_wait3A_852 = arith.constant 0 : i32
    %dma_wait3A_853 = tpu.memref_slice %arg2[%dma_wait3A_851, %dma_wait3A_852] : memref<1000000x32xf32, #tpu.memory_space<hbm>> -> memref<1000000x32xf32, #tpu.memory_space<hbm>>
    tpu.wait_indirect_dma semaphore(%arg12 : memref<!tpu.dma_semaphore, #tpu.memory_space<semaphore_mem>>) src(%dma_wait3A_853 : memref<1000000x32xf32, #tpu.memory_space<hbm>>) dst(%dma_wait3A_847 : memref<128x32xf32, #tpu.memory_space<vmem>>)
    %dma_wait3A_854 = arith.constant 6 : i32
    %dma_wait3A_855 = arith.constant 768 : i32
    %dma_wait3A_856 = arith.constant 0 : i32
    %dma_wait3A_857 = tpu.memref_slice %arg8[%dma_wait3A_855, %dma_wait3A_856] : memref<1280x32xf32, #tpu.memory_space<vmem>> -> memref<128x32xf32, #tpu.memory_space<vmem>>
    %dma_wait3A_858 = arith.constant 0 : i32
    %dma_wait3A_859 = tpu.memref_slice %arg6[%dma_wait3A_854, %dma_wait3A_858] : memref<10x128xi32, #tpu.memory_space<vmem>> -> memref<1x128xi32, #tpu.memory_space<vmem>>
    %dma_wait3A_860 = tpu.memref_squeeze %dma_wait3A_859 : memref<1x128xi32, #tpu.memory_space<vmem>> -> memref<128xi32, #tpu.memory_space<vmem>>
    %dma_wait3A_861 = arith.constant 0 : i32
    %dma_wait3A_862 = arith.constant 0 : i32
    %dma_wait3A_863 = tpu.memref_slice %arg2[%dma_wait3A_861, %dma_wait3A_862] : memref<1000000x32xf32, #tpu.memory_space<hbm>> -> memref<1000000x32xf32, #tpu.memory_space<hbm>>
    tpu.wait_indirect_dma semaphore(%arg12 : memref<!tpu.dma_semaphore, #tpu.memory_space<semaphore_mem>>) src(%dma_wait3A_863 : memref<1000000x32xf32, #tpu.memory_space<hbm>>) dst(%dma_wait3A_857 : memref<128x32xf32, #tpu.memory_space<vmem>>)
    %dma_wait3A_864 = arith.constant 7 : i32
    %dma_wait3A_865 = arith.constant 896 : i32
    %dma_wait3A_866 = arith.constant 0 : i32
    %dma_wait3A_867 = tpu.memref_slice %arg8[%dma_wait3A_865, %dma_wait3A_866] : memref<1280x32xf32, #tpu.memory_space<vmem>> -> memref<128x32xf32, #tpu.memory_space<vmem>>
    %dma_wait3A_868 = arith.constant 0 : i32
    %dma_wait3A_869 = tpu.memref_slice %arg6[%dma_wait3A_864, %dma_wait3A_868] : memref<10x128xi32, #tpu.memory_space<vmem>> -> memref<1x128xi32, #tpu.memory_space<vmem>>
    %dma_wait3A_870 = tpu.memref_squeeze %dma_wait3A_869 : memref<1x128xi32, #tpu.memory_space<vmem>> -> memref<128xi32, #tpu.memory_space<vmem>>
    %dma_wait3A_871 = arith.constant 0 : i32
    %dma_wait3A_872 = arith.constant 0 : i32
    %dma_wait3A_873 = tpu.memref_slice %arg2[%dma_wait3A_871, %dma_wait3A_872] : memref<1000000x32xf32, #tpu.memory_space<hbm>> -> memref<1000000x32xf32, #tpu.memory_space<hbm>>
    tpu.wait_indirect_dma semaphore(%arg12 : memref<!tpu.dma_semaphore, #tpu.memory_space<semaphore_mem>>) src(%dma_wait3A_873 : memref<1000000x32xf32, #tpu.memory_space<hbm>>) dst(%dma_wait3A_867 : memref<128x32xf32, #tpu.memory_space<vmem>>)
    %dma_wait3A_874 = arith.constant 8 : i32
    %dma_wait3A_875 = arith.constant 1024 : i32
    %dma_wait3A_876 = arith.constant 0 : i32
    %dma_wait3A_877 = tpu.memref_slice %arg8[%dma_wait3A_875, %dma_wait3A_876] : memref<1280x32xf32, #tpu.memory_space<vmem>> -> memref<128x32xf32, #tpu.memory_space<vmem>>
    %dma_wait3A_878 = arith.constant 0 : i32
    %dma_wait3A_879 = tpu.memref_slice %arg6[%dma_wait3A_874, %dma_wait3A_878] : memref<10x128xi32, #tpu.memory_space<vmem>> -> memref<1x128xi32, #tpu.memory_space<vmem>>
    %dma_wait3A_880 = tpu.memref_squeeze %dma_wait3A_879 : memref<1x128xi32, #tpu.memory_space<vmem>> -> memref<128xi32, #tpu.memory_space<vmem>>
    %dma_wait3A_881 = arith.constant 0 : i32
    %dma_wait3A_882 = arith.constant 0 : i32
    %dma_wait3A_883 = tpu.memref_slice %arg2[%dma_wait3A_881, %dma_wait3A_882] : memref<1000000x32xf32, #tpu.memory_space<hbm>> -> memref<1000000x32xf32, #tpu.memory_space<hbm>>
    tpu.wait_indirect_dma semaphore(%arg12 : memref<!tpu.dma_semaphore, #tpu.memory_space<semaphore_mem>>) src(%dma_wait3A_883 : memref<1000000x32xf32, #tpu.memory_space<hbm>>) dst(%dma_wait3A_877 : memref<128x32xf32, #tpu.memory_space<vmem>>)
    %dma_wait3A_884 = arith.constant 9 : i32
    %dma_wait3A_885 = arith.constant 1152 : i32
    %dma_wait3A_886 = arith.constant 0 : i32
    %dma_wait3A_887 = tpu.memref_slice %arg8[%dma_wait3A_885, %dma_wait3A_886] : memref<1280x32xf32, #tpu.memory_space<vmem>> -> memref<128x32xf32, #tpu.memory_space<vmem>>
    %dma_wait3A_888 = arith.constant 0 : i32
    %dma_wait3A_889 = tpu.memref_slice %arg6[%dma_wait3A_884, %dma_wait3A_888] : memref<10x128xi32, #tpu.memory_space<vmem>> -> memref<1x128xi32, #tpu.memory_space<vmem>>
    %dma_wait3A_890 = tpu.memref_squeeze %dma_wait3A_889 : memref<1x128xi32, #tpu.memory_space<vmem>> -> memref<128xi32, #tpu.memory_space<vmem>>
    %dma_wait3A_891 = arith.constant 0 : i32
    %dma_wait3A_892 = arith.constant 0 : i32
    %dma_wait3A_893 = tpu.memref_slice %arg2[%dma_wait3A_891, %dma_wait3A_892] : memref<1000000x32xf32, #tpu.memory_space<hbm>> -> memref<1000000x32xf32, #tpu.memory_space<hbm>>
    tpu.wait_indirect_dma semaphore(%arg12 : memref<!tpu.dma_semaphore, #tpu.memory_space<semaphore_mem>>) src(%dma_wait3A_893 : memref<1000000x32xf32, #tpu.memory_space<hbm>>) dst(%dma_wait3A_887 : memref<128x32xf32, #tpu.memory_space<vmem>>)
    %add3A_894 = arith.constant 790 : i32
    %add3A_895 = arith.addi %mul3A_2, %add3A_894 : i32
    %mul3A_896 = arith.constant 128 : i32
    %mul3A_897 = arith.muli %add3A_895, %mul3A_896 : i32
    %dma_start3A_898 = arith.constant 0 : i32
    %dma_start3A_899 = tpu.memref_slice %arg4[%mul3A_897, %dma_start3A_898] : memref<3276800x32xf32, #tpu.memory_space<hbm>> -> memref<1280x32xf32, #tpu.memory_space<hbm>>
    %dma_start3A_900 = arith.constant 0 : i32
    %dma_start3A_901 = tpu.memref_slice %arg4[%mul3A_897, %dma_start3A_900] : memref<3276800x32xf32, #tpu.memory_space<hbm>> -> memref<1280x32xf32, #tpu.memory_space<hbm>>
    tpu.enqueue_dma source(%arg8 : memref<1280x32xf32, #tpu.memory_space<vmem>>) target(%dma_start3A_901 : memref<1280x32xf32, #tpu.memory_space<hbm>>) target_semaphore(%arg14 : memref<!tpu.dma_semaphore, #tpu.memory_space<semaphore_mem>>)
    %add3A_902 = arith.constant 780 : i32
    %add3A_903 = arith.addi %mul3A_2, %add3A_902 : i32
    %mul3A_904 = arith.constant 128 : i32
    %mul3A_905 = arith.muli %add3A_903, %mul3A_904 : i32
    %dma_wait3A_906 = arith.constant 0 : i32
    %dma_wait3A_907 = tpu.memref_slice %arg4[%mul3A_905, %dma_wait3A_906] : memref<3276800x32xf32, #tpu.memory_space<hbm>> -> memref<1280x32xf32, #tpu.memory_space<hbm>>
    %dma_wait3A_908 = arith.constant 0 : i32
    %dma_wait3A_909 = tpu.memref_slice %arg4[%mul3A_905, %dma_wait3A_908] : memref<3276800x32xf32, #tpu.memory_space<hbm>> -> memref<1280x32xf32, #tpu.memory_space<hbm>>
    tpu.wait_dma2 semaphore(%arg13 : memref<!tpu.dma_semaphore, #tpu.memory_space<semaphore_mem>>) src(%arg7 : memref<1280x32xf32, #tpu.memory_space<vmem>>) dst(%dma_wait3A_909 : memref<1280x32xf32, #tpu.memory_space<hbm>>)
    %add3A_910 = arith.constant 790 : i32
    %add3A_911 = arith.addi %mul3A_2, %add3A_910 : i32
    %mul3A_912 = arith.constant 128 : i32
    %mul3A_913 = arith.muli %add3A_911, %mul3A_912 : i32
    %dma_wait3A_914 = arith.constant 0 : i32
    %dma_wait3A_915 = tpu.memref_slice %arg4[%mul3A_913, %dma_wait3A_914] : memref<3276800x32xf32, #tpu.memory_space<hbm>> -> memref<1280x32xf32, #tpu.memory_space<hbm>>
    %dma_wait3A_916 = arith.constant 0 : i32
    %dma_wait3A_917 = tpu.memref_slice %arg4[%mul3A_913, %dma_wait3A_916] : memref<3276800x32xf32, #tpu.memory_space<hbm>> -> memref<1280x32xf32, #tpu.memory_space<hbm>>
    tpu.wait_dma2 semaphore(%arg14 : memref<!tpu.dma_semaphore, #tpu.memory_space<semaphore_mem>>) src(%arg8 : memref<1280x32xf32, #tpu.memory_space<vmem>>) dst(%dma_wait3A_917 : memref<1280x32xf32, #tpu.memory_space<hbm>>)
    return
  }
}

</mosaic_0001>

<sc_bundles>
// kernel: kernel.3.cloned.1.call-start
scs
__scs_entry_jumppad:
0x0: {  	(pc) =	sbr.rel $0x88, $3  }
0x1: {  	(tag) =	ssettag $0x0;
	lr =	simm.s32 $0x1  }
0x2: {  	[smem:$0x3F9F] =	sst lr;
	_ =	strace $0xD0000000  }
0x3: {  	_ = 	snop  }
0x4: {  	_ = 	snop  }
0x5: {  	_ = 	snop  }
0x6: {  	_ = 	snop  }
0x7: {  	_ = 	snop  }
__scs_overlays_trampoline_lowered:
0x8: {  	[smem:$0x3FAE] =	sst s0  }
0x9: {  	[smem:$0x3FAF] =	sst s1  }
0xa: {  	[smem:$0x3FB0] =	sst s2  }
0xb: {  	[smem:$0x3FB1] =	sst s3  }
0xc: {  	[smem:$0x3FB2] =	sst s4  }
0xd: {  	[smem:$0x3FB3] =	sst s5  }
0xe: {  	[smem:$0x3FB4] =	sst s6  }
0xf: {  	[smem:$0x3FB5] =	sst s7  }
0x10: {  	[smem:$0x3FB6] =	sst s8  }
0x11: {  	[smem:$0x3FB7] =	sst s9;
	s0 =	simm.s32 @!p0 $0x0  }
0x12: {  	s1 =	sld [smem:$0x3F9D];
	s0 =	simm.s32 @p0 $0x1  }
0x13: {  	[smem:$0x3FB8] =	sst s0;
	s0 =	simm.s32 @!p1 $0x0  }
0x14: {  	s2 =	sld [smem:$0x3F9C];
	s0 =	simm.s32 @p1 $0x1  }
0x15: {  	[smem:$0x3FB9] =	sst s0;
	s0 =	simm.s32 @!p2 $0x0  }
0x16: {  	s3 =	sld [smem:$0x3FDB];
	s0 =	simm.s32 @p2 $0x1  }
0x17: {  	s4 =	simm.s32 $0x1BF5;
	[smem:$0x3FBB] =	sst s0  }
0x18: {  	s0 =	sld [smem:$0x3F9E];
	_ =	swait.ge [sflag:s4], $0x0  }
0x19: {  	s7 =	sld [smem:$0x3F9F]  }
0x1a: {  	s8 =	sadd.s32 $0xFFFFE003, lr  }
0x1b: {  	s9 =	sadd.s32 $0xFFFFFEF7, lr;
	s5 =	simm.s32 $0xFFFFFFFF;
	p2 =	slt.u32 s8, $0xFFFFF086  }
0x1c: {  	p1 =	slt.u32 s9, $0xF7A;
	s5 =	simm.s32 @!p2 $0x0  }
0x1d: {  	s5 =	simm.s32 @p1 $0x1;
	p0 =	seq.s32 s7, s2  }
0x1e: {  	s7 =	smul.u32 @!p0 $0xF7A, s2;
	p2 =	seq.s32 @!p0 s5, $0x0  }
0x1f: {  	s9 =	smul.u32 $0xF7A, s1;
	s8 =	simm.s32 @!p0 $0x1BF5;
	p2 =	por !p2, p0  }
0x20: {  	[sflag:s8] =	ssyncset.s32 @!p0 $0xFFFFF086;
	s6 =	sadd.s32 @!p0 s3, s7;
	s7 =	simm.s32 @!p0 $0x108  }
0x21: {  	s3 =	sadd.s32 s3, s9;
	s6 =	sadd.s32 @!p0 $0x88, s6;
	s7 =	simm.s32 @p2 $0x1082  }
0x22: {  	[simem:s7], [sflag:s8] =	dma.local @!p0 [hbm:s6], $0xF7A  }
0x23: {  	s9 =	sor.u32 $0xD0000000, s2;
	s6 =	simm.s32 $0x108;
	_ =	swait.ge @!p0 [sflag:s8], $0x0  }
0x24: {  	s3 =	sadd.s32 $0x88, s3;
	s6 =	simm.s32 @!p1 $0x1082;
	[sflag:s4] =	ssyncset.s32 $0xFFFFF086  }
0x25: {  	[simem:s6], [sflag:s4] =	dma.local [hbm:s3], $0xF7A  }
0x26: {  	[smem:$0x3F9F] =	sst s1;
	(tag) =	ssettag s2;
	_ =	strace s9  }
0x27: {  	s1 =	sld [smem:$0x3FAF]  }
0x28: {  	s2 =	sld [smem:$0x3FB0]  }
0x29: {  	s4 =	sld [smem:$0x3FB2]  }
0x2a: {  	p0 =	seq.s32 s5, $0x0;
	s5 =	sld [smem:$0x3FB3]  }
0x2b: {  	s6 =	sld [smem:$0x3FB4]  }
0x2c: {  	s7 =	sld [smem:$0x3FB5]  }
0x2d: {  	s3 =	simm.s32 $0x108;
	s8 =	sld [smem:$0x3FB6]  }
0x2e: {  	s3 =	simm.s32 @!p0 $0x1082;
	s9 =	sld [smem:$0x3FB7]  }
0x2f: {  	lr =	sadd.s32 s0, s3;
	s0 =	sld [smem:$0x3FAE]  }
0x30: {  	s3 =	sld [smem:$0x3FB1]  }
0x31: {  	[smem:$0x3FBA] =	sst s10  }
0x32: {  	s10 =	sld [smem:$0x3FB8];
	_ =	sdelay $0x3  }
0x33: {  	p0 =	seq.s32 s10, $0x1;
	s10 =	sld [smem:$0x3FBA];
	_ =	sdelay $0x3  }
0x34: {  	[smem:$0x3FBA] =	sst s10  }
0x35: {  	s10 =	sld [smem:$0x3FB9];
	_ =	sdelay $0x3  }
0x36: {  	p1 =	seq.s32 s10, $0x1;
	s10 =	sld [smem:$0x3FBA];
	_ =	sdelay $0x3  }
0x37: {  	[smem:$0x3FBA] =	sst s10  }
0x38: {  	s10 =	sld [smem:$0x3FBB]  }
0x39: {  	_ = 	snop;
	(pc) =	sbr.ind lr, $3  }
0x3a: {  	_ = 	snop  }
0x3b: {  	_ = 	snop  }
0x3c: {  	p2 =	seq.s32 s10, $0x1;
	s10 =	sld [smem:$0x3FBA]  }
0x3d: {  	_ =	shalt  }
0x3e: {  	_ =	shalt  }
0x3f: {  	_ =	shalt  }
0x40: {  	_ =	shalt  }
0x41: {  	_ =	shalt  }
0x42: {  	_ =	shalt  }
0x43: {  	_ =	shalt  }
0x44: {  	_ =	shalt  }
0x45: {  	_ =	shalt  }
0x46: {  	_ =	shalt  }
0x47: {  	_ =	shalt  }
0x48: {  	_ =	shalt  }
0x49: {  	_ =	shalt  }
0x4a: {  	_ =	shalt  }
0x4b: {  	_ =	shalt  }
0x4c: {  	_ =	shalt  }
0x4d: {  	_ =	shalt  }
0x4e: {  	_ =	shalt  }
0x4f: {  	_ =	shalt  }
0x50: {  	_ =	shalt  }
0x51: {  	_ =	shalt  }
0x52: {  	_ =	shalt  }
0x53: {  	_ =	shalt  }
0x54: {  	_ =	shalt  }
0x55: {  	_ =	shalt  }
0x56: {  	_ =	shalt  }
0x57: {  	_ =	shalt  }
0x58: {  	_ =	shalt  }
0x59: {  	_ =	shalt  }
0x5a: {  	_ =	shalt  }
0x5b: {  	_ =	shalt  }
0x5c: {  	_ =	shalt  }
0x5d: {  	_ =	shalt  }
0x5e: {  	_ =	shalt  }
0x5f: {  	_ =	shalt  }
0x60: {  	_ =	shalt  }
0x61: {  	_ =	shalt  }
0x62: {  	_ =	shalt  }
0x63: {  	_ =	shalt  }
0x64: {  	_ =	shalt  }
0x65: {  	_ =	shalt  }
0x66: {  	_ =	shalt  }
0x67: {  	_ =	shalt  }
0x68: {  	_ =	shalt  }
0x69: {  	_ =	shalt  }
0x6a: {  	_ =	shalt  }
0x6b: {  	_ =	shalt  }
0x6c: {  	_ =	shalt  }
0x6d: {  	_ =	shalt  }
0x6e: {  	_ =	shalt  }
0x6f: {  	_ =	shalt  }
0x70: {  	_ =	shalt  }
0x71: {  	_ =	shalt  }
0x72: {  	_ =	shalt  }
0x73: {  	_ =	shalt  }
0x74: {  	_ =	shalt  }
0x75: {  	_ =	shalt  }
0x76: {  	_ =	shalt  }
0x77: {  	_ =	shalt  }
0x78: {  	_ =	shalt  }
0x79: {  	_ =	shalt  }
0x7a: {  	_ =	shalt  }
0x7b: {  	_ =	shalt  }
0x7c: {  	_ =	shalt  }
0x7d: {  	_ =	shalt  }
0x7e: {  	_ =	shalt  }
0x7f: {  	_ =	shalt  }
0x80: {  	_ =	shalt  }
0x81: {  	_ =	shalt  }
0x82: {  	_ =	shalt  }
0x83: {  	_ =	shalt  }
0x84: {  	_ =	shalt  }
0x85: {  	_ =	shalt  }
0x86: {  	_ =	shalt  }
0x87: {  	_ =	shalt  }
.Lfunc_end0:
.L_simem_size_0:
called_computation.1_lowered:
.L_overlay_start_0:
0x88: {  	s2 =	sld [smem:$0x3FD9]  }
0x89: {  	s3 =	sld [smem:$0x3FFE];
	_ =	sdelay $0x1  }
0x8a: {  	s1 =	srdreg.scid  }
0x8b: {  	s0 =	sand.u32 $0x1, s1  }
0x8c: {  	s17 =	sshll.u32 s0, $0xA;
	s2 =	sadd.s32 s3, s2  }
0x8d: {  	s2 =	sadd.s32 s2, s17  }
0x8e: {  	[smem:$0x3FC6] =	sst s2  }
0x8f: {  	_ = 	snop  }
0x90: {  	s2 =	sld [smem:$0x3FD0];
	(tm) =	ssettm $0x1  }
0x91: {  	s18 =	sld [smem:$0x3FFB];
	_ =	sdelay $0x3  }
0x92: {  	_ =	strace s18  }
0x93: {  	s3 =	sld [smem:$0x3FFC];
	_ =	sdelay $0x3  }
0x94: {  	_ =	strace s3  }
0x95: {  	s3 =	sld [smem:$0x3FFD];
	_ =	sdelay $0x3  }
0x96: {  	_ =	strace s3  }
0x97: {  	_ =	strace $0x8FFFFFFF  }
0x98: {  	s19 =	sld [smem:$0x3FDB];
	_ =	sdelay $0x1  }
0x99: {  	s4 =	simm.s32 $_scs_section_size  }
0x9a: {  	s5 =	simm.s32 $_size__tile_overlayer_lowered;
	s6 =	simm.s32 $_tile_overlayer_lowered  }
0x9b: {  	s22 =	simm.s32 $0x1BFF;
	s21 =	sshll.u32 s6, $0x1;
	s3 =	sadd.s32 s4, s19  }
0x9c: {  	s7 =	simm.s32 $0x0;
	s20 =	sshll.u32 s5, $0x1;
	s5 =	sadd.s32 s21, s3  }
0x9d: {  	[timem:s7], [sflag:s22] =	dma.local [hbm:s5], s20  }
0x9e: {  	_ =	swait.ge [sflag:s22], s20  }
0x9f: {  	s4 =	ssub.s32 $0x0, s20;
	[sflag:s22] =	ssyncset.done $0x0  }
0xa0: {  	[sflag:s22] =	ssyncadd.s32 s4;
	_ =	sdelay $0x1  }
0xa1: {  	s23 =	simm.s32 $0x1B8B  }
0xa2: {  	_ =	swait.ge [sflag:s23], $0x1  }
0xa3: {  	[sflag:s23] =	ssyncset.done $0x0  }
0xa4: {  	s25 =	simm.s32 $0x1B8E;
	s24 =	sld [smem:$0x3FFE];
	[sflag:s23] =	ssyncadd.s32 $0xFFFFFFFF  }
0xa5: {  	s26 =	simm.s32 $execute0_lowered;
	[smem:$0x3FD2] =	sst s25  }
0xa6: {  	s5 =	sshll.u32 s26, $0x1;
	_ =	strace $0x80000046;
	[dreg:$0x1] =	wrdreg $0xFFFFFFFF  }
0xa7: {  	s28 =	simm.s32 $_size_execute0_lowered;
	s3 =	sadd.s32 s3, s5;
	[dreg:$0x0] =	wrdreg $0x0  }
0xa8: {  	s5 =	sshll.u32 s28, $0x1;
	[dreg:$0x2] =	wrdreg s3  }
0xa9: {  	[dreg:$0x3] =	wrdreg s5  }
0xaa: {  	[dreg:$0x4] =	wrdreg $0xC0  }
0xab: {  	_ =	task [dreg:s7], $0x5FFFF  }
0xac: {  	[dreg:$0x1] =	wrdreg $0xFFFFFFFF  }
0xad: {  	[dreg:$0x0] =	wrdreg $0x60  }
0xae: {  	[dreg:$0x2] =	wrdreg s24  }
0xaf: {  	[dreg:$0x3] =	wrdreg s2  }
0xb0: {  	[dreg:$0x4] =	wrdreg $0x9  }
0xb1: {  	_ =	task.clear_ibuf [dreg:s7], $0x5FFFF;
	_ =	strace $0x90000046  }
0xb2: {  	s29 =	simm.s32 $0x9;
	_ =	strace $0x80000048  }
0xb3: {  	_ =	swait.ge [sflag:s29], $0x1  }
0xb4: {  	[sflag:s29] =	ssyncadd.s32 $0xFFFFFFFF  }
0xb5: {  	_ =	strace $0x90000048  }
0xb6: {  	_ =	sfence  }
0xb7: {  	s30 =	sld [smem:$0x0];
	_ =	sdelay $0x2  }
0xb8: {  	s31 =	sshll.u32 s1, $0xD;
	s1 =	sshrl.u32 s1, $0x2  }
0xb9: {  	s3 =	sand.u32 $0x4000, s31;
	s1 =	sadd.s32 s1, s30  }
0xba: {  	s0 =	sor.u32 s3, s0;
	s1 =	sshll.u32 s1, $0x11  }
0xbb: {  	s0 =	sor.u32 s1, s0  }
0xbc: {  	s0 =	sadd.s32 $0x8F2B, s0  }
0xbd: {  	[sflag:s0] =	ssyncadd.remote.s32 $0x1  }
0xbe: {  	_ =	sfence.sel $0xFFFF  }
0xbf: {  	[dreg:$0x0] =	wrdreg $0xFFFFFFFF;
	(pc) =	sbr.abs _section_cstart, $3  }
0xc0: {  	[dreg:$0x1] =	wrdreg $0xFFFFFFFF  }
0xc1: {  	_ =	task.clear_ibuf [dreg:s7], $0x2FFFF;
	_ =	strace $0x9FFFFFFF  }
0xc2: {  	(tm) =	ssettm $0x7FFFFFFF  }
0xc3: {  	_ =	shalt  }
tec
execute0_lowered:
.L_overlay_start_1:
0x0: {  	(tag) =	ssettag $0x1  }
0x1: {  	s0 =	rddreg [dreg:$0x0]  }
0x2: {  	s1 =	rddreg [dreg:$0x1]  }
0x3: {  	s3 =	srdreg.scid;
	s11 =	stileid.u32  }
0x4: {  	s2 =	simm.s32 $0x0;
	s12 =	simm.s32 $0x100;
	s13 =	simm.s32 $0x2A00  }
0x5: {  	s14 =	simm.s32 $0x180;
	s28 =	simm.s32 $0x400;
	s30 =	simm.s32 $0x9A00  }
0x6: {  	s4 =	sand.u32 $0x1, s3;
	s15 =	sshll.u32 s11, $0x1;
	s16 =	smul.u32 $0x640, s11  }
0x7: {  	s5 =	sor.u32 s4, s15;
	s7 =	ssub.s32 $0x2, s4;
	s4 =	smul.u32 $0x320, s4  }
0x8: {  	s31 =	simm.s32 $0x3;
	[smem:$0x7FF] =	sst s2;
	s6 =	smul.u32 $0x3200, s5  }
0x9: {  	s3 =	sadd.s32 $0xFA6C00, s0;
	s0 =	sadd.s32 $0x800, s0;
	s8 =	smul.u32 $0x19000, s5  }
0xa: {  	_ =	strace $0x80000047;
	s9 =	sshrl.u32 s7, $0x1;
	s10 =	smul.u32 $0x64000, s5  }
0xb: {  	s15 =	simm.s32 $0x1;
	s5 =	smul.u32 $0x320000, s5;
	s7 =	ssub.s32 s7, s9  }
0xc: {  	s4 =	sadd.s32 s4, s16;
	s16 =	simm.s32 $0x80;
	s9 =	simm.s32 $0x480  }
0xd: {  	s8 =	sor.u32 $0x500, s8;
	s17 =	sadd.s32 s0, s6;
	s19 =	sadd.s32 s1, s10  }
0xe: {  	s5 =	sshrl.u32 s5, $0x3;
	s22 =	sshll.u32 s4, $0x4;
	s4 =	sshll.u32 s4, $0x9  }
0xf: {  	s26 =	smax.u32 s7, $0x1;
	s10 =	simm.s32 $0x1A00;
	s18 =	sshrl.u32 s8, $0x3  }
0x10: {  	[dreg:$0x7] =	wrdreg s19;
	s20 =	sadd.s32 $0x140, s17;
	s21 =	sshll.u32 s8, $0x2  }
0x11: {  	[dreg:$0x5] =	wrdreg s17;
	s23 =	sadd.s32 $0x1E0, s17;
	s5 =	sadd.s32 s1, s5  }
0x12: {  	[dreg:$0xd] =	wrdreg s26;
	s29 =	sadd.s32 s4, s1;
	s19 =	simm.s32 $0x200  }
0x13: {  	s26 =	simm.s32 $0x7A00;
	s17 =	simm.s32 $0x8A00;
	[dreg:$0x8] =	wrdreg s20  }
0x14: {  	s8 =	simm.s32 $0x2;
	s6 =	sadd.s32 s0, s18;
	[dreg:$0xa] =	wrdreg s23  }
0x15: {  	s0 =	sadd.s32 s0, s22;
	s24 =	sadd.s32 $0x61800, s5;
	[dreg:$0x6] =	wrdreg s6  }
0x16: {  	s5 =	sadd.s32 $0x62C00, s5;
	s18 =	simm.s32 $0x3A00;
	[dreg:$0xb] =	wrdreg s24  }
0x17: {  	s20 =	simm.s32 $0x4A00;
	s6 =	sadd.s32 s1, s21;
	[dreg:$0xc] =	wrdreg s5  }
0x18: {  	s22 =	simm.s32 $0x5A00;
	s25 =	sadd.s32 $0x320, s0;
	[dreg:$0x9] =	wrdreg s6  }
0x19: {  	s23 =	simm.s32 $0x300;
	s0 =	sadd.s32 $0x280, s0;
	[dreg:$0x3] =	wrdreg s25  }
0x1a: {  	s1 =	sadd.s32 $0x3C00, s29;
	s21 =	simm.s32 $0x280;
	[dreg:$0x4] =	wrdreg s0  }
0x1b: {  	s24 =	simm.s32 $0x6A00;
	s5 =	simm.s32 $0x6;
	[dreg:$0xe] =	wrdreg s1  }
0x1c: {  	s0 =	sadd.s32 $0x2800, s29;
	s25 =	simm.s32 $0x380;
	s1 =	simm.s32 $0x4  }
0x1d: {  	s6 =	simm.s32 $0x0;
	[dreg:$0xf] =	wrdreg s0;
	s0 =	simm.s32 $0x5  }
.LBB2_1:
0x1e: {  	[dreg:$0x10] =	wrdreg s6  }
0x1f: {  	s4 =	rddreg [dreg:$0x5]  }
0x20: {  	[tilespmem:s2], [sflag:$0x1] =	stream.linear.gather [hbm4b:s4+s2], $0x500, $0x38;
	[tilespmem:$0x14A00] =	vst v63  }
0x21: {  	_ =	swait.ge [sflag:s15], $0x500  }
0x22: {  	[sflag:s15] =	ssyncset.done $0x0  }
0x23: {  	s29 =	simm.s32 $0xA00;
	[sflag:s15] =	ssyncadd.s32 $0xFFFFFB00  }
0x24: {  	[tilespmem:s29], [sflag:$0x3] =	stream.indirect.gather [hbm4b:s3+s16], $0x20, s2, s16, $0xb8;
	[tilespmem:$0x14A00] =	vst v63  }
0x25: {  	_ = 	snop  }
0x26: {  	[tilespmem:s10], [sflag:$0x3] =	stream.indirect.gather [hbm4b:s3+s16], $0x20, s16, s16, $0xb8;
	[tilespmem:$0x14A00] =	vst v63  }
0x27: {  	_ = 	snop  }
0x28: {  	[tilespmem:s13], [sflag:$0x3] =	stream.indirect.gather [hbm4b:s3+s16], $0x20, s12, s16, $0xb8;
	[tilespmem:$0x14A00] =	vst v63  }
0x29: {  	_ = 	snop  }
0x2a: {  	[tilespmem:s18], [sflag:$0x3] =	stream.indirect.gather [hbm4b:s3+s16], $0x20, s14, s16, $0xb8;
	[tilespmem:$0x14A00] =	vst v63  }
0x2b: {  	_ = 	snop  }
0x2c: {  	[tilespmem:s20], [sflag:$0x3] =	stream.indirect.gather [hbm4b:s3+s16], $0x20, s19, s16, $0xb8;
	[tilespmem:$0x14A00] =	vst v63  }
0x2d: {  	_ = 	snop  }
0x2e: {  	[tilespmem:s22], [sflag:$0x3] =	stream.indirect.gather [hbm4b:s3+s16], $0x20, s21, s16, $0xb8;
	[tilespmem:$0x14A00] =	vst v63  }
0x2f: {  	_ = 	snop  }
0x30: {  	[tilespmem:s24], [sflag:$0x3] =	stream.indirect.gather [hbm4b:s3+s16], $0x20, s23, s16, $0xb8;
	[tilespmem:$0x14A00] =	vst v63  }
0x31: {  	_ = 	snop  }
0x32: {  	[tilespmem:s26], [sflag:$0x3] =	stream.indirect.gather [hbm4b:s3+s16], $0x20, s25, s16, $0xb8;
	[tilespmem:$0x14A00] =	vst v63  }
0x33: {  	_ = 	snop  }
0x34: {  	[tilespmem:s17], [sflag:$0x3] =	stream.indirect.gather [hbm4b:s3+s16], $0x20, s28, s16, $0xb8;
	[tilespmem:$0x14A00] =	vst v63  }
0x35: {  	_ = 	snop  }
0x36: {  	[tilespmem:s30], [sflag:$0x3] =	stream.indirect.gather [hbm4b:s3+s16], $0x20, s9, s16, $0xb8;
	[tilespmem:$0x14A00] =	vst v63  }
0x37: {  	s7 =	simm.s32 $0x500;
	s6 =	rddreg [dreg:$0x6]  }
0x38: {  	[tilespmem:s7], [sflag:$0x2] =	stream.linear.gather [hbm4b:s6+s2], $0x500, $0x38;
	[tilespmem:$0x14A00] =	vst v63  }
0x39: {  	_ =	swait.ge [sflag:s8], $0x500  }
0x3a: {  	[sflag:s8] =	ssyncset.done $0x0  }
0x3b: {  	s11 =	simm.s32 $0xAA00;
	[sflag:s8] =	ssyncadd.s32 $0xFFFFFB00  }
0x3c: {  	[tilespmem:s11], [sflag:$0x4] =	stream.indirect.gather [hbm4b:s3+s16], $0x20, s7, s16, $0xb8;
	[tilespmem:$0x14A00] =	vst v63  }
0x3d: {  	s4 =	simm.s32 $0x580;
	s11 =	simm.s32 $0xBA00  }
0x3e: {  	[tilespmem:s11], [sflag:$0x4] =	stream.indirect.gather [hbm4b:s3+s16], $0x20, s4, s16, $0xb8;
	[tilespmem:$0x14A00] =	vst v63  }
0x3f: {  	s6 =	simm.s32 $0x600;
	s11 =	simm.s32 $0xCA00  }
0x40: {  	[tilespmem:s11], [sflag:$0x4] =	stream.indirect.gather [hbm4b:s3+s16], $0x20, s6, s16, $0xb8;
	[tilespmem:$0x14A00] =	vst v63  }
0x41: {  	s4 =	simm.s32 $0x680;
	s6 =	simm.s32 $0xDA00  }
0x42: {  	[tilespmem:s6], [sflag:$0x4] =	stream.indirect.gather [hbm4b:s3+s16], $0x20, s4, s16, $0xb8;
	[tilespmem:$0x14A00] =	vst v63  }
0x43: {  	s4 =	simm.s32 $0x700;
	s6 =	simm.s32 $0xEA00  }
0x44: {  	[tilespmem:s6], [sflag:$0x4] =	stream.indirect.gather [hbm4b:s3+s16], $0x20, s4, s16, $0xb8;
	[tilespmem:$0x14A00] =	vst v63  }
0x45: {  	s4 =	simm.s32 $0x780;
	s6 =	simm.s32 $0xFA00  }
0x46: {  	[tilespmem:s6], [sflag:$0x4] =	stream.indirect.gather [hbm4b:s3+s16], $0x20, s4, s16, $0xb8;
	[tilespmem:$0x14A00] =	vst v63  }
0x47: {  	s4 =	simm.s32 $0x800;
	s6 =	simm.s32 $0x10A00  }
0x48: {  	[tilespmem:s6], [sflag:$0x4] =	stream.indirect.gather [hbm4b:s3+s16], $0x20, s4, s16, $0xb8;
	[tilespmem:$0x14A00] =	vst v63  }
0x49: {  	s4 =	simm.s32 $0x880;
	s6 =	simm.s32 $0x11A00  }
0x4a: {  	[tilespmem:s6], [sflag:$0x4] =	stream.indirect.gather [hbm4b:s3+s16], $0x20, s4, s16, $0xb8;
	[tilespmem:$0x14A00] =	vst v63  }
0x4b: {  	s4 =	simm.s32 $0x900;
	s6 =	simm.s32 $0x12A00  }
0x4c: {  	[tilespmem:s6], [sflag:$0x4] =	stream.indirect.gather [hbm4b:s3+s16], $0x20, s4, s16, $0xb8;
	[tilespmem:$0x14A00] =	vst v63  }
0x4d: {  	s4 =	simm.s32 $0x980;
	s6 =	simm.s32 $0x13A00  }
0x4e: {  	[tilespmem:s6], [sflag:$0x4] =	stream.indirect.gather [hbm4b:s3+s16], $0x20, s4, s16, $0xb8;
	[tilespmem:$0x14A00] =	vst v63  }
0x4f: {  	_ =	swait.ge [sflag:s31], $0x1000  }
0x50: {  	[sflag:s31] =	ssyncset.done $0x0  }
0x51: {  	[sflag:s31] =	ssyncadd.s32 $0xFFFFF000  }
0x52: {  	_ =	swait.ge [sflag:s31], $0x1000  }
0x53: {  	[sflag:s31] =	ssyncset.done $0x0  }
0x54: {  	[sflag:s31] =	ssyncadd.s32 $0xFFFFF000  }
0x55: {  	_ =	swait.ge [sflag:s31], $0x1000  }
0x56: {  	[sflag:s31] =	ssyncset.done $0x0  }
0x57: {  	[sflag:s31] =	ssyncadd.s32 $0xFFFFF000  }
0x58: {  	_ =	swait.ge [sflag:s31], $0x1000  }
0x59: {  	[sflag:s31] =	ssyncset.done $0x0  }
0x5a: {  	[sflag:s31] =	ssyncadd.s32 $0xFFFFF000  }
0x5b: {  	_ =	swait.ge [sflag:s31], $0x1000  }
0x5c: {  	[sflag:s31] =	ssyncset.done $0x0  }
0x5d: {  	[sflag:s31] =	ssyncadd.s32 $0xFFFFF000  }
0x5e: {  	_ =	swait.ge [sflag:s31], $0x1000  }
0x5f: {  	[sflag:s31] =	ssyncset.done $0x0  }
0x60: {  	[sflag:s31] =	ssyncadd.s32 $0xFFFFF000  }
0x61: {  	_ =	swait.ge [sflag:s31], $0x1000  }
0x62: {  	[sflag:s31] =	ssyncset.done $0x0  }
0x63: {  	[sflag:s31] =	ssyncadd.s32 $0xFFFFF000  }
0x64: {  	_ =	swait.ge [sflag:s31], $0x1000  }
0x65: {  	[sflag:s31] =	ssyncset.done $0x0  }
0x66: {  	[sflag:s31] =	ssyncadd.s32 $0xFFFFF000  }
0x67: {  	_ =	swait.ge [sflag:s31], $0x1000  }
0x68: {  	[sflag:s31] =	ssyncset.done $0x0  }
0x69: {  	[sflag:s31] =	ssyncadd.s32 $0xFFFFF000  }
0x6a: {  	_ =	swait.ge [sflag:s31], $0x1000  }
0x6b: {  	[sflag:s31] =	ssyncset.done $0x0  }
0x6c: {  	s6 =	rddreg [dreg:$0x7];
	[sflag:s31] =	ssyncadd.s32 $0xFFFFF000  }
0x6d: {  	[hbm4b:s6+s2] =	stream.linear.scatter [tilespmem:s29], [sflag:$0x5], $0xA000, $0x38;
	[tilespmem:$0x14A00] =	vst v63  }
0x6e: {  	s6 =	rddreg [dreg:$0x8]  }
0x6f: {  	[tilespmem:s2], [sflag:$0x1] =	stream.linear.gather [hbm4b:s6+s2], $0x500, $0x38;
	[tilespmem:$0x14A00] =	vst v63  }
0x70: {  	_ =	swait.ge [sflag:s15], $0x500  }
0x71: {  	[sflag:s15] =	ssyncset.done $0x0  }
0x72: {  	[sflag:s15] =	ssyncadd.s32 $0xFFFFFB00  }
0x73: {  	_ =	swait.ge [sflag:s0], $0xA000  }
0x74: {  	[sflag:s0] =	ssyncset.done $0x0  }
0x75: {  	[sflag:s0] =	ssyncadd.s32 $0xFFFF6000  }
0x76: {  	[tilespmem:s29], [sflag:$0x3] =	stream.indirect.gather [hbm4b:s3+s16], $0x20, s2, s16, $0xb8;
	[tilespmem:$0x14A00] =	vst v63  }
0x77: {  	_ = 	snop  }
0x78: {  	[tilespmem:s10], [sflag:$0x3] =	stream.indirect.gather [hbm4b:s3+s16], $0x20, s16, s16, $0xb8;
	[tilespmem:$0x14A00] =	vst v63  }
0x79: {  	_ = 	snop  }
0x7a: {  	[tilespmem:s13], [sflag:$0x3] =	stream.indirect.gather [hbm4b:s3+s16], $0x20, s12, s16, $0xb8;
	[tilespmem:$0x14A00] =	vst v63  }
0x7b: {  	_ = 	snop  }
0x7c: {  	[tilespmem:s18], [sflag:$0x3] =	stream.indirect.gather [hbm4b:s3+s16], $0x20, s14, s16, $0xb8;
	[tilespmem:$0x14A00] =	vst v63  }
0x7d: {  	_ = 	snop  }
0x7e: {  	[tilespmem:s20], [sflag:$0x3] =	stream.indirect.gather [hbm4b:s3+s16], $0x20, s19, s16, $0xb8;
	[tilespmem:$0x14A00] =	vst v63  }
0x7f: {  	_ = 	snop  }
0x80: {  	[tilespmem:s22], [sflag:$0x3] =	stream.indirect.gather [hbm4b:s3+s16], $0x20, s21, s16, $0xb8;
	[tilespmem:$0x14A00] =	vst v63  }
0x81: {  	_ = 	snop  }
0x82: {  	[tilespmem:s24], [sflag:$0x3] =	stream.indirect.gather [hbm4b:s3+s16], $0x20, s23, s16, $0xb8;
	[tilespmem:$0x14A00] =	vst v63  }
0x83: {  	_ = 	snop  }
0x84: {  	[tilespmem:s26], [sflag:$0x3] =	stream.indirect.gather [hbm4b:s3+s16], $0x20, s25, s16, $0xb8;
	[tilespmem:$0x14A00] =	vst v63  }
0x85: {  	_ = 	snop  }
0x86: {  	[tilespmem:s17], [sflag:$0x3] =	stream.indirect.gather [hbm4b:s3+s16], $0x20, s28, s16, $0xb8;
	[tilespmem:$0x14A00] =	vst v63  }
0x87: {  	_ = 	snop  }
0x88: {  	[tilespmem:s30], [sflag:$0x3] =	stream.indirect.gather [hbm4b:s3+s16], $0x20, s9, s16, $0xb8;
	[tilespmem:$0x14A00] =	vst v63  }
0x89: {  	_ =	swait.ge [sflag:s1], $0x1000  }
0x8a: {  	[sflag:s1] =	ssyncset.done $0x0  }
0x8b: {  	[sflag:s1] =	ssyncadd.s32 $0xFFFFF000  }
0x8c: {  	_ =	swait.ge [sflag:s1], $0x1000  }
0x8d: {  	[sflag:s1] =	ssyncset.done $0x0  }
0x8e: {  	[sflag:s1] =	ssyncadd.s32 $0xFFFFF000  }
0x8f: {  	_ =	swait.ge [sflag:s1], $0x1000  }
0x90: {  	[sflag:s1] =	ssyncset.done $0x0  }
0x91: {  	[sflag:s1] =	ssyncadd.s32 $0xFFFFF000  }
0x92: {  	_ =	swait.ge [sflag:s1], $0x1000  }
0x93: {  	[sflag:s1] =	ssyncset.done $0x0  }
0x94: {  	[sflag:s1] =	ssyncadd.s32 $0xFFFFF000  }
0x95: {  	_ =	swait.ge [sflag:s1], $0x1000  }
0x96: {  	[sflag:s1] =	ssyncset.done $0x0  }
0x97: {  	[sflag:s1] =	ssyncadd.s32 $0xFFFFF000  }
0x98: {  	_ =	swait.ge [sflag:s1], $0x1000  }
0x99: {  	[sflag:s1] =	ssyncset.done $0x0  }
0x9a: {  	[sflag:s1] =	ssyncadd.s32 $0xFFFFF000  }
0x9b: {  	_ =	swait.ge [sflag:s1], $0x1000  }
0x9c: {  	[sflag:s1] =	ssyncset.done $0x0  }
0x9d: {  	[sflag:s1] =	ssyncadd.s32 $0xFFFFF000  }
0x9e: {  	_ =	swait.ge [sflag:s1], $0x1000  }
0x9f: {  	[sflag:s1] =	ssyncset.done $0x0  }
0xa0: {  	[sflag:s1] =	ssyncadd.s32 $0xFFFFF000  }
0xa1: {  	_ =	swait.ge [sflag:s1], $0x1000  }
0xa2: {  	[sflag:s1] =	ssyncset.done $0x0  }
0xa3: {  	[sflag:s1] =	ssyncadd.s32 $0xFFFFF000  }
0xa4: {  	_ =	swait.ge [sflag:s1], $0x1000  }
0xa5: {  	[sflag:s1] =	ssyncset.done $0x0  }
0xa6: {  	s6 =	simm.s32 $0xAA00;
	s4 =	rddreg [dreg:$0x9];
	[sflag:s1] =	ssyncadd.s32 $0xFFFFF000  }
0xa7: {  	[hbm4b:s4+s2] =	stream.linear.scatter [tilespmem:s6], [sflag:$0x6], $0xA000, $0x38;
	[tilespmem:$0x14A00] =	vst v63  }
0xa8: {  	s4 =	rddreg [dreg:$0xa]  }
0xa9: {  	[tilespmem:s7], [sflag:$0x2] =	stream.linear.gather [hbm4b:s4+s2], $0x500, $0x38;
	[tilespmem:$0x14A00] =	vst v63  }
0xaa: {  	_ =	swait.ge [sflag:s8], $0x500  }
0xab: {  	[sflag:s8] =	ssyncset.done $0x0  }
0xac: {  	[sflag:s8] =	ssyncadd.s32 $0xFFFFFB00  }
0xad: {  	_ =	swait.ge [sflag:s5], $0xA000  }
0xae: {  	[sflag:s5] =	ssyncset.done $0x0  }
0xaf: {  	[sflag:s5] =	ssyncadd.s32 $0xFFFF6000  }
0xb0: {  	[tilespmem:s6], [sflag:$0x4] =	stream.indirect.gather [hbm4b:s3+s16], $0x20, s7, s16, $0xb8;
	[tilespmem:$0x14A00] =	vst v63  }
0xb1: {  	s4 =	simm.s32 $0xBA00;
	s6 =	simm.s32 $0x580  }
0xb2: {  	[tilespmem:s4], [sflag:$0x4] =	stream.indirect.gather [hbm4b:s3+s16], $0x20, s6, s16, $0xb8;
	[tilespmem:$0x14A00] =	vst v63  }
0xb3: {  	s6 =	simm.s32 $0x600  }
0xb4: {  	[tilespmem:s11], [sflag:$0x4] =	stream.indirect.gather [hbm4b:s3+s16], $0x20, s6, s16, $0xb8;
	[tilespmem:$0x14A00] =	vst v63  }
0xb5: {  	s6 =	simm.s32 $0xDA00;
	s11 =	simm.s32 $0x680  }
0xb6: {  	[tilespmem:s6], [sflag:$0x4] =	stream.indirect.gather [hbm4b:s3+s16], $0x20, s11, s16, $0xb8;
	[tilespmem:$0x14A00] =	vst v63  }
0xb7: {  	s6 =	simm.s32 $0x700;
	s11 =	simm.s32 $0xEA00  }
0xb8: {  	[tilespmem:s11], [sflag:$0x4] =	stream.indirect.gather [hbm4b:s3+s16], $0x20, s6, s16, $0xb8;
	[tilespmem:$0x14A00] =	vst v63  }
0xb9: {  	s6 =	simm.s32 $0x780;
	s11 =	simm.s32 $0xFA00  }
0xba: {  	[tilespmem:s11], [sflag:$0x4] =	stream.indirect.gather [hbm4b:s3+s16], $0x20, s6, s16, $0xb8;
	[tilespmem:$0x14A00] =	vst v63  }
0xbb: {  	s6 =	simm.s32 $0x800;
	s11 =	simm.s32 $0x10A00  }
0xbc: {  	[tilespmem:s11], [sflag:$0x4] =	stream.indirect.gather [hbm4b:s3+s16], $0x20, s6, s16, $0xb8;
	[tilespmem:$0x14A00] =	vst v63  }
0xbd: {  	s6 =	simm.s32 $0x880;
	s11 =	simm.s32 $0x11A00  }
0xbe: {  	[tilespmem:s11], [sflag:$0x4] =	stream.indirect.gather [hbm4b:s3+s16], $0x20, s6, s16, $0xb8;
	[tilespmem:$0x14A00] =	vst v63  }
0xbf: {  	s6 =	simm.s32 $0x900;
	s11 =	simm.s32 $0x12A00  }
0xc0: {  	[tilespmem:s11], [sflag:$0x4] =	stream.indirect.gather [hbm4b:s3+s16], $0x20, s6, s16, $0xb8;
	[tilespmem:$0x14A00] =	vst v63  }
0xc1: {  	s6 =	simm.s32 $0x980;
	s11 =	simm.s32 $0x13A00  }
0xc2: {  	[tilespmem:s11], [sflag:$0x4] =	stream.indirect.gather [hbm4b:s3+s16], $0x20, s6, s16, $0xb8;
	[tilespmem:$0x14A00] =	vst v63  }
0xc3: {  	_ =	swait.ge [sflag:s31], $0x1000  }
0xc4: {  	[sflag:s31] =	ssyncset.done $0x0  }
0xc5: {  	[sflag:s31] =	ssyncadd.s32 $0xFFFFF000  }
0xc6: {  	_ =	swait.ge [sflag:s31], $0x1000  }
0xc7: {  	[sflag:s31] =	ssyncset.done $0x0  }
0xc8: {  	[sflag:s31] =	ssyncadd.s32 $0xFFFFF000  }
0xc9: {  	_ =	swait.ge [sflag:s31], $0x1000  }
0xca: {  	[sflag:s31] =	ssyncset.done $0x0  }
0xcb: {  	[sflag:s31] =	ssyncadd.s32 $0xFFFFF000  }
0xcc: {  	_ =	swait.ge [sflag:s31], $0x1000  }
0xcd: {  	[sflag:s31] =	ssyncset.done $0x0  }
0xce: {  	[sflag:s31] =	ssyncadd.s32 $0xFFFFF000  }
0xcf: {  	_ =	swait.ge [sflag:s31], $0x1000  }
0xd0: {  	[sflag:s31] =	ssyncset.done $0x0  }
0xd1: {  	[sflag:s31] =	ssyncadd.s32 $0xFFFFF000  }
0xd2: {  	_ =	swait.ge [sflag:s31], $0x1000  }
0xd3: {  	[sflag:s31] =	ssyncset.done $0x0  }
0xd4: {  	[sflag:s31] =	ssyncadd.s32 $0xFFFFF000  }
0xd5: {  	_ =	swait.ge [sflag:s31], $0x1000  }
0xd6: {  	[sflag:s31] =	ssyncset.done $0x0  }
0xd7: {  	[sflag:s31] =	ssyncadd.s32 $0xFFFFF000  }
0xd8: {  	_ =	swait.ge [sflag:s31], $0x1000  }
0xd9: {  	[sflag:s31] =	ssyncset.done $0x0  }
0xda: {  	[sflag:s31] =	ssyncadd.s32 $0xFFFFF000  }
0xdb: {  	_ =	swait.ge [sflag:s31], $0x1000  }
0xdc: {  	[sflag:s31] =	ssyncset.done $0x0  }
0xdd: {  	[sflag:s31] =	ssyncadd.s32 $0xFFFFF000  }
0xde: {  	_ =	swait.ge [sflag:s31], $0x1000  }
0xdf: {  	[sflag:s31] =	ssyncset.done $0x0;
	s4 =	rddreg [dreg:$0x4]  }
0xe0: {  	s11 =	rddreg [dreg:$0xf];
	[sflag:s31] =	ssyncadd.s32 $0xFFFFF000  }
0xe1: {  	[hbm4b:s11+s2] =	stream.linear.scatter [tilespmem:s29], [sflag:$0x5], $0xA000, $0x38;
	[tilespmem:$0x14A00] =	vst v63  }
0xe2: {  	s6 =	sadd.s32 $0x0, s4  }
0xe3: {  	[tilespmem:s2], [sflag:$0x1] =	stream.linear.gather [hbm4b:s6+s2], $0x500, $0x38;
	[tilespmem:$0x14A00] =	vst v63  }
0xe4: {  	_ =	swait.ge [sflag:s15], $0x500  }
0xe5: {  	[sflag:s15] =	ssyncset.done $0x0  }
0xe6: {  	[sflag:s15] =	ssyncadd.s32 $0xFFFFFB00  }
0xe7: {  	_ =	swait.ge [sflag:s0], $0xA000  }
0xe8: {  	[sflag:s0] =	ssyncset.done $0x0  }
0xe9: {  	[sflag:s0] =	ssyncadd.s32 $0xFFFF6000  }
0xea: {  	[tilespmem:s29], [sflag:$0x3] =	stream.indirect.gather [hbm4b:s3+s16], $0x20, s2, s16, $0xb8;
	[tilespmem:$0x14A00] =	vst v63  }
0xeb: {  	_ = 	snop  }
0xec: {  	[tilespmem:s10], [sflag:$0x3] =	stream.indirect.gather [hbm4b:s3+s16], $0x20, s16, s16, $0xb8;
	[tilespmem:$0x14A00] =	vst v63  }
0xed: {  	_ = 	snop  }
0xee: {  	[tilespmem:s13], [sflag:$0x3] =	stream.indirect.gather [hbm4b:s3+s16], $0x20, s12, s16, $0xb8;
	[tilespmem:$0x14A00] =	vst v63  }
0xef: {  	_ = 	snop  }
0xf0: {  	[tilespmem:s18], [sflag:$0x3] =	stream.indirect.gather [hbm4b:s3+s16], $0x20, s14, s16, $0xb8;
	[tilespmem:$0x14A00] =	vst v63  }
0xf1: {  	_ = 	snop  }
0xf2: {  	[tilespmem:s20], [sflag:$0x3] =	stream.indirect.gather [hbm4b:s3+s16], $0x20, s19, s16, $0xb8;
	[tilespmem:$0x14A00] =	vst v63  }
0xf3: {  	_ = 	snop  }
0xf4: {  	[tilespmem:s22], [sflag:$0x3] =	stream.indirect.gather [hbm4b:s3+s16], $0x20, s21, s16, $0xb8;
	[tilespmem:$0x14A00] =	vst v63  }
0xf5: {  	_ = 	snop  }
0xf6: {  	[tilespmem:s24], [sflag:$0x3] =	stream.indirect.gather [hbm4b:s3+s16], $0x20, s23, s16, $0xb8;
	[tilespmem:$0x14A00] =	vst v63  }
0xf7: {  	_ = 	snop  }
0xf8: {  	[tilespmem:s26], [sflag:$0x3] =	stream.indirect.gather [hbm4b:s3+s16], $0x20, s25, s16, $0xb8;
	[tilespmem:$0x14A00] =	vst v63  }
0xf9: {  	_ = 	snop  }
0xfa: {  	[tilespmem:s17], [sflag:$0x3] =	stream.indirect.gather [hbm4b:s3+s16], $0x20, s28, s16, $0xb8;
	[tilespmem:$0x14A00] =	vst v63  }
0xfb: {  	_ = 	snop  }
0xfc: {  	[tilespmem:s30], [sflag:$0x3] =	stream.indirect.gather [hbm4b:s3+s16], $0x20, s9, s16, $0xb8;
	[tilespmem:$0x14A00] =	vst v63  }
0xfd: {  	_ =	swait.ge [sflag:s1], $0x1000  }
0xfe: {  	[sflag:s1] =	ssyncset.done $0x0  }
0xff: {  	[sflag:s1] =	ssyncadd.s32 $0xFFFFF000  }
0x100: {  	_ =	swait.ge [sflag:s1], $0x1000  }
0x101: {  	[sflag:s1] =	ssyncset.done $0x0  }
0x102: {  	[sflag:s1] =	ssyncadd.s32 $0xFFFFF000  }
0x103: {  	_ =	swait.ge [sflag:s1], $0x1000  }
0x104: {  	[sflag:s1] =	ssyncset.done $0x0  }
0x105: {  	[sflag:s1] =	ssyncadd.s32 $0xFFFFF000  }
0x106: {  	_ =	swait.ge [sflag:s1], $0x1000  }
0x107: {  	[sflag:s1] =	ssyncset.done $0x0  }
0x108: {  	[sflag:s1] =	ssyncadd.s32 $0xFFFFF000  }
0x109: {  	_ =	swait.ge [sflag:s1], $0x1000  }
0x10a: {  	[sflag:s1] =	ssyncset.done $0x0  }
0x10b: {  	[sflag:s1] =	ssyncadd.s32 $0xFFFFF000  }
0x10c: {  	_ =	swait.ge [sflag:s1], $0x1000  }
0x10d: {  	[sflag:s1] =	ssyncset.done $0x0  }
0x10e: {  	[sflag:s1] =	ssyncadd.s32 $0xFFFFF000  }
0x10f: {  	_ =	swait.ge [sflag:s1], $0x1000  }
0x110: {  	[sflag:s1] =	ssyncset.done $0x0  }
0x111: {  	[sflag:s1] =	ssyncadd.s32 $0xFFFFF000  }
0x112: {  	s7 =	simm.s32 $0xAA00;
	s11 =	sadd.s32 $0x2800, s11;
	_ =	swait.ge [sflag:s1], $0x1000  }
0x113: {  	s6 =	simm.s32 $0x140;
	s29 =	simm.s32 $0x7A00;
	[sflag:s1] =	ssyncset.done $0x0  }
0x114: {  	s13 =	simm.s32 $0x1A00;
	s18 =	simm.s32 $0x9A00;
	[sflag:s1] =	ssyncadd.s32 $0xFFFFF000  }
0x115: {  	s14 =	simm.s32 $0x100;
	s20 =	simm.s32 $0x3A00;
	_ =	swait.ge [sflag:s1], $0x1000  }
0x116: {  	s19 =	simm.s32 $0x180;
	s22 =	simm.s32 $0x4A00;
	[sflag:s1] =	ssyncset.done $0x0  }
0x117: {  	s21 =	simm.s32 $0x200;
	s24 =	simm.s32 $0x5A00;
	[sflag:s1] =	ssyncadd.s32 $0xFFFFF000  }
0x118: {  	s23 =	simm.s32 $0x280;
	s26 =	simm.s32 $0x6A00;
	_ =	swait.ge [sflag:s1], $0x1000  }
0x119: {  	s25 =	simm.s32 $0x300;
	s28 =	simm.s32 $0x380;
	s12 =	rddreg [dreg:$0x3]  }
0x11a: {  	s30 =	simm.s32 $0x400;
	[sflag:s1] =	ssyncset.done $0x0;
	s17 =	rddreg [dreg:$0xe]  }
0x11b: {  	[sflag:s1] =	ssyncadd.s32 $0xFFFFF000;
	s12 =	sadd.s32 $0x0, s12;
	s10 =	sadd.s32 $0x2800, s17  }
0x11c: {  	[hbm4b:s17+s2] =	stream.linear.scatter [tilespmem:s7], [sflag:$0x6], $0xA000, $0x38;
	[tilespmem:$0x14A00] =	vst v63  }
.LBB2_2:
0x11d: {  	s4 =	simm.s32 $0x500  }
0x11e: {  	[tilespmem:s4], [sflag:$0x2] =	stream.linear.gather [hbm4b:s12+s2], $0x500, $0x38;
	[tilespmem:$0x14A00] =	vst v63  }
0x11f: {  	_ =	swait.ge [sflag:s8], $0x500  }
0x120: {  	[sflag:s8] =	ssyncset.done $0x0  }
0x121: {  	[sflag:s8] =	ssyncadd.s32 $0xFFFFFB00  }
0x122: {  	_ =	swait.ge [sflag:s5], $0xA000  }
0x123: {  	[sflag:s5] =	ssyncset.done $0x0  }
0x124: {  	s17 =	simm.s32 $0xAA00;
	[sflag:s5] =	ssyncadd.s32 $0xFFFF6000  }
0x125: {  	[tilespmem:s17], [sflag:$0x4] =	stream.indirect.gather [hbm4b:s3+s16], $0x20, s4, s16, $0xb8;
	[tilespmem:$0x14A00] =	vst v63  }
0x126: {  	s9 =	simm.s32 $0x580;
	s7 =	simm.s32 $0xBA00  }
0x127: {  	[tilespmem:s7], [sflag:$0x4] =	stream.indirect.gather [hbm4b:s3+s16], $0x20, s9, s16, $0xb8;
	[tilespmem:$0x14A00] =	vst v63  }
0x128: {  	s7 =	simm.s32 $0x600;
	s9 =	simm.s32 $0xCA00  }
0x129: {  	[tilespmem:s9], [sflag:$0x4] =	stream.indirect.gather [hbm4b:s3+s16], $0x20, s7, s16, $0xb8;
	[tilespmem:$0x14A00] =	vst v63  }
0x12a: {  	s7 =	simm.s32 $0x680;
	s9 =	simm.s32 $0xDA00  }
0x12b: {  	[tilespmem:s9], [sflag:$0x4] =	stream.indirect.gather [hbm4b:s3+s16], $0x20, s7, s16, $0xb8;
	[tilespmem:$0x14A00] =	vst v63  }
0x12c: {  	s7 =	simm.s32 $0x700;
	s9 =	simm.s32 $0xEA00  }
0x12d: {  	[tilespmem:s9], [sflag:$0x4] =	stream.indirect.gather [hbm4b:s3+s16], $0x20, s7, s16, $0xb8;
	[tilespmem:$0x14A00] =	vst v63  }
0x12e: {  	s7 =	simm.s32 $0x780;
	s9 =	simm.s32 $0xFA00  }
0x12f: {  	[tilespmem:s9], [sflag:$0x4] =	stream.indirect.gather [hbm4b:s3+s16], $0x20, s7, s16, $0xb8;
	[tilespmem:$0x14A00] =	vst v63  }
0x130: {  	s7 =	simm.s32 $0x800;
	s9 =	simm.s32 $0x10A00  }
0x131: {  	[tilespmem:s9], [sflag:$0x4] =	stream.indirect.gather [hbm4b:s3+s16], $0x20, s7, s16, $0xb8;
	[tilespmem:$0x14A00] =	vst v63  }
0x132: {  	s7 =	simm.s32 $0x880;
	s9 =	simm.s32 $0x11A00  }
0x133: {  	[tilespmem:s9], [sflag:$0x4] =	stream.indirect.gather [hbm4b:s3+s16], $0x20, s7, s16, $0xb8;
	[tilespmem:$0x14A00] =	vst v63  }
0x134: {  	s7 =	simm.s32 $0x900;
	s9 =	simm.s32 $0x12A00  }
0x135: {  	[tilespmem:s9], [sflag:$0x4] =	stream.indirect.gather [hbm4b:s3+s16], $0x20, s7, s16, $0xb8;
	[tilespmem:$0x14A00] =	vst v63  }
0x136: {  	s7 =	simm.s32 $0x980;
	s9 =	simm.s32 $0x13A00  }
0x137: {  	[tilespmem:s9], [sflag:$0x4] =	stream.indirect.gather [hbm4b:s3+s16], $0x20, s7, s16, $0xb8;
	[tilespmem:$0x14A00] =	vst v63  }
0x138: {  	_ =	swait.ge [sflag:s31], $0x1000  }
0x139: {  	[sflag:s31] =	ssyncset.done $0x0  }
0x13a: {  	[sflag:s31] =	ssyncadd.s32 $0xFFFFF000  }
0x13b: {  	_ =	swait.ge [sflag:s31], $0x1000  }
0x13c: {  	[sflag:s31] =	ssyncset.done $0x0  }
0x13d: {  	[sflag:s31] =	ssyncadd.s32 $0xFFFFF000  }
0x13e: {  	_ =	swait.ge [sflag:s31], $0x1000  }
0x13f: {  	[sflag:s31] =	ssyncset.done $0x0  }
0x140: {  	[sflag:s31] =	ssyncadd.s32 $0xFFFFF000  }
0x141: {  	_ =	swait.ge [sflag:s31], $0x1000  }
0x142: {  	[sflag:s31] =	ssyncset.done $0x0  }
0x143: {  	[sflag:s31] =	ssyncadd.s32 $0xFFFFF000  }
0x144: {  	_ =	swait.ge [sflag:s31], $0x1000  }
0x145: {  	[sflag:s31] =	ssyncset.done $0x0  }
0x146: {  	[sflag:s31] =	ssyncadd.s32 $0xFFFFF000  }
0x147: {  	_ =	swait.ge [sflag:s31], $0x1000  }
0x148: {  	[sflag:s31] =	ssyncset.done $0x0  }
0x149: {  	[sflag:s31] =	ssyncadd.s32 $0xFFFFF000  }
0x14a: {  	_ =	swait.ge [sflag:s31], $0x1000  }
0x14b: {  	[sflag:s31] =	ssyncset.done $0x0  }
0x14c: {  	[sflag:s31] =	ssyncadd.s32 $0xFFFFF000  }
0x14d: {  	_ =	swait.ge [sflag:s31], $0x1000  }
0x14e: {  	[sflag:s31] =	ssyncset.done $0x0  }
0x14f: {  	[sflag:s31] =	ssyncadd.s32 $0xFFFFF000  }
0x150: {  	_ =	swait.ge [sflag:s31], $0x1000  }
0x151: {  	[sflag:s31] =	ssyncset.done $0x0  }
0x152: {  	[sflag:s31] =	ssyncadd.s32 $0xFFFFF000  }
0x153: {  	_ =	swait.ge [sflag:s31], $0x1000  }
0x154: {  	s12 =	smov.u32 s6;
	[sflag:s31] =	ssyncset.done $0x0  }
0x155: {  	s9 =	simm.s32 $0xA00;
	s7 =	rddreg [dreg:$0x4];
	[sflag:s31] =	ssyncadd.s32 $0xFFFFF000  }
0x156: {  	[hbm4b:s11+s2] =	stream.linear.scatter [tilespmem:s9], [sflag:$0x5], $0xA000, $0x38;
	[tilespmem:$0x14A00] =	vst v63  }
0x157: {  	s4 =	sadd.s32 s12, s7  }
0x158: {  	[tilespmem:s2], [sflag:$0x1] =	stream.linear.gather [hbm4b:s4+s2], $0x500, $0x38;
	[tilespmem:$0x14A00] =	vst v63  }
0x159: {  	_ =	swait.ge [sflag:s15], $0x500  }
0x15a: {  	[sflag:s15] =	ssyncset.done $0x0  }
0x15b: {  	[sflag:s15] =	ssyncadd.s32 $0xFFFFFB00  }
0x15c: {  	_ =	swait.ge [sflag:s0], $0xA000  }
0x15d: {  	[sflag:s0] =	ssyncset.done $0x0  }
0x15e: {  	[sflag:s0] =	ssyncadd.s32 $0xFFFF6000  }
0x15f: {  	[tilespmem:s9], [sflag:$0x3] =	stream.indirect.gather [hbm4b:s3+s16], $0x20, s2, s16, $0xb8;
	[tilespmem:$0x14A00] =	vst v63  }
0x160: {  	_ = 	snop  }
0x161: {  	[tilespmem:s13], [sflag:$0x3] =	stream.indirect.gather [hbm4b:s3+s16], $0x20, s16, s16, $0xb8;
	[tilespmem:$0x14A00] =	vst v63  }
0x162: {  	s4 =	simm.s32 $0x2A00  }
0x163: {  	[tilespmem:s4], [sflag:$0x3] =	stream.indirect.gather [hbm4b:s3+s16], $0x20, s14, s16, $0xb8;
	[tilespmem:$0x14A00] =	vst v63  }
0x164: {  	_ = 	snop  }
0x165: {  	[tilespmem:s20], [sflag:$0x3] =	stream.indirect.gather [hbm4b:s3+s16], $0x20, s19, s16, $0xb8;
	[tilespmem:$0x14A00] =	vst v63  }
0x166: {  	_ = 	snop  }
0x167: {  	[tilespmem:s22], [sflag:$0x3] =	stream.indirect.gather [hbm4b:s3+s16], $0x20, s21, s16, $0xb8;
	[tilespmem:$0x14A00] =	vst v63  }
0x168: {  	_ = 	snop  }
0x169: {  	[tilespmem:s24], [sflag:$0x3] =	stream.indirect.gather [hbm4b:s3+s16], $0x20, s23, s16, $0xb8;
	[tilespmem:$0x14A00] =	vst v63  }
0x16a: {  	_ = 	snop  }
0x16b: {  	[tilespmem:s26], [sflag:$0x3] =	stream.indirect.gather [hbm4b:s3+s16], $0x20, s25, s16, $0xb8;
	[tilespmem:$0x14A00] =	vst v63  }
0x16c: {  	_ = 	snop  }
0x16d: {  	[tilespmem:s29], [sflag:$0x3] =	stream.indirect.gather [hbm4b:s3+s16], $0x20, s28, s16, $0xb8;
	[tilespmem:$0x14A00] =	vst v63  }
0x16e: {  	s4 =	simm.s32 $0x8A00  }
0x16f: {  	[tilespmem:s4], [sflag:$0x3] =	stream.indirect.gather [hbm4b:s3+s16], $0x20, s30, s16, $0xb8;
	[tilespmem:$0x14A00] =	vst v63  }
0x170: {  	s9 =	simm.s32 $0x480  }
0x171: {  	[tilespmem:s18], [sflag:$0x3] =	stream.indirect.gather [hbm4b:s3+s16], $0x20, s9, s16, $0xb8;
	[tilespmem:$0x14A00] =	vst v63  }
0x172: {  	_ =	swait.ge [sflag:s1], $0x1000  }
0x173: {  	[sflag:s1] =	ssyncset.done $0x0  }
0x174: {  	[sflag:s1] =	ssyncadd.s32 $0xFFFFF000  }
0x175: {  	_ =	swait.ge [sflag:s1], $0x1000  }
0x176: {  	[sflag:s1] =	ssyncset.done $0x0  }
0x177: {  	[sflag:s1] =	ssyncadd.s32 $0xFFFFF000  }
0x178: {  	_ =	swait.ge [sflag:s1], $0x1000  }
0x179: {  	[sflag:s1] =	ssyncset.done $0x0  }
0x17a: {  	[sflag:s1] =	ssyncadd.s32 $0xFFFFF000  }
0x17b: {  	_ =	swait.ge [sflag:s1], $0x1000  }
0x17c: {  	[sflag:s1] =	ssyncset.done $0x0  }
0x17d: {  	[sflag:s1] =	ssyncadd.s32 $0xFFFFF000  }
0x17e: {  	_ =	swait.ge [sflag:s1], $0x1000  }
0x17f: {  	[sflag:s1] =	ssyncset.done $0x0  }
0x180: {  	[sflag:s1] =	ssyncadd.s32 $0xFFFFF000  }
0x181: {  	_ =	swait.ge [sflag:s1], $0x1000  }
0x182: {  	[sflag:s1] =	ssyncset.done $0x0  }
0x183: {  	[sflag:s1] =	ssyncadd.s32 $0xFFFFF000  }
0x184: {  	_ =	swait.ge [sflag:s1], $0x1000  }
0x185: {  	[sflag:s1] =	ssyncset.done $0x0  }
0x186: {  	[sflag:s1] =	ssyncadd.s32 $0xFFFFF000  }
0x187: {  	_ =	swait.ge [sflag:s1], $0x1000  }
0x188: {  	[sflag:s1] =	ssyncset.done $0x0  }
0x189: {  	[sflag:s1] =	ssyncadd.s32 $0xFFFFF000  }
0x18a: {  	_ =	swait.ge [sflag:s1], $0x1000  }
0x18b: {  	[sflag:s1] =	ssyncset.done $0x0  }
0x18c: {  	p0 =	sne.s32 s6, $0x2E40;
	[sflag:s1] =	ssyncadd.s32 $0xFFFFF000  }
.Ltmp0:
0x18d: {  	_ =	swait.ge [sflag:s1], $0x1000;
	(pc) =	sbr.rel @p0 .LBB2_2-.Ltmp0, $4  }
0x18e: {  	s6 =	sadd.s32 $0x140, s6;
	[sflag:s1] =	ssyncset.done $0x0  }
0x18f: {  	s7 =	simm.s32 $0xA00;
	s4 =	rddreg [dreg:$0x3];
	[sflag:s1] =	ssyncadd.s32 $0xFFFFF000  }
0x190: {  	[hbm4b:s10+s2] =	stream.linear.scatter [tilespmem:s17], [sflag:$0x6], $0xA000, $0x38;
	[tilespmem:$0x14A00] =	vst v63  }
0x191: {  	s11 =	sadd.s32 $0x2800, s11;
	s12 =	sadd.s32 s12, s4;
	s10 =	sadd.s32 $0x2800, s10  }
0x192: {  	s4 =	simm.s32 $0x500  }
0x193: {  	[tilespmem:s4], [sflag:$0x2] =	stream.linear.gather [hbm4b:s12+s2], $0x500, $0x38;
	[tilespmem:$0x14A00] =	vst v63  }
0x194: {  	_ =	swait.ge [sflag:s8], $0x500  }
0x195: {  	[sflag:s8] =	ssyncset.done $0x0  }
0x196: {  	[sflag:s8] =	ssyncadd.s32 $0xFFFFFB00  }
0x197: {  	_ =	swait.ge [sflag:s5], $0xA000  }
0x198: {  	[sflag:s5] =	ssyncset.done $0x0  }
0x199: {  	s6 =	simm.s32 $0xAA00;
	[sflag:s5] =	ssyncadd.s32 $0xFFFF6000  }
0x19a: {  	[tilespmem:s6], [sflag:$0x4] =	stream.indirect.gather [hbm4b:s3+s16], $0x20, s4, s16, $0xb8;
	[tilespmem:$0x14A00] =	vst v63  }
0x19b: {  	s23 =	simm.s32 $0x580;
	s10 =	simm.s32 $0xBA00  }
0x19c: {  	[tilespmem:s10], [sflag:$0x4] =	stream.indirect.gather [hbm4b:s3+s16], $0x20, s23, s16, $0xb8;
	[tilespmem:$0x14A00] =	vst v63  }
0x19d: {  	s24 =	simm.s32 $0x600;
	s25 =	simm.s32 $0xCA00  }
0x19e: {  	[tilespmem:s25], [sflag:$0x4] =	stream.indirect.gather [hbm4b:s3+s16], $0x20, s24, s16, $0xb8;
	[tilespmem:$0x14A00] =	vst v63  }
0x19f: {  	s26 =	simm.s32 $0x680;
	s29 =	simm.s32 $0xDA00  }
0x1a0: {  	[tilespmem:s29], [sflag:$0x4] =	stream.indirect.gather [hbm4b:s3+s16], $0x20, s26, s16, $0xb8;
	[tilespmem:$0x14A00] =	vst v63  }
0x1a1: {  	s11 =	simm.s32 $0xEA00;
	s10 =	simm.s32 $0x700  }
0x1a2: {  	[tilespmem:s11], [sflag:$0x4] =	stream.indirect.gather [hbm4b:s3+s16], $0x20, s10, s16, $0xb8;
	[tilespmem:$0x14A00] =	vst v63  }
0x1a3: {  	s13 =	simm.s32 $0xFA00;
	s12 =	simm.s32 $0x780  }
0x1a4: {  	[tilespmem:s13], [sflag:$0x4] =	stream.indirect.gather [hbm4b:s3+s16], $0x20, s12, s16, $0xb8;
	[tilespmem:$0x14A00] =	vst v63  }
0x1a5: {  	s14 =	simm.s32 $0x800;
	s17 =	simm.s32 $0x10A00  }
0x1a6: {  	[tilespmem:s17], [sflag:$0x4] =	stream.indirect.gather [hbm4b:s3+s16], $0x20, s14, s16, $0xb8;
	[tilespmem:$0x14A00] =	vst v63  }
0x1a7: {  	s18 =	simm.s32 $0x880;
	s19 =	simm.s32 $0x11A00  }
0x1a8: {  	[tilespmem:s19], [sflag:$0x4] =	stream.indirect.gather [hbm4b:s3+s16], $0x20, s18, s16, $0xb8;
	[tilespmem:$0x14A00] =	vst v63  }
0x1a9: {  	s20 =	simm.s32 $0x900;
	s21 =	simm.s32 $0x12A00  }
0x1aa: {  	[tilespmem:s21], [sflag:$0x4] =	stream.indirect.gather [hbm4b:s3+s16], $0x20, s20, s16, $0xb8;
	[tilespmem:$0x14A00] =	vst v63  }
0x1ab: {  	s22 =	simm.s32 $0x980;
	s23 =	simm.s32 $0x13A00  }
0x1ac: {  	[tilespmem:s23], [sflag:$0x4] =	stream.indirect.gather [hbm4b:s3+s16], $0x20, s22, s16, $0xb8;
	[tilespmem:$0x14A00] =	vst v63  }
0x1ad: {  	_ =	swait.ge [sflag:s31], $0x1000  }
0x1ae: {  	[sflag:s31] =	ssyncset.done $0x0  }
0x1af: {  	[sflag:s31] =	ssyncadd.s32 $0xFFFFF000  }
0x1b0: {  	_ =	swait.ge [sflag:s31], $0x1000  }
0x1b1: {  	[sflag:s31] =	ssyncset.done $0x0  }
0x1b2: {  	[sflag:s31] =	ssyncadd.s32 $0xFFFFF000  }
0x1b3: {  	_ =	swait.ge [sflag:s31], $0x1000  }
0x1b4: {  	[sflag:s31] =	ssyncset.done $0x0  }
0x1b5: {  	[sflag:s31] =	ssyncadd.s32 $0xFFFFF000  }
0x1b6: {  	_ =	swait.ge [sflag:s31], $0x1000  }
0x1b7: {  	[sflag:s31] =	ssyncset.done $0x0  }
0x1b8: {  	[sflag:s31] =	ssyncadd.s32 $0xFFFFF000  }
0x1b9: {  	_ =	swait.ge [sflag:s31], $0x1000  }
0x1ba: {  	[sflag:s31] =	ssyncset.done $0x0  }
0x1bb: {  	[sflag:s31] =	ssyncadd.s32 $0xFFFFF000  }
0x1bc: {  	_ =	swait.ge [sflag:s31], $0x1000  }
0x1bd: {  	[sflag:s31] =	ssyncset.done $0x0  }
0x1be: {  	[sflag:s31] =	ssyncadd.s32 $0xFFFFF000  }
0x1bf: {  	_ =	swait.ge [sflag:s31], $0x1000  }
0x1c0: {  	[sflag:s31] =	ssyncset.done $0x0  }
0x1c1: {  	[sflag:s31] =	ssyncadd.s32 $0xFFFFF000  }
0x1c2: {  	_ =	swait.ge [sflag:s31], $0x1000  }
0x1c3: {  	[sflag:s31] =	ssyncset.done $0x0  }
0x1c4: {  	[sflag:s31] =	ssyncadd.s32 $0xFFFFF000  }
0x1c5: {  	_ =	swait.ge [sflag:s31], $0x1000  }
0x1c6: {  	[sflag:s31] =	ssyncset.done $0x0  }
0x1c7: {  	[sflag:s31] =	ssyncadd.s32 $0xFFFFF000  }
0x1c8: {  	_ =	swait.ge [sflag:s31], $0x1000  }
0x1c9: {  	[sflag:s31] =	ssyncset.done $0x0  }
0x1ca: {  	s24 =	rddreg [dreg:$0xb];
	[sflag:s31] =	ssyncadd.s32 $0xFFFFF000  }
0x1cb: {  	[hbm4b:s24+s2] =	stream.linear.scatter [tilespmem:s7], [sflag:$0x5], $0xA000, $0x38;
	[tilespmem:$0x14A00] =	vst v63  }
0x1cc: {  	_ =	swait.ge [sflag:s1], $0x1000  }
0x1cd: {  	[sflag:s1] =	ssyncset.done $0x0  }
0x1ce: {  	[sflag:s1] =	ssyncadd.s32 $0xFFFFF000  }
0x1cf: {  	_ =	swait.ge [sflag:s1], $0x1000  }
0x1d0: {  	[sflag:s1] =	ssyncset.done $0x0  }
0x1d1: {  	[sflag:s1] =	ssyncadd.s32 $0xFFFFF000  }
0x1d2: {  	_ =	swait.ge [sflag:s1], $0x1000  }
0x1d3: {  	[sflag:s1] =	ssyncset.done $0x0  }
0x1d4: {  	[sflag:s1] =	ssyncadd.s32 $0xFFFFF000  }
0x1d5: {  	_ =	swait.ge [sflag:s1], $0x1000  }
0x1d6: {  	[sflag:s1] =	ssyncset.done $0x0  }
0x1d7: {  	[sflag:s1] =	ssyncadd.s32 $0xFFFFF000  }
0x1d8: {  	_ =	swait.ge [sflag:s1], $0x1000  }
0x1d9: {  	[sflag:s1] =	ssyncset.done $0x0  }
0x1da: {  	[sflag:s1] =	ssyncadd.s32 $0xFFFFF000  }
0x1db: {  	_ =	swait.ge [sflag:s1], $0x1000  }
0x1dc: {  	[sflag:s1] =	ssyncset.done $0x0  }
0x1dd: {  	[sflag:s1] =	ssyncadd.s32 $0xFFFFF000  }
0x1de: {  	_ =	swait.ge [sflag:s1], $0x1000  }
0x1df: {  	[sflag:s1] =	ssyncset.done $0x0  }
0x1e0: {  	[sflag:s1] =	ssyncadd.s32 $0xFFFFF000  }
0x1e1: {  	_ =	swait.ge [sflag:s1], $0x1000  }
0x1e2: {  	[sflag:s1] =	ssyncset.done $0x0  }
0x1e3: {  	[sflag:s1] =	ssyncadd.s32 $0xFFFFF000  }
0x1e4: {  	_ =	swait.ge [sflag:s1], $0x1000  }
0x1e5: {  	[sflag:s1] =	ssyncset.done $0x0  }
0x1e6: {  	[sflag:s1] =	ssyncadd.s32 $0xFFFFF000  }
0x1e7: {  	_ =	swait.ge [sflag:s1], $0x1000  }
0x1e8: {  	[sflag:s1] =	ssyncset.done $0x0  }
0x1e9: {  	s25 =	rddreg [dreg:$0xc];
	[sflag:s1] =	ssyncadd.s32 $0xFFFFF000  }
0x1ea: {  	[hbm4b:s25+s2] =	stream.linear.scatter [tilespmem:s6], [sflag:$0x6], $0xA000, $0x38;
	[tilespmem:$0x14A00] =	vst v63  }
0x1eb: {  	_ =	swait.ge [sflag:s0], $0xA000  }
0x1ec: {  	[sflag:s0] =	ssyncset.done $0x0  }
0x1ed: {  	[sflag:s0] =	ssyncadd.s32 $0xFFFF6000  }
0x1ee: {  	_ =	swait.ge [sflag:s5], $0xA000  }
0x1ef: {  	s28 =	simm.s32 $0x400;
	s26 =	rddreg [dreg:$0x10]  }
0x1f0: {  	s30 =	simm.s32 $0x9A00;
	s29 =	rddreg [dreg:$0xd];
	s6 =	sadd.s32 $0x1, s26  }
0x1f1: {  	s10 =	simm.s32 $0x1A00;
	s12 =	simm.s32 $0x100;
	p0 =	sne.s32 s6, s29  }
.Ltmp1:
0x1f2: {  	s13 =	simm.s32 $0x2A00;
	s14 =	simm.s32 $0x180;
	(pc) =	sbr.rel @p0 .LBB2_1-.Ltmp1, $4  }
0x1f3: {  	s17 =	simm.s32 $0x8A00;
	s18 =	simm.s32 $0x3A00;
	s19 =	simm.s32 $0x200  }
0x1f4: {  	s20 =	simm.s32 $0x4A00;
	s21 =	simm.s32 $0x280;
	s22 =	simm.s32 $0x5A00  }
0x1f5: {  	s23 =	simm.s32 $0x300;
	s24 =	simm.s32 $0x6A00;
	[sflag:s5] =	ssyncset.done $0x0  }
0x1f6: {  	s25 =	simm.s32 $0x380;
	[sflag:s5] =	ssyncadd.s32 $0xFFFF6000;
	s26 =	simm.s32 $0x7A00  }
0x1f7: {  	_ =	sfence.sel $0x180000  }
0x1f8: {  	[bflag:$0x0] =	sbarrier.arrive $0xFFFF  }
0x1f9: {  	_ =	strace $0x90000047  }
0x1fa: {  	s0 =	stileid.u32;
	[bflag:$0x2] =	sbarrier.arrive $0xFFFF  }
0x1fb: {  	p0 =	sne.s32 s0, $0x0;
	s0 =	rddreg [dreg:$0x2]  }
0x1fc: {  	s0 =	sadd.s32 @!p0 $0x100000, s0  }
0x1fd: {  	[sflag:s0] =	ssyncadd.tile.s32 @!p0 $0x1;
	_ =	shalt  }
.Lfunc_end2:
_tile_overlayer_lowered:
.L_overlay_start_2:
0x1fe: {  	(tag) =	ssettag $0x2  }
0x1ff: {  	s0 =	rddreg [dreg:$0x0];
	s2 =	stileid.u32  }
0x200: {  	s1 =	rddreg [dreg:$0x1];
	p0 =	sne.s32 s2, $0x0  }
0x201: {  	s3 =	rddreg [dreg:$0x2];
	[bflag:$0x3] =	sbarrier.arrive $0xFFFF;
	s2 =	simm.s32 @!p0 $0x1C07  }
0x202: {  	[timem:s3], [sflag:s2] =	dma.local @!p0 [hbm:s0], s1  }
0x203: {  	s0 =	simm.s32 @!p0 $0x7  }
0x204: {  	_ =	swait.ge @!p0 [sflag:s0], s1  }
0x205: {  	s1 =	ssub.s32 @!p0 $0x0, s1;
	[sflag:s0] =	ssyncset.done @!p0 $0x0  }
0x206: {  	[sflag:s0] =	ssyncadd.s32 @!p0 s1  }
0x207: {  	[bflag:$0x3] =	sbarrier.arrive $0xFFFF  }
0x208: {  	_ =	shalt  }

// kernel: sparse-core-data-format-call.cloned.1.call-start
scs
called_computation_lowered:
.L_overlay_start_0:
0x0: {  	s2 =	sld [smem:$0x3FD9]  }
0x1: {  	s3 =	sld [smem:$0x3FFE];
	_ =	sdelay $0x1  }
0x2: {  	s1 =	srdreg.scid  }
0x3: {  	s0 =	sand.u32 $0x1, s1  }
0x4: {  	s18 =	sshll.u32 s0, $0xA;
	s2 =	sadd.s32 s3, s2  }
0x5: {  	s2 =	sadd.s32 s2, s18  }
0x6: {  	[smem:$0x3FC6] =	sst s2  }
0x7: {  	_ = 	snop  }
0x8: {  	s2 =	sld [smem:$0x3FD0];
	(tm) =	ssettm $0x1  }
0x9: {  	s19 =	sld [smem:$0x3FFB];
	_ =	sdelay $0x3  }
0xa: {  	_ =	strace s19  }
0xb: {  	s3 =	sld [smem:$0x3FFC];
	_ =	sdelay $0x3  }
0xc: {  	_ =	strace s3  }
0xd: {  	s3 =	sld [smem:$0x3FFD];
	_ =	sdelay $0x3  }
0xe: {  	_ =	strace s3  }
0xf: {  	_ =	strace $0x8FFFFFFF  }
0x10: {  	s20 =	sld [smem:$0x3FDB];
	_ =	sdelay $0x1  }
0x11: {  	s4 =	simm.s32 $_scs_section_size  }
0x12: {  	s5 =	simm.s32 $_size__tile_overlayer_lowered;
	s6 =	simm.s32 $_tile_overlayer_lowered  }
0x13: {  	s23 =	simm.s32 $0x1BFF;
	s22 =	sshll.u32 s6, $0x1;
	s3 =	sadd.s32 s4, s20  }
0x14: {  	s7 =	simm.s32 $0x0;
	s21 =	sshll.u32 s5, $0x1;
	s5 =	sadd.s32 s22, s3  }
0x15: {  	[timem:s7], [sflag:s23] =	dma.local [hbm:s5], s21  }
0x16: {  	_ =	swait.ge [sflag:s23], s21  }
0x17: {  	s4 =	ssub.s32 $0x0, s21;
	[sflag:s23] =	ssyncset.done $0x0  }
0x18: {  	[sflag:s23] =	ssyncadd.s32 s4;
	_ =	sdelay $0x1  }
0x19: {  	s24 =	simm.s32 $0x1B8B  }
0x1a: {  	_ =	swait.ge [sflag:s24], $0x1  }
0x1b: {  	[sflag:s24] =	ssyncset.done $0x0  }
0x1c: {  	s26 =	simm.s32 $0x1B8E;
	s25 =	sld [smem:$0x3FFE];
	[sflag:s24] =	ssyncadd.s32 $0xFFFFFFFF  }
0x1d: {  	s27 =	simm.s32 $execute0_lowered;
	[smem:$0x3FD2] =	sst s26  }
0x1e: {  	s5 =	sshll.u32 s27, $0x1;
	_ =	strace $0x80000049;
	[dreg:$0x1] =	wrdreg $0xFFFFFFFF  }
0x1f: {  	s28 =	simm.s32 $_size_execute0_lowered;
	s3 =	sadd.s32 s3, s5;
	[dreg:$0x0] =	wrdreg $0x0  }
0x20: {  	s5 =	sshll.u32 s28, $0x1;
	[dreg:$0x2] =	wrdreg s3  }
0x21: {  	[dreg:$0x3] =	wrdreg s5  }
0x22: {  	[dreg:$0x4] =	wrdreg $0xC0  }
0x23: {  	_ =	task [dreg:s7], $0x5FFFF  }
0x24: {  	[dreg:$0x1] =	wrdreg $0xFFFFFFFF  }
0x25: {  	[dreg:$0x0] =	wrdreg $0x60  }
0x26: {  	[dreg:$0x2] =	wrdreg s25  }
0x27: {  	[dreg:$0x3] =	wrdreg s2  }
0x28: {  	[dreg:$0x4] =	wrdreg $0x9  }
0x29: {  	_ =	task.clear_ibuf [dreg:s7], $0x5FFFF;
	_ =	strace $0x90000049  }
0x2a: {  	s29 =	simm.s32 $0x9;
	_ =	strace $0x8000004B  }
0x2b: {  	_ =	swait.ge [sflag:s29], $0x1  }
0x2c: {  	[sflag:s29] =	ssyncadd.s32 $0xFFFFFFFF  }
0x2d: {  	_ =	strace $0x9000004B  }
0x2e: {  	_ =	sfence  }
0x2f: {  	s30 =	sld [smem:$0x0];
	_ =	sdelay $0x2  }
0x30: {  	s31 =	sshll.u32 s1, $0xD;
	s1 =	sshrl.u32 s1, $0x2  }
0x31: {  	s3 =	sand.u32 $0x4000, s31;
	s1 =	sadd.s32 s1, s30  }
0x32: {  	s0 =	sor.u32 s3, s0;
	s1 =	sshll.u32 s1, $0x11  }
0x33: {  	s0 =	sor.u32 s1, s0  }
0x34: {  	s0 =	sadd.s32 $0x8F2B, s0  }
0x35: {  	[sflag:s0] =	ssyncadd.remote.s32 $0x1  }
0x36: {  	_ =	sfence.sel $0xFFFF  }
0x37: {  	[dreg:$0x0] =	wrdreg $0xFFFFFFFF;
	(pc) =	sbr.abs _section_cstart, $3  }
0x38: {  	[dreg:$0x1] =	wrdreg $0xFFFFFFFF  }
0x39: {  	_ =	task.clear_ibuf [dreg:s7], $0x2FFFF;
	_ =	strace $0x9FFFFFFF  }
0x3a: {  	(tm) =	ssettm $0x7FFFFFFF  }
0x3b: {  	_ =	shalt  }
tec
execute0_lowered:
.L_overlay_start_1:
0x0: {  	(tag) =	ssettag $0x1  }
0x1: {  	s0 =	srdreg.scid  }
0x2: {  	s1 =	sshll.u32 s0, $0x4  }
0x3: {  	s0 =	stileid.u32;
	s1 =	sand.u32 $0x10, s1  }
0x4: {  	s1 =	sor.u32 s0, s1  }
0x5: {  	s6 =	rddreg [dreg:$0x0];
	s4 =	simm.s32 $0x1;
	s2 =	sshll.u32 s1, $0x7  }
0x6: {  	s7 =	simm.s32 $0x2;
	s12 =	simm.s32 $0x0;
	s1 =	ssub.s32 $0x4000, s2  }
0x7: {  	s8 =	simm.s32 $0x20000;
	s13 =	simm.s32 $0x0;
	s3 =	sand.u32 $0xF80, s1  }
0x8: {  	s9 =	simm.s32 $0x0;
	s5 =	sshrl.u32 s1, $0xC;
	p0 =	sne.s32 s3, $0x0  }
.Ltmp0:
0x9: {  	s1 =	rddreg [dreg:$0x2];
	s4 =	simm.s32 @!p0 $0x0;
	(pc) =	sbr.rel .LBB1_1-.Ltmp0, $4  }
0xa: {  	s11 =	simm.s32 $0x0;
	s3 =	rddreg [dreg:$0x1];
	s5 =	sadd.s32 s4, s5  }
0xb: {  	_ =	strace $0x8000004A;
	s4 =	simm.s32 $0x1;
	s5 =	smul.u32 $0xC8, s5  }
0xc: {  	s6 =	sadd.s32 $0x800, s6;
	s10 =	smov.u32 s2;
	[sflag:s4] =	ssyncpa.u1 $0x0  }
0xd: {  	p0 =	por $0x0, $0x0;
	[sflag:s7] =	ssyncpa.u1 $0x0;
	s7 =	sor.u32 $0x1, s5  }
.LBB1_4:
0xe: {  	s16 =	sshll.u32 s13, $0x3;
	s17 =	sand.u32 $0x78, s13  }
0xf: {  	s30 =	sand.u32 $0xF800, s13;
	s12 =	sshll.u32 s12, $0x10;
	s16 =	sand.u32 $0x3C00, s16  }
0x10: {  	s31 =	sand.u32 $0x7, s13;
	s16 =	sor.u32 s17, s16;
	s17 =	sadd.s32 s3, s30  }
0x11: {  	s13 =	sshll.u32 s31, $0x12;
	s16 =	sshrl.u32 s16, $0x3;
	s12 =	sadd.s32 s12, s17  }
0x12: {  	[tilespmem:s15+$0x0 ss:$0x81] =	vst.msk $0xffff, v0;
	s13 =	sor.u32 $0x400, s13;
	s12 =	sadd.s32 s16, s12  }
0x13: {  	[hbm4b:s12+s13] =	stream.strided.scatter [tilespmem:s14], [sflag:$0x2], $0x1000, s8, s13, $0x20;
	[tilespmem:$0x4040] =	vst v63  }
.LBB1_5:
0x14: {  	s14 =	sadd.s32 $0x1, s9  }
0x15: {  	s12 =	sadd.s32 $0x1000, s10;
	s16 =	smov.u32 s10;
	p2 =	sgt.s32 s14, $0xC7  }
0x16: {  	s16 =	smov.u32 @p2 s12  }
0x17: {  	s14 =	simm.s32 @p2 $0x0;
	p2 =	sgt.s32 s16, $0x3FFF  }
0x18: {  	s16 =	smov.u32 @p2 s2;
	p2 =	sne.s32 s11, s7  }
.Ltmp1:
0x19: {  	p1 =	slt.u32 s11, $0x2;
	(pc) =	sbr.rel @!p2 .LBB1_6-.Ltmp1, $4  }
0x1a: {  	s15 =	simm.s32 @!p1 $0x2  }
0x1b: {  	s13 =	smov.u32 s10;
	p0 =	por !p0, !p0;
	_ =	swait.ge @!p1 [sflag:s15], $0x1000  }
0x1c: {  	s12 =	smov.u32 s9;
	[sflag:s15] =	ssyncset.done @!p1 $0x0;
	s9 =	smov.u32 s14  }
0x1d: {  	s11 =	sadd.s32 $0x1, s11;
	[sflag:s15] =	ssyncadd.s32 @!p1 $0xFFFFF000;
	s10 =	smov.u32 s16  }
.LBB1_1:
0x1e: {  	p1 =	sge.u32 s11, s5  }
0x1f: {  	s14 =	sand.u32 @!p1 $0x1FFFFFF, s9  }
0x20: {  	s15 =	smulhi.u32 @!p1 $0x147AE15, s14;
	_ =	sdelay $0x1  }
0x21: {  	s15 =	smul.u32 @!p1 $0xC8, s15  }
0x22: {  	s16 =	sxor.u32 @!p1 $0xFFFFFFFF, s11;
	s17 =	smul.u32 @!p1 $0xC80, s10  }
0x23: {  	s31 =	sadd.s32 $0xFFFFFFFF, s11;
	s16 =	sshll.u32 @!p1 s16, $0xC;
	s14 =	ssub.s32 @!p1 s14, s15  }
0x24: {  	s15 =	sand.u32 @!p1 $0x1000, s16;
	s16 =	sadd.s32 @!p1 s6, s17;
	s14 =	sshll.u32 @!p1 s14, $0x4  }
0x25: {  	s17 =	simm.s32 @!p1 $0x6400;
	s14 =	sadd.s32 @!p1 s14, s16;
	s16 =	simm.s32 @!p1 $0x20  }
0x26: {  	[tilespmem:s15], [sflag:$0x1] =	stream.strided.gather @!p1 [hbm4b:s14+s16], $0x1000, s17, s16, $0x38;
	[tilespmem:$0x4040] =	vst v63  }
0x27: {  	p1 =	sge.u32 s31, s5  }
.Ltmp2:
0x28: {  	_ = 	snop;
	(pc) =	sbr.rel @p1 .LBB1_5-.Ltmp2, $1  }
0x29: {  	_ =	sdelay $0x3  }
0x2a: {  	s14 =	simm.s32 $0x1  }
0x2b: {  	_ =	swait.ge [sflag:s4], $0x1000;
	s14 =	simm.s32 @!p0 $0x0  }
0x2c: {  	[sflag:s4] =	ssyncset.done $0x0;
	s15 =	sshll.u32 s14, $0xC  }
0x2d: {  	[sflag:s4] =	ssyncadd.s32 $0xFFFFF000;
	s18 =	sor.u32 $0x10, s15  }
0x2e: {  	s14 =	smul.u32 $0x4080, s14;
	v1 =	vld [tilespmem:s18+$0x0]  }
0x2f: {  	s30 =	sand.u32 $0x1, s11;
	v0 =	vld [tilespmem:s18+$0xFFFFFFF0]  }
0x30: {  	s15 =	smul.u32 $0x4080, s30;
	s14 =	sshrl.u32 s14, $0x2  }
0x31: {  	s16 =	sor.u32 $0x2000, s14  }
0x32: {  	s31 =	sshrl.u32 s15, $0x2;
	s15 =	sadd.s32 $0x0, s16  }
0x33: {  	s17 =	simm.s32 $0x4;
	s18 =	sadd.s32 $0x20, s18;
	s14 =	sor.u32 $0x2000, s31;
	[tilespmem:s15+$0x810 ss:$0x81] =	vst.msk $0xffff, v1  }
.LBB1_3:
0x34: {  	v1 =	vld [tilespmem:s18+$0x0];
	p1 =	sne.s32 s17, $0x1FC;
	[tilespmem:s15+$0x0 ss:$0x81] =	vst.msk $0xffff, v0;
	s15 =	smov.u32 s17;
	s17 =	sadd.s32 $0x4, s17  }
.Ltmp3:
0x35: {  	v0 =	vld [tilespmem:s18+$0xFFFFFFF0];
	(pc) =	sbr.rel @p1 .LBB1_3-.Ltmp3, $4  }
0x36: {  	_ = 	snop  }
0x37: {  	s15 =	sshra.s32 s15, $0x2  }
0x38: {  	s15 =	sadd.s32 s15, s16  }
0x39: {  	s18 =	sadd.s32 $0x20, s18;
	[tilespmem:s15+$0x810 ss:$0x81] =	vst.msk $0xffff, v1  }
.Ltmp4:
0x3a: {  	_ = 	snop;
	(pc) =	sbr.rel .LBB1_4-.Ltmp4, $1  }
0x3b: {  	_ =	sdelay $0x3  }
.LBB1_6:
0x3c: {  	_ =	sfence.sel $0x180000  }
0x3d: {  	s2 =	simm.s32 $0x1;
	[bflag:$0x0] =	sbarrier.arrive $0xFFFF  }
0x3e: {  	s31 =	simm.s32 $0x2;
	[sflag:s2] =	ssyncpa.u1 $0x1  }
0x3f: {  	[sflag:s31] =	ssyncpa.u1 $0x1  }
0x40: {  	p0 =	sne.s32 s0, $0x0;
	_ =	strace $0x9000004A  }
0x41: {  	s0 =	sadd.s32 @!p0 $0x100000, s1;
	[bflag:$0x2] =	sbarrier.arrive $0xFFFF  }
0x42: {  	[sflag:s0] =	ssyncadd.tile.s32 @!p0 $0x1;
	_ =	shalt  }
.Lfunc_end1:
_tile_overlayer_lowered:
.L_overlay_start_2:
0x43: {  	(tag) =	ssettag $0x2  }
0x44: {  	s0 =	rddreg [dreg:$0x0];
	s2 =	stileid.u32  }
0x45: {  	s1 =	rddreg [dreg:$0x1];
	p0 =	sne.s32 s2, $0x0  }
0x46: {  	s3 =	rddreg [dreg:$0x2];
	[bflag:$0x3] =	sbarrier.arrive $0xFFFF;
	s2 =	simm.s32 @!p0 $0x1C01  }
0x47: {  	[timem:s3], [sflag:s2] =	dma.local @!p0 [hbm:s0], s1  }
0x48: {  	s0 =	simm.s32 @!p0 $0x1  }
0x49: {  	_ =	swait.ge @!p0 [sflag:s0], s1  }
0x4a: {  	s1 =	ssub.s32 @!p0 $0x0, s1;
	[sflag:s0] =	ssyncset.done @!p0 $0x0  }
0x4b: {  	[sflag:s0] =	ssyncadd.s32 @!p0 s1  }
0x4c: {  	[bflag:$0x3] =	sbarrier.arrive $0xFFFF  }
0x4d: {  	_ =	shalt  }

</sc_bundles>
